<compile_context>
chip_gen: v7x
topology: tpu7x:2x2x1
jax: 0.10.2.dev20260603
libtpu: 0.0.44.dev20260713+nightly
codegen_flags: <defaults>
</compile_context>

<pallas_src>
import functools

import jax
import jax.numpy as jnp
from jax import lax
from jax.experimental import pallas as pl
from jax.experimental.pallas import tpu as pltpu
from jax.experimental.pallas import tpu_sc as plsc

BN_EPS = 1e-5



def _dense_tail(hnew, w_ref, wl_ref, wr_ref, zelr_ref, era_ref, cm_ref):
    z = jnp.dot(hnew, w_ref[...], preferred_element_type=jnp.float32)
    el = jnp.dot(z, wl_ref[...], preferred_element_type=jnp.float32)
    er = jnp.dot(z, wr_ref[...], preferred_element_type=jnp.float32)
    zelr_ref[...] = jnp.concatenate([z, el], axis=1)
    era_ref[...] = er
    bm = jnp.stack([jnp.max(el, axis=0), jnp.max(er, axis=0)])

    @pl.when(pl.program_id(0) == 0)
    def _():
        cm_ref[...] = bm

    @pl.when(pl.program_id(0) != 0)
    def _():
        cm_ref[...] = jnp.maximum(cm_ref[...], bm)


def _first_body(x_ref, wemb_ref, bemb_ref, w_ref, wl_ref, wr_ref,
                zelr_ref, era_ref, cm_ref, h_ref):
    h = jnp.dot(x_ref[...], wemb_ref[...],
                preferred_element_type=jnp.float32) + bemb_ref[...]
    h_ref[...] = h
    _dense_tail(h, w_ref, wl_ref, wr_ref, zelr_ref, era_ref, cm_ref)


def _merge_head(u0_ref, u1_ref, p_ref, gs_ref, bt_ref, hp_ref):
    ud = u0_ref[...] + u1_ref[...]
    u = ud[:, :128]
    den = ud[:, 128:] + 1e-16
    dexp = jnp.dot(den, p_ref[...], preferred_element_type=jnp.float32)
    agg = u / dexp
    neg = jnp.exp(jnp.minimum(agg, 0.0)) - 1.0
    out = jnp.where(agg > 0.0, agg, neg)
    return out * gs_ref[...] + bt_ref[...] + hp_ref[...]


def _mid_body(u0_ref, u1_ref, p_ref, gs_ref, bt_ref, hp_ref,
              w_ref, wl_ref, wr_ref, zelr_ref, era_ref, cm_ref, h_ref):
    h = _merge_head(u0_ref, u1_ref, p_ref, gs_ref, bt_ref, hp_ref)
    h_ref[...] = h
    _dense_tail(h, w_ref, wl_ref, wr_ref, zelr_ref, era_ref, cm_ref)


def _last_body(u0_ref, u1_ref, p_ref, gs_ref, bt_ref, hp_ref, o_ref):
    o_ref[...] = _merge_head(u0_ref, u1_ref, p_ref, gs_ref, bt_ref, hp_ref)


_RB = 2000


def _row_spec(cols):
    return pl.BlockSpec((_RB, cols), lambda i: (i, 0))


def _full_spec(r, cols):
    return pl.BlockSpec((r, cols), lambda i: (0, 0))


def _tail_out(n):
    return (
        [_row_spec(136), _row_spec(8), _full_spec(2, 8), _row_spec(128)],
        [jax.ShapeDtypeStruct((n, 136), jnp.float32),
         jax.ShapeDtypeStruct((n, 8), jnp.float32),
         jax.ShapeDtypeStruct((2, 8), jnp.float32),
         jax.ShapeDtypeStruct((n, 128), jnp.float32)],
    )


def _tc_first(x, wemb, bemb, w, wl, wr):
    n = x.shape[0]
    out_specs, out_shape = _tail_out(n)
    return pl.pallas_call(
        _first_body,
        grid=(n // _RB,),
        in_specs=[
            _row_spec(128), _full_spec(128, 128), _full_spec(1, 128),
            _full_spec(128, 128), _full_spec(128, 8), _full_spec(128, 8),
        ],
        out_specs=out_specs,
        out_shape=out_shape,
    )(x, wemb, bemb.reshape(1, 128), w, wl, wr)


def _tc_mid(u2, p, gs, bt, hp, w, wl, wr):
    n = hp.shape[0]
    out_specs, out_shape = _tail_out(n)
    return pl.pallas_call(
        _mid_body,
        grid=(n // _RB,),
        in_specs=[
            _row_spec(136), _row_spec(136), _full_spec(8, 128),
            _full_spec(1, 128), _full_spec(1, 128), _row_spec(128),
            _full_spec(128, 128), _full_spec(128, 8), _full_spec(128, 8),
        ],
        out_specs=out_specs,
        out_shape=out_shape,
    )(u2[0], u2[1], p, gs, bt, hp, w, wl, wr)


def _tc_last(u2, p, gs, bt, hp):
    n = hp.shape[0]
    return pl.pallas_call(
        _last_body,
        grid=(n // _RB,),
        in_specs=[
            _row_spec(136), _row_spec(136), _full_spec(8, 128),
            _full_spec(1, 128), _full_spec(1, 128), _row_spec(128),
        ],
        out_specs=_row_spec(128),
        out_shape=jax.ShapeDtypeStruct((n, 128), jnp.float32),
    )(u2[0], u2[1], p, gs, bt, hp)



_B = 80
_GDN = lax.GatherDimensionNumbers(offset_dims=(), collapsed_slice_dims=(0,),
                                  start_index_map=(0,))


def _sc_edge_body(heads, n, e, zelr, era, c2, src, dst, z136,
                  u2,
                  u_acc, srcv0, srcv1, dstv0, dstv1,
                  zelg0, zelg1, erg0, erg1, wz0, wz1, dsc0, dsc1, cexp,
                  sg0, sg1, si0, si1, ws0, ws1):
    nsub = 16
    rows_per = 1000
    edges_per = e // (2 * nsub)
    nblk = edges_per // _B
    c = lax.axis_index("c")
    s = lax.axis_index("s")
    r0 = s * rows_per
    srcv = (srcv0, srcv1)
    dstv = (dstv0, dstv1)
    zelg = (zelg0, zelg1)
    erg = (erg0, erg1)
    sg = (sg0, sg1)
    si = (si0, si1)
    wzb = (wz0, wz1)
    dsc = (dsc0, dsc1)
    ws = (ws0, ws1)
    ebase = (c * nsub + s) * edges_per

    @pl.when(s < n // rows_per)
    def _():
        pltpu.sync_copy(z136, u_acc.at[pl.ds(r0, rows_per)])

    pltpu.sync_copy(c2, cexp)

    plsc.subcore_barrier()

    for p in (0, 1):
        pltpu.sync_copy(z136.at[pl.ds(0, _B)], wzb[p])
        pltpu.sync_copy(src.at[pl.ds(0, _B)], dsc[p])
        pltpu.async_copy(wzb[p], u_acc.at[dsc[p]], ws[p], add=True)

    iota = lax.iota(jnp.int32, 16)
    hmap = [hh if heads > 1 else 0 for hh in range(8)]

    def issue_idx(bi, p):
        base = ebase + bi * _B
        pltpu.async_copy(src.at[pl.ds(base, _B)], srcv[p], si[p])
        pltpu.async_copy(dst.at[pl.ds(base, _B)], dstv[p], si[p])

    def drain_idx(p):
        pltpu.make_async_copy(src.at[pl.ds(0, _B)], srcv[p], si[p]).wait()
        pltpu.make_async_copy(dst.at[pl.ds(0, _B)], dstv[p], si[p]).wait()

    def issue_gathers(p):
        pltpu.async_copy(zelr.at[srcv[p]], zelg[p], sg[p])
        pltpu.async_copy(era.at[dstv[p]], erg[p], sg[p])

    def drain_gathers(p):
        pltpu.make_async_copy(zelr.at[pl.ds(0, _B)], zelg[p], sg[p]).wait()
        pltpu.make_async_copy(era.at[pl.ds(0, _B)], erg[p], sg[p]).wait()

    cvv = cexp[...]
    erow = iota // 8
    hcol = iota % 8

    def compute_block(p):
        zg = zelg[p]
        eg = erg[p]
        dv = dstv[p]
        wz = wzb[p]

        pltpu.make_async_copy(wz, u_acc.at[pl.ds(0, _B)], ws[p]).wait()

        def fuse_blk(k, carry2):
            rows = erow + 2 * k
            x = (plsc.load_gather(zg, [rows, 128 + hcol])
                 + plsc.load_gather(eg, [rows, hcol]))
            x = jnp.maximum(x, 0.2 * x)
            v = jnp.exp(x - cvv)
            plsc.store_scatter(wz, [rows, 128 + hcol], v)
            for e01 in range(2):
                ei = 2 * k + e01
                for h in range(8):
                    lane = jnp.full((16, 1), 8 * e01 + hmap[h], jnp.int32)
                    w = lax.gather(
                        v, lane, _GDN, slice_sizes=(1,),
                        mode=lax.GatherScatterMode.PROMISE_IN_BOUNDS)
                    wz[ei, pl.ds(16 * h, 16)] = w * zg[ei, pl.ds(16 * h, 16)]
            return carry2

        lax.fori_loop(0, _B // 2, fuse_blk, 0, unroll=False)
        for j in range(_B // 16):
            dsc[p][pl.ds(16 * j, 16)] = dv[pl.ds(16 * j, 16)]
        pltpu.async_copy(wz, u_acc.at[dsc[p]], ws[p], add=True)

    issue_idx(0, 0)
    issue_idx(1, 1)
    drain_idx(0)
    issue_gathers(0)

    def grp(g, carry):
        for p in (0, 1):
            b = 2 * g + p
            drain_idx(1 - p)
            issue_gathers(1 - p)
            drain_gathers(p)
            compute_block(p)
            issue_idx(b + 2, p)
        return carry

    lax.fori_loop(0, (nblk - 3) // 2, grp, 0, unroll=False)
    drain_idx(1)
    issue_gathers(1)
    drain_gathers(0)
    compute_block(0)
    issue_idx(nblk - 1, 0)
    drain_idx(0)
    issue_gathers(0)
    drain_gathers(1)
    compute_block(1)
    drain_gathers(0)
    compute_block(0)

    for p in (0, 1):
        pltpu.make_async_copy(wzb[p], u_acc.at[pl.ds(0, _B)], ws[p]).wait()

    plsc.subcore_barrier()

    @pl.when(s < n // rows_per)
    def _():
        pltpu.sync_copy(u_acc.at[pl.ds(r0, rows_per)],
                        u2.at[c, pl.ds(r0, rows_per)])


@functools.partial(jax.jit, static_argnums=(0,))
def _sc_edge(heads, zelr, era, c2, src, dst, z136):
    n = zelr.shape[0]
    e = src.shape[0]
    mesh = plsc.VectorSubcoreMesh(core_axis_name="c", subcore_axis_name="s",
                                  num_cores=2, num_subcores=16)
    body = functools.partial(_sc_edge_body, heads, n, e)
    f = pl.kernel(
        body,
        out_type=[
            jax.ShapeDtypeStruct((2, n, 136), jnp.float32),
        ],
        mesh=mesh,
        compiler_params=pltpu.CompilerParams(use_tc_tiling_on_sc=False, needs_layout_passes=False),
        scratch_types=[
            pltpu.VMEM_SHARED((n, 136), jnp.float32),
            pltpu.VMEM((_B,), jnp.int32),
            pltpu.VMEM((_B,), jnp.int32),
            pltpu.VMEM((_B,), jnp.int32),
            pltpu.VMEM((_B,), jnp.int32),
            pltpu.VMEM((_B, 136), jnp.float32),
            pltpu.VMEM((_B, 136), jnp.float32),
            pltpu.VMEM((_B, 8), jnp.float32),
            pltpu.VMEM((_B, 8), jnp.float32),
            pltpu.VMEM((_B, 136), jnp.float32),
            pltpu.VMEM((_B, 136), jnp.float32),
            pltpu.VMEM((_B,), jnp.int32),
            pltpu.VMEM((_B,), jnp.int32),
            pltpu.VMEM((16,), jnp.float32),
            pltpu.SemaphoreType.DMA,
            pltpu.SemaphoreType.DMA,
            pltpu.SemaphoreType.DMA,
            pltpu.SemaphoreType.DMA,
            pltpu.SemaphoreType.DMA,
            pltpu.SemaphoreType.DMA,
        ],
    )
    return f(zelr, era, c2, src, dst, z136)




def _expand_att(a):
    heads, outd = a.shape
    k = jnp.arange(128)
    m = (k[:, None] // outd == jnp.arange(8)[None, :]).astype(jnp.float32)
    return m * a.reshape(-1)[:, None]


def _expand_p(outd):
    return (jnp.arange(8)[:, None] == (jnp.arange(128)[None, :] // outd)
            ).astype(jnp.float32)


def kernel(feature, edge_index, W_emb, b_emb, W1, al1, ar1, g1, bt1,
           W2, al2, ar2, g2, bt2, W3, al3, ar3, g3, bt3,
           W4, al4, ar4, g4, bt4):
    n = feature.shape[0]
    src = edge_index[0]
    dst = edge_index[1]
    z136 = jnp.zeros((1000, 136), jnp.float32)
    bn_scale = 1.0 / jnp.sqrt(1.0 + BN_EPS)

    layers = [(W1, al1, ar1, g1, bt1, 8), (W2, al2, ar2, g2, bt2, 8),
              (W3, al3, ar3, g3, bt3, 8), (W4, al4, ar4, g4, bt4, 1)]
    zelr, era, cm, h = _tc_first(feature, W_emb, b_emb.reshape(1, 128),
                                 W1, _expand_att(al1), _expand_att(ar1))
    for i, (w, al, ar, g, bt, heads) in enumerate(layers):
        outd = 128 // heads
        cc = cm[0] + cm[1]
        shift = jnp.maximum(cc, 0.2 * cc)
        c2 = jnp.tile(shift, 2)
        (u2,) = _sc_edge(heads, zelr, era, c2, src, dst, z136)
        gs = (g * bn_scale).reshape(1, 128)
        btr = bt.reshape(1, 128)
        if i < 3:
            nw, nal, nar, _, _, _ = layers[i + 1]
            zelr, era, cm, h = _tc_mid(u2, _expand_p(outd), gs, btr, h,
                                       nw, _expand_att(nal), _expand_att(nar))
        else:
            h = _tc_last(u2, _expand_p(outd), gs, btr, h)
    return h

# --- scband reference (transcript-rebuilt; emitter-appended) ---
"""Pipeline reference for scband-gatnet-45844480918068 (READ-ONLY COPY).

The authoritative reference and input builder live on the scoring server;
editing this copy changes nothing except your own understanding.
"""

import jax, jax.numpy as jnp
import numpy as np

N = 10000
E = 320000
IN_DIM = 128
HID = 16
HEADS = 8
OUT_DIM = 128
BN_EPS = 1e-5

def _w(key, shape, scale=0.05):
    return scale * jax.random.normal(key, shape, dtype=jnp.float32)

def setup_inputs(seed: int = 0):
    key = jax.random.key(seed)
    ks = jax.random.split(key, 32)
    inp = {}
    inp['feature'] = jax.random.normal(ks[0], (N, IN_DIM), dtype=jnp.float32)
    inp['edge_index'] = jax.random.randint(ks[1], (2, E), 0, N, dtype=jnp.int32)
    inp['W_emb'] = _w(ks[2], (IN_DIM, HID * HEADS))
    inp['b_emb'] = jnp.zeros((HID * HEADS,), dtype=jnp.float32)
    specs = [(HID * HEADS, HID, HEADS), (HID * HEADS, HID, HEADS), (HID * HEADS, HID, HEADS), (HID * HEADS, OUT_DIM, 1)]
    k = 3
    for i, (ind, outd, heads) in enumerate(specs, start=1):
        inp['W%d' % i] = _w(ks[k], (ind, heads * outd)); k += 1
        inp['al%d' % i] = _w(ks[k], (heads, outd)); k += 1
        inp['ar%d' % i] = _w(ks[k], (heads, outd)); k += 1
        inp['g%d' % i] = jnp.ones((heads * outd,), dtype=jnp.float32)
        inp['bt%d' % i] = jnp.zeros((heads * outd,), dtype=jnp.float32)
    return inp

def _gat_layer(h, src, dst, W, al, ar, gamma, beta, heads, outd):
    n = h.shape[0]
    h_in = h
    z = (h @ W).reshape(n, heads, outd)
    el = jnp.einsum('nhd,hd->nh', z, al)
    er = jnp.einsum('nhd,hd->nh', z, ar)
    e = jax.nn.leaky_relu(el[src] + er[dst], 0.2)
    emax = jax.ops.segment_max(e, dst, num_segments=n)
    emax = jnp.where(jnp.isfinite(emax), emax, 0.0)
    ee = jnp.exp(e - emax[dst])
    denom = jax.ops.segment_sum(ee, dst, num_segments=n)
    alpha = ee / (denom[dst] + 1e-16)
    agg = jax.ops.segment_sum(z[src] * alpha[:, :, None], dst, num_segments=n)
    out = jax.nn.elu(agg.reshape(n, heads * outd))
    out = out * gamma / jnp.sqrt(1.0 + BN_EPS) + beta
    if h_in.shape[-1] == out.shape[-1]:
        out = out + h_in
    return out

def reference(feature, edge_index, W_emb, b_emb, W1, al1, ar1, g1, bt1, W2, al2, ar2, g2, bt2, W3, al3, ar3, g3, bt3, W4, al4, ar4, g4, bt4):
    src = edge_index[0]
    dst = edge_index[1]
    h = feature @ W_emb + b_emb
    h = _gat_layer(h, src, dst, W1, al1, ar1, g1, bt1, HEADS, HID)
    h = _gat_layer(h, src, dst, W2, al2, ar2, g2, bt2, HEADS, HID)
    h = _gat_layer(h, src, dst, W3, al3, ar3, g3, bt3, HEADS, HID)
    h = _gat_layer(h, src, dst, W4, al4, ar4, g4, bt4, 1, OUT_DIM)
    return h

if __name__ == "__main__":
    import jax
    _d = setup_inputs()
    print(jax.jit(kernel)(*tuple(_d.values())))

</pallas_src>

<mosaic_0001>
#map = affine_map<(d0, d1) -> (0, 0)>
#map1 = affine_map<(d0, d1) -> (0)>
#map2 = affine_map<(d0, d1) -> (0, 0, 0)>
module attributes {stable_mosaic.version = 14 : i64} {
  func.func @_sc_edge_body(%arg0: i32, %arg1: i32, %arg2: memref<10000x136xf32, #tpu.memory_space<hbm>>, %arg3: memref<10000x8xf32, #tpu.memory_space<hbm>>, %arg4: memref<16xf32, #tpu.memory_space<hbm>>, %arg5: memref<320000xi32, #tpu.memory_space<hbm>>, %arg6: memref<320000xi32, #tpu.memory_space<hbm>>, %arg7: memref<1000x136xf32, #tpu.memory_space<hbm>>, %arg8: memref<2x10000x136xf32, #tpu.memory_space<hbm>>, %arg9: memref<10000x136xf32, #tpu.memory_space<vmem_shared>>, %arg10: memref<80xi32, #tpu.memory_space<vmem>>, %arg11: memref<80xi32, #tpu.memory_space<vmem>>, %arg12: memref<80xi32, #tpu.memory_space<vmem>>, %arg13: memref<80xi32, #tpu.memory_space<vmem>>, %arg14: memref<80x136xf32, #tpu.memory_space<vmem>>, %arg15: memref<80x136xf32, #tpu.memory_space<vmem>>, %arg16: memref<80x8xf32, #tpu.memory_space<vmem>>, %arg17: memref<80x8xf32, #tpu.memory_space<vmem>>, %arg18: memref<80x136xf32, #tpu.memory_space<vmem>>, %arg19: memref<80x136xf32, #tpu.memory_space<vmem>>, %arg20: memref<80xi32, #tpu.memory_space<vmem>>, %arg21: memref<80xi32, #tpu.memory_space<vmem>>, %arg22: memref<16xf32, #tpu.memory_space<vmem>>, %arg23: memref<!tpu.dma_semaphore, #tpu.memory_space<semaphore_mem>>, %arg24: memref<!tpu.dma_semaphore, #tpu.memory_space<semaphore_mem>>, %arg25: memref<!tpu.dma_semaphore, #tpu.memory_space<semaphore_mem>>, %arg26: memref<!tpu.dma_semaphore, #tpu.memory_space<semaphore_mem>>, %arg27: memref<!tpu.dma_semaphore, #tpu.memory_space<semaphore_mem>>, %arg28: memref<!tpu.dma_semaphore, #tpu.memory_space<semaphore_mem>>) attributes {dimension_semantics = [#tpu.dimension_semantics<core_parallel>, #tpu.dimension_semantics<subcore_parallel>], iteration_bounds = array<i64: 2, 16>, scalar_prefetch = 0 : i64, scratch_operands = 20 : i64, tpu.core_type = #tpu.core_type<sc_vector_subcore>, window_params = [{transform_indices = #map}, {transform_indices = #map}, {transform_indices = #map1}, {transform_indices = #map1}, {transform_indices = #map1}, {transform_indices = #map}, {transform_indices = #map2}]} {
    %mul3A = arith.constant 1000 : i32
    %mul3A_0 = arith.muli %arg1, %mul3A : i32
    %mul3A_1 = arith.constant 16 : i32
    %mul3A_2 = arith.muli %arg0, %mul3A_1 : i32
    %add3A = arith.addi %mul3A_2, %arg1 : i32
    %mul3A_3 = arith.constant 10000 : i32
    %mul3A_4 = arith.muli %add3A, %mul3A_3 : i32
    %lt3A = arith.constant 10 : i32
    %lt3A_5 = arith.cmpi slt, %arg1, %lt3A : i32
    %convert_element_type3A = arith.extui %lt3A_5 : i1 to i32
    %cond3A = arith.constant 0 : i32
    %cond3A_6 = arith.cmpi ne, %convert_element_type3A, %cond3A : i32
    scf.if %cond3A_6 {
      "tpu.region"() ({
        %run_scoped3A = tpu.sem_alloc : memref<!tpu.dma_semaphore, #tpu.memory_space<semaphore_mem>>
        %dma_start3A_279 = arith.constant 0 : i32
        %dma_start3A_280 = tpu.memref_slice %arg9[%mul3A_0, %dma_start3A_279] : memref<10000x136xf32, #tpu.memory_space<vmem_shared>> -> memref<1000x136xf32, #tpu.memory_space<vmem_shared>>
        tpu.enqueue_dma source(%arg7 : memref<1000x136xf32, #tpu.memory_space<hbm>>) target(%dma_start3A_280 : memref<1000x136xf32, #tpu.memory_space<vmem_shared>>) target_semaphore(%run_scoped3A : memref<!tpu.dma_semaphore, #tpu.memory_space<semaphore_mem>>)
        %dma_wait3A_281 = arith.constant 0 : i32
        %dma_wait3A_282 = tpu.memref_slice %arg9[%mul3A_0, %dma_wait3A_281] : memref<10000x136xf32, #tpu.memory_space<vmem_shared>> -> memref<1000x136xf32, #tpu.memory_space<vmem_shared>>
        tpu.wait_dma2 semaphore(%run_scoped3A : memref<!tpu.dma_semaphore, #tpu.memory_space<semaphore_mem>>) src(%arg7 : memref<1000x136xf32, #tpu.memory_space<hbm>>) dst(%dma_wait3A_282 : memref<1000x136xf32, #tpu.memory_space<vmem_shared>>)
        tpu.yield
      }) : () -> ()
    } else {
    }
    "tpu.region"() ({
      %run_scoped3A = tpu.sem_alloc : memref<!tpu.dma_semaphore, #tpu.memory_space<semaphore_mem>>
      tpu.enqueue_dma source(%arg4 : memref<16xf32, #tpu.memory_space<hbm>>) target(%arg22 : memref<16xf32, #tpu.memory_space<vmem>>) target_semaphore(%run_scoped3A : memref<!tpu.dma_semaphore, #tpu.memory_space<semaphore_mem>>)
      tpu.wait_dma2 semaphore(%run_scoped3A : memref<!tpu.dma_semaphore, #tpu.memory_space<semaphore_mem>>) src(%arg4 : memref<16xf32, #tpu.memory_space<hbm>>) dst(%arg22 : memref<16xf32, #tpu.memory_space<vmem>>)
      tpu.yield
    }) : () -> ()
    %barrier3A = arith.constant 0 : index
    tpu.barrier barrier_id(%barrier3A)
    "tpu.region"() ({
      %run_scoped3A = tpu.sem_alloc : memref<!tpu.dma_semaphore, #tpu.memory_space<semaphore_mem>>
      %dma_start3A_279 = arith.constant 0 : i32
      %dma_start3A_280 = arith.constant 0 : i32
      %dma_start3A_281 = tpu.memref_slice %arg7[%dma_start3A_279, %dma_start3A_280] : memref<1000x136xf32, #tpu.memory_space<hbm>> -> memref<80x136xf32, #tpu.memory_space<hbm>>
      %dma_start3A_282 = arith.constant 0 : i32
      %dma_start3A_283 = arith.constant 0 : i32
      %dma_start3A_284 = tpu.memref_slice %arg7[%dma_start3A_282, %dma_start3A_283] : memref<1000x136xf32, #tpu.memory_space<hbm>> -> memref<80x136xf32, #tpu.memory_space<hbm>>
      tpu.enqueue_dma source(%dma_start3A_284 : memref<80x136xf32, #tpu.memory_space<hbm>>) target(%arg18 : memref<80x136xf32, #tpu.memory_space<vmem>>) target_semaphore(%run_scoped3A : memref<!tpu.dma_semaphore, #tpu.memory_space<semaphore_mem>>)
      %dma_wait3A_285 = arith.constant 0 : i32
      %dma_wait3A_286 = arith.constant 0 : i32
      %dma_wait3A_287 = tpu.memref_slice %arg7[%dma_wait3A_285, %dma_wait3A_286] : memref<1000x136xf32, #tpu.memory_space<hbm>> -> memref<80x136xf32, #tpu.memory_space<hbm>>
      %dma_wait3A_288 = arith.constant 0 : i32
      %dma_wait3A_289 = arith.constant 0 : i32
      %dma_wait3A_290 = tpu.memref_slice %arg7[%dma_wait3A_288, %dma_wait3A_289] : memref<1000x136xf32, #tpu.memory_space<hbm>> -> memref<80x136xf32, #tpu.memory_space<hbm>>
      tpu.wait_dma2 semaphore(%run_scoped3A : memref<!tpu.dma_semaphore, #tpu.memory_space<semaphore_mem>>) src(%dma_wait3A_290 : memref<80x136xf32, #tpu.memory_space<hbm>>) dst(%arg18 : memref<80x136xf32, #tpu.memory_space<vmem>>)
      tpu.yield
    }) : () -> ()
    "tpu.region"() ({
      %run_scoped3A = tpu.sem_alloc : memref<!tpu.dma_semaphore, #tpu.memory_space<semaphore_mem>>
      %dma_start3A_279 = arith.constant 0 : i32
      %dma_start3A_280 = tpu.memref_slice %arg5[%dma_start3A_279] : memref<320000xi32, #tpu.memory_space<hbm>> -> memref<80xi32, #tpu.memory_space<hbm>>
      %dma_start3A_281 = arith.constant 0 : i32
      %dma_start3A_282 = tpu.memref_slice %arg5[%dma_start3A_281] : memref<320000xi32, #tpu.memory_space<hbm>> -> memref<80xi32, #tpu.memory_space<hbm>>
      tpu.enqueue_dma source(%dma_start3A_282 : memref<80xi32, #tpu.memory_space<hbm>>) target(%arg20 : memref<80xi32, #tpu.memory_space<vmem>>) target_semaphore(%run_scoped3A : memref<!tpu.dma_semaphore, #tpu.memory_space<semaphore_mem>>)
      %dma_wait3A_283 = arith.constant 0 : i32
      %dma_wait3A_284 = tpu.memref_slice %arg5[%dma_wait3A_283] : memref<320000xi32, #tpu.memory_space<hbm>> -> memref<80xi32, #tpu.memory_space<hbm>>
      %dma_wait3A_285 = arith.constant 0 : i32
      %dma_wait3A_286 = tpu.memref_slice %arg5[%dma_wait3A_285] : memref<320000xi32, #tpu.memory_space<hbm>> -> memref<80xi32, #tpu.memory_space<hbm>>
      tpu.wait_dma2 semaphore(%run_scoped3A : memref<!tpu.dma_semaphore, #tpu.memory_space<semaphore_mem>>) src(%dma_wait3A_286 : memref<80xi32, #tpu.memory_space<hbm>>) dst(%arg20 : memref<80xi32, #tpu.memory_space<vmem>>)
      tpu.yield
    }) : () -> ()
    %dma_start3A = arith.constant 0 : i32
    %dma_start3A_7 = arith.constant 0 : i32
    %dma_start3A_8 = tpu.memref_slice %arg9[%dma_start3A, %dma_start3A_7] : memref<10000x136xf32, #tpu.memory_space<vmem_shared>> -> memref<10000x136xf32, #tpu.memory_space<vmem_shared>>
    tpu.enqueue_indirect_dma source(%arg18 : memref<80x136xf32, #tpu.memory_space<vmem>>) target(%dma_start3A_8 : memref<10000x136xf32, #tpu.memory_space<vmem_shared>>) offsets(%arg20 : memref<80xi32, #tpu.memory_space<vmem>>) semaphore(%arg27 : memref<!tpu.dma_semaphore, #tpu.memory_space<semaphore_mem>>) {add = true}
    "tpu.region"() ({
      %run_scoped3A = tpu.sem_alloc : memref<!tpu.dma_semaphore, #tpu.memory_space<semaphore_mem>>
      %dma_start3A_279 = arith.constant 0 : i32
      %dma_start3A_280 = arith.constant 0 : i32
      %dma_start3A_281 = tpu.memref_slice %arg7[%dma_start3A_279, %dma_start3A_280] : memref<1000x136xf32, #tpu.memory_space<hbm>> -> memref<80x136xf32, #tpu.memory_space<hbm>>
      %dma_start3A_282 = arith.constant 0 : i32
      %dma_start3A_283 = arith.constant 0 : i32
      %dma_start3A_284 = tpu.memref_slice %arg7[%dma_start3A_282, %dma_start3A_283] : memref<1000x136xf32, #tpu.memory_space<hbm>> -> memref<80x136xf32, #tpu.memory_space<hbm>>
      tpu.enqueue_dma source(%dma_start3A_284 : memref<80x136xf32, #tpu.memory_space<hbm>>) target(%arg19 : memref<80x136xf32, #tpu.memory_space<vmem>>) target_semaphore(%run_scoped3A : memref<!tpu.dma_semaphore, #tpu.memory_space<semaphore_mem>>)
      %dma_wait3A_285 = arith.constant 0 : i32
      %dma_wait3A_286 = arith.constant 0 : i32
      %dma_wait3A_287 = tpu.memref_slice %arg7[%dma_wait3A_285, %dma_wait3A_286] : memref<1000x136xf32, #tpu.memory_space<hbm>> -> memref<80x136xf32, #tpu.memory_space<hbm>>
      %dma_wait3A_288 = arith.constant 0 : i32
      %dma_wait3A_289 = arith.constant 0 : i32
      %dma_wait3A_290 = tpu.memref_slice %arg7[%dma_wait3A_288, %dma_wait3A_289] : memref<1000x136xf32, #tpu.memory_space<hbm>> -> memref<80x136xf32, #tpu.memory_space<hbm>>
      tpu.wait_dma2 semaphore(%run_scoped3A : memref<!tpu.dma_semaphore, #tpu.memory_space<semaphore_mem>>) src(%dma_wait3A_290 : memref<80x136xf32, #tpu.memory_space<hbm>>) dst(%arg19 : memref<80x136xf32, #tpu.memory_space<vmem>>)
      tpu.yield
    }) : () -> ()
    "tpu.region"() ({
      %run_scoped3A = tpu.sem_alloc : memref<!tpu.dma_semaphore, #tpu.memory_space<semaphore_mem>>
      %dma_start3A_279 = arith.constant 0 : i32
      %dma_start3A_280 = tpu.memref_slice %arg5[%dma_start3A_279] : memref<320000xi32, #tpu.memory_space<hbm>> -> memref<80xi32, #tpu.memory_space<hbm>>
      %dma_start3A_281 = arith.constant 0 : i32
      %dma_start3A_282 = tpu.memref_slice %arg5[%dma_start3A_281] : memref<320000xi32, #tpu.memory_space<hbm>> -> memref<80xi32, #tpu.memory_space<hbm>>
      tpu.enqueue_dma source(%dma_start3A_282 : memref<80xi32, #tpu.memory_space<hbm>>) target(%arg21 : memref<80xi32, #tpu.memory_space<vmem>>) target_semaphore(%run_scoped3A : memref<!tpu.dma_semaphore, #tpu.memory_space<semaphore_mem>>)
      %dma_wait3A_283 = arith.constant 0 : i32
      %dma_wait3A_284 = tpu.memref_slice %arg5[%dma_wait3A_283] : memref<320000xi32, #tpu.memory_space<hbm>> -> memref<80xi32, #tpu.memory_space<hbm>>
      %dma_wait3A_285 = arith.constant 0 : i32
      %dma_wait3A_286 = tpu.memref_slice %arg5[%dma_wait3A_285] : memref<320000xi32, #tpu.memory_space<hbm>> -> memref<80xi32, #tpu.memory_space<hbm>>
      tpu.wait_dma2 semaphore(%run_scoped3A : memref<!tpu.dma_semaphore, #tpu.memory_space<semaphore_mem>>) src(%dma_wait3A_286 : memref<80xi32, #tpu.memory_space<hbm>>) dst(%arg21 : memref<80xi32, #tpu.memory_space<vmem>>)
      tpu.yield
    }) : () -> ()
    %dma_start3A_9 = arith.constant 0 : i32
    %dma_start3A_10 = arith.constant 0 : i32
    %dma_start3A_11 = tpu.memref_slice %arg9[%dma_start3A_9, %dma_start3A_10] : memref<10000x136xf32, #tpu.memory_space<vmem_shared>> -> memref<10000x136xf32, #tpu.memory_space<vmem_shared>>
    tpu.enqueue_indirect_dma source(%arg19 : memref<80x136xf32, #tpu.memory_space<vmem>>) target(%dma_start3A_11 : memref<10000x136xf32, #tpu.memory_space<vmem_shared>>) offsets(%arg21 : memref<80xi32, #tpu.memory_space<vmem>>) semaphore(%arg28 : memref<!tpu.dma_semaphore, #tpu.memory_space<semaphore_mem>>) {add = true}
    %iota3A = tpu.iota {dimensions = array<i32: 0>} : vector<16xi32>
    %get3A = arith.constant 0 : index
    %get3A_12 = tpu.vector_load %arg22[%get3A] {strides = array<i32>} : memref<16xf32, #tpu.memory_space<vmem>>, vector<16xf32>,
    %jit3A = arith.constant 8 : i32
    %div3A = vector.broadcast %jit3A : i32 to vector<16xi32>
    %div3A_13 = arith.divsi %iota3A, %div3A : vector<16xi32>
    %sign3A = arith.constant 0 : i32
    %sign3A_14 = vector.broadcast %sign3A : i32 to vector<16xi32>
    %sign3A_15 = arith.cmpi sgt, %iota3A, %sign3A_14 : vector<16xi32>
    %sign3A_16 = arith.extui %sign3A_15 : vector<16xi1> to vector<16xi32>
    %sign3A_17 = arith.constant 0 : i32
    %sign3A_18 = vector.broadcast %sign3A_17 : i32 to vector<16xi32>
    %sign3A_19 = arith.cmpi slt, %iota3A, %sign3A_18 : vector<16xi32>
    %sign3A_20 = arith.extui %sign3A_19 : vector<16xi1> to vector<16xi32>
    %sign3A_21 = arith.subi %sign3A_16, %sign3A_20 : vector<16xi32>
    %sign3A_22 = arith.constant 0 : i32
    %sign3A_23 = arith.cmpi sgt, %jit3A, %sign3A_22 : i32
    %sign3A_24 = arith.extui %sign3A_23 : i1 to i32
    %sign3A_25 = arith.constant 0 : i32
    %sign3A_26 = arith.cmpi slt, %jit3A, %sign3A_25 : i32
    %sign3A_27 = arith.extui %sign3A_26 : i1 to i32
    %sign3A_28 = arith.subi %sign3A_24, %sign3A_27 : i32
    %ne3A = vector.broadcast %sign3A_28 : i32 to vector<16xi32>
    %ne3A_29 = arith.cmpi ne, %sign3A_21, %ne3A : vector<16xi32>
    %rem3A = vector.broadcast %jit3A : i32 to vector<16xi32>
    %rem3A_30 = arith.remsi %iota3A, %rem3A : vector<16xi32>
    %ne3A_31 = arith.constant 0 : i32
    %ne3A_32 = vector.broadcast %ne3A_31 : i32 to vector<16xi32>
    %ne3A_33 = arith.cmpi ne, %rem3A_30, %ne3A_32 : vector<16xi32>
    %and3A = arith.andi %ne3A_29, %ne3A_33 : vector<16xi1>
    %sub3A = arith.constant 1 : i32
    %sub3A_34 = vector.broadcast %sub3A : i32 to vector<16xi32>
    %sub3A_35 = arith.subi %div3A_13, %sub3A_34 : vector<16xi32>
    %select_n3A = arith.select %and3A, %sub3A_35, %div3A_13 : vector<16xi1>, vector<16xi32>
    %jit3A_36 = arith.constant 8 : i32
    %eq3A = arith.constant 0 : i32
    %eq3A_37 = arith.cmpi eq, %jit3A_36, %eq3A : i32
    %jit3A_38 = arith.constant 1 : i32
    %select_n3A_39 = arith.select %eq3A_37, %jit3A_38, %jit3A_36 : i32
    %rem3A_40 = vector.broadcast %select_n3A_39 : i32 to vector<16xi32>
    %rem3A_41 = arith.remsi %iota3A, %rem3A_40 : vector<16xi32>
    %ne3A_42 = arith.constant 0 : i32
    %ne3A_43 = vector.broadcast %ne3A_42 : i32 to vector<16xi32>
    %ne3A_44 = arith.cmpi ne, %rem3A_41, %ne3A_43 : vector<16xi32>
    %lt3A_45 = arith.constant 0 : i32
    %lt3A_46 = vector.broadcast %lt3A_45 : i32 to vector<16xi32>
    %lt3A_47 = arith.cmpi slt, %rem3A_41, %lt3A_46 : vector<16xi32>
    %lt3A_48 = arith.constant 0 : i32
    %lt3A_49 = arith.cmpi slt, %select_n3A_39, %lt3A_48 : i32
    %ne3A_50 = vector.broadcast %lt3A_49 : i1 to vector<16xi1>
    %ne3A_51 = vector.broadcast %ne3A_50 : vector<16xi1> to vector<16xi1>
    %ne3A_52 = arith.xori %lt3A_47, %ne3A_51 : vector<16xi1>
    %and3A_53 = arith.andi %ne3A_52, %ne3A_44 : vector<16xi1>
    %add3A_54 = vector.broadcast %select_n3A_39 : i32 to vector<16xi32>
    %add3A_55 = arith.addi %rem3A_41, %add3A_54 : vector<16xi32>
    %select_n3A_56 = arith.select %and3A_53, %add3A_55, %rem3A_41 : vector<16xi1>, vector<16xi32>
    %add3A_57 = arith.constant 0 : i32
    %add3A_58 = arith.addi %mul3A_4, %add3A_57 : i32
    %dma_start3A_59 = tpu.memref_slice %arg5[%add3A_58] : memref<320000xi32, #tpu.memory_space<hbm>> -> memref<80xi32, #tpu.memory_space<hbm>>
    %dma_start3A_60 = tpu.memref_slice %arg5[%add3A_58] : memref<320000xi32, #tpu.memory_space<hbm>> -> memref<80xi32, #tpu.memory_space<hbm>>
    tpu.enqueue_dma source(%dma_start3A_60 : memref<80xi32, #tpu.memory_space<hbm>>) target(%arg10 : memref<80xi32, #tpu.memory_space<vmem>>) target_semaphore(%arg25 : memref<!tpu.dma_semaphore, #tpu.memory_space<semaphore_mem>>)
    %dma_start3A_61 = tpu.memref_slice %arg6[%add3A_58] : memref<320000xi32, #tpu.memory_space<hbm>> -> memref<80xi32, #tpu.memory_space<hbm>>
    %dma_start3A_62 = tpu.memref_slice %arg6[%add3A_58] : memref<320000xi32, #tpu.memory_space<hbm>> -> memref<80xi32, #tpu.memory_space<hbm>>
    tpu.enqueue_dma source(%dma_start3A_62 : memref<80xi32, #tpu.memory_space<hbm>>) target(%arg12 : memref<80xi32, #tpu.memory_space<vmem>>) target_semaphore(%arg25 : memref<!tpu.dma_semaphore, #tpu.memory_space<semaphore_mem>>)
    %add3A_63 = arith.constant 80 : i32
    %add3A_64 = arith.addi %mul3A_4, %add3A_63 : i32
    %dma_start3A_65 = tpu.memref_slice %arg5[%add3A_64] : memref<320000xi32, #tpu.memory_space<hbm>> -> memref<80xi32, #tpu.memory_space<hbm>>
    %dma_start3A_66 = tpu.memref_slice %arg5[%add3A_64] : memref<320000xi32, #tpu.memory_space<hbm>> -> memref<80xi32, #tpu.memory_space<hbm>>
    tpu.enqueue_dma source(%dma_start3A_66 : memref<80xi32, #tpu.memory_space<hbm>>) target(%arg11 : memref<80xi32, #tpu.memory_space<vmem>>) target_semaphore(%arg26 : memref<!tpu.dma_semaphore, #tpu.memory_space<semaphore_mem>>)
    %dma_start3A_67 = tpu.memref_slice %arg6[%add3A_64] : memref<320000xi32, #tpu.memory_space<hbm>> -> memref<80xi32, #tpu.memory_space<hbm>>
    %dma_start3A_68 = tpu.memref_slice %arg6[%add3A_64] : memref<320000xi32, #tpu.memory_space<hbm>> -> memref<80xi32, #tpu.memory_space<hbm>>
    tpu.enqueue_dma source(%dma_start3A_68 : memref<80xi32, #tpu.memory_space<hbm>>) target(%arg13 : memref<80xi32, #tpu.memory_space<vmem>>) target_semaphore(%arg26 : memref<!tpu.dma_semaphore, #tpu.memory_space<semaphore_mem>>)
    %dma_wait3A = arith.constant 0 : i32
    %dma_wait3A_69 = tpu.memref_slice %arg5[%dma_wait3A] : memref<320000xi32, #tpu.memory_space<hbm>> -> memref<80xi32, #tpu.memory_space<hbm>>
    %dma_wait3A_70 = arith.constant 0 : i32
    %dma_wait3A_71 = tpu.memref_slice %arg5[%dma_wait3A_70] : memref<320000xi32, #tpu.memory_space<hbm>> -> memref<80xi32, #tpu.memory_space<hbm>>
    tpu.wait_dma2 semaphore(%arg25 : memref<!tpu.dma_semaphore, #tpu.memory_space<semaphore_mem>>) src(%dma_wait3A_71 : memref<80xi32, #tpu.memory_space<hbm>>) dst(%arg10 : memref<80xi32, #tpu.memory_space<vmem>>)
    %dma_wait3A_72 = arith.constant 0 : i32
    %dma_wait3A_73 = tpu.memref_slice %arg6[%dma_wait3A_72] : memref<320000xi32, #tpu.memory_space<hbm>> -> memref<80xi32, #tpu.memory_space<hbm>>
    %dma_wait3A_74 = arith.constant 0 : i32
    %dma_wait3A_75 = tpu.memref_slice %arg6[%dma_wait3A_74] : memref<320000xi32, #tpu.memory_space<hbm>> -> memref<80xi32, #tpu.memory_space<hbm>>
    tpu.wait_dma2 semaphore(%arg25 : memref<!tpu.dma_semaphore, #tpu.memory_space<semaphore_mem>>) src(%dma_wait3A_75 : memref<80xi32, #tpu.memory_space<hbm>>) dst(%arg12 : memref<80xi32, #tpu.memory_space<vmem>>)
    %dma_start3A_76 = arith.constant 0 : i32
    %dma_start3A_77 = arith.constant 0 : i32
    %dma_start3A_78 = tpu.memref_slice %arg2[%dma_start3A_76, %dma_start3A_77] : memref<10000x136xf32, #tpu.memory_space<hbm>> -> memref<10000x136xf32, #tpu.memory_space<hbm>>
    tpu.enqueue_indirect_dma source(%dma_start3A_78 : memref<10000x136xf32, #tpu.memory_space<hbm>>) target(%arg14 : memref<80x136xf32, #tpu.memory_space<vmem>>) offsets(%arg10 : memref<80xi32, #tpu.memory_space<vmem>>) semaphore(%arg23 : memref<!tpu.dma_semaphore, #tpu.memory_space<semaphore_mem>>)
    %dma_start3A_79 = arith.constant 0 : i32
    %dma_start3A_80 = arith.constant 0 : i32
    %dma_start3A_81 = tpu.memref_slice %arg3[%dma_start3A_79, %dma_start3A_80] : memref<10000x8xf32, #tpu.memory_space<hbm>> -> memref<10000x8xf32, #tpu.memory_space<hbm>>
    tpu.enqueue_indirect_dma source(%dma_start3A_81 : memref<10000x8xf32, #tpu.memory_space<hbm>>) target(%arg16 : memref<80x8xf32, #tpu.memory_space<vmem>>) offsets(%arg12 : memref<80xi32, #tpu.memory_space<vmem>>) semaphore(%arg23 : memref<!tpu.dma_semaphore, #tpu.memory_space<semaphore_mem>>)
    %scan3A = arith.constant 0 : i32
    %scan3A_82 = arith.constant 0 : i32
    %scan3A_83 = arith.constant 61 : i32
    %scan3A_84 = arith.addi %scan3A_82, %scan3A_83 : i32
    %scan3A_85 = arith.constant 1 : i32
    scf.for %scan3A_279 = %scan3A_82 to %scan3A_84 step %scan3A_85  : i32 {
      %mul3A_280 = arith.constant 2 : i32
      %mul3A_281 = arith.muli %mul3A_280, %scan3A_279 : i32
      %add3A_282 = arith.constant 0 : i32
      %add3A_283 = arith.addi %mul3A_281, %add3A_282 : i32
      %dma_wait3A_284 = arith.constant 0 : i32
      %dma_wait3A_285 = tpu.memref_slice %arg5[%dma_wait3A_284] : memref<320000xi32, #tpu.memory_space<hbm>> -> memref<80xi32, #tpu.memory_space<hbm>>
      %dma_wait3A_286 = arith.constant 0 : i32
      %dma_wait3A_287 = tpu.memref_slice %arg5[%dma_wait3A_286] : memref<320000xi32, #tpu.memory_space<hbm>> -> memref<80xi32, #tpu.memory_space<hbm>>
      tpu.wait_dma2 semaphore(%arg26 : memref<!tpu.dma_semaphore, #tpu.memory_space<semaphore_mem>>) src(%dma_wait3A_287 : memref<80xi32, #tpu.memory_space<hbm>>) dst(%arg11 : memref<80xi32, #tpu.memory_space<vmem>>)
      %dma_wait3A_288 = arith.constant 0 : i32
      %dma_wait3A_289 = tpu.memref_slice %arg6[%dma_wait3A_288] : memref<320000xi32, #tpu.memory_space<hbm>> -> memref<80xi32, #tpu.memory_space<hbm>>
      %dma_wait3A_290 = arith.constant 0 : i32
      %dma_wait3A_291 = tpu.memref_slice %arg6[%dma_wait3A_290] : memref<320000xi32, #tpu.memory_space<hbm>> -> memref<80xi32, #tpu.memory_space<hbm>>
      tpu.wait_dma2 semaphore(%arg26 : memref<!tpu.dma_semaphore, #tpu.memory_space<semaphore_mem>>) src(%dma_wait3A_291 : memref<80xi32, #tpu.memory_space<hbm>>) dst(%arg13 : memref<80xi32, #tpu.memory_space<vmem>>)
      %dma_start3A_292 = arith.constant 0 : i32
      %dma_start3A_293 = arith.constant 0 : i32
      %dma_start3A_294 = tpu.memref_slice %arg2[%dma_start3A_292, %dma_start3A_293] : memref<10000x136xf32, #tpu.memory_space<hbm>> -> memref<10000x136xf32, #tpu.memory_space<hbm>>
      tpu.enqueue_indirect_dma source(%dma_start3A_294 : memref<10000x136xf32, #tpu.memory_space<hbm>>) target(%arg15 : memref<80x136xf32, #tpu.memory_space<vmem>>) offsets(%arg11 : memref<80xi32, #tpu.memory_space<vmem>>) semaphore(%arg24 : memref<!tpu.dma_semaphore, #tpu.memory_space<semaphore_mem>>)
      %dma_start3A_295 = arith.constant 0 : i32
      %dma_start3A_296 = arith.constant 0 : i32
      %dma_start3A_297 = tpu.memref_slice %arg3[%dma_start3A_295, %dma_start3A_296] : memref<10000x8xf32, #tpu.memory_space<hbm>> -> memref<10000x8xf32, #tpu.memory_space<hbm>>
      tpu.enqueue_indirect_dma source(%dma_start3A_297 : memref<10000x8xf32, #tpu.memory_space<hbm>>) target(%arg17 : memref<80x8xf32, #tpu.memory_space<vmem>>) offsets(%arg13 : memref<80xi32, #tpu.memory_space<vmem>>) semaphore(%arg24 : memref<!tpu.dma_semaphore, #tpu.memory_space<semaphore_mem>>)
      %dma_wait3A_298 = arith.constant 0 : i32
      %dma_wait3A_299 = arith.constant 0 : i32
      %dma_wait3A_300 = tpu.memref_slice %arg2[%dma_wait3A_298, %dma_wait3A_299] : memref<10000x136xf32, #tpu.memory_space<hbm>> -> memref<80x136xf32, #tpu.memory_space<hbm>>
      %dma_wait3A_301 = arith.constant 0 : i32
      %dma_wait3A_302 = arith.constant 0 : i32
      %dma_wait3A_303 = tpu.memref_slice %arg2[%dma_wait3A_301, %dma_wait3A_302] : memref<10000x136xf32, #tpu.memory_space<hbm>> -> memref<80x136xf32, #tpu.memory_space<hbm>>
      tpu.wait_dma2 semaphore(%arg23 : memref<!tpu.dma_semaphore, #tpu.memory_space<semaphore_mem>>) src(%dma_wait3A_303 : memref<80x136xf32, #tpu.memory_space<hbm>>) dst(%arg14 : memref<80x136xf32, #tpu.memory_space<vmem>>)
      %dma_wait3A_304 = arith.constant 0 : i32
      %dma_wait3A_305 = arith.constant 0 : i32
      %dma_wait3A_306 = tpu.memref_slice %arg3[%dma_wait3A_304, %dma_wait3A_305] : memref<10000x8xf32, #tpu.memory_space<hbm>> -> memref<80x8xf32, #tpu.memory_space<hbm>>
      %dma_wait3A_307 = arith.constant 0 : i32
      %dma_wait3A_308 = arith.constant 0 : i32
      %dma_wait3A_309 = tpu.memref_slice %arg3[%dma_wait3A_307, %dma_wait3A_308] : memref<10000x8xf32, #tpu.memory_space<hbm>> -> memref<80x8xf32, #tpu.memory_space<hbm>>
      tpu.wait_dma2 semaphore(%arg23 : memref<!tpu.dma_semaphore, #tpu.memory_space<semaphore_mem>>) src(%dma_wait3A_309 : memref<80x8xf32, #tpu.memory_space<hbm>>) dst(%arg16 : memref<80x8xf32, #tpu.memory_space<vmem>>)
      %dma_wait3A_310 = arith.constant 0 : i32
      %dma_wait3A_311 = arith.constant 0 : i32
      %dma_wait3A_312 = tpu.memref_slice %arg9[%dma_wait3A_310, %dma_wait3A_311] : memref<10000x136xf32, #tpu.memory_space<vmem_shared>> -> memref<80x136xf32, #tpu.memory_space<vmem_shared>>
      %dma_wait3A_313 = arith.constant 0 : i32
      %dma_wait3A_314 = arith.constant 0 : i32
      %dma_wait3A_315 = tpu.memref_slice %arg9[%dma_wait3A_313, %dma_wait3A_314] : memref<10000x136xf32, #tpu.memory_space<vmem_shared>> -> memref<80x136xf32, #tpu.memory_space<vmem_shared>>
      tpu.wait_dma2 semaphore(%arg27 : memref<!tpu.dma_semaphore, #tpu.memory_space<semaphore_mem>>) src(%arg18 : memref<80x136xf32, #tpu.memory_space<vmem>>) dst(%dma_wait3A_315 : memref<80x136xf32, #tpu.memory_space<vmem_shared>>)
      %scan3A_316 = arith.constant 0 : i32
      %scan3A_317 = arith.constant 0 : i32
      %scan3A_318 = arith.constant 40 : i32
      %scan3A_319 = arith.addi %scan3A_317, %scan3A_318 : i32
      %scan3A_320 = arith.constant 1 : i32
      scf.for %scan3A_428 = %scan3A_317 to %scan3A_319 step %scan3A_320  : i32 {
        %mul3A_429 = arith.constant 2 : i32
        %mul3A_430 = arith.muli %mul3A_429, %scan3A_428 : i32
        %add3A_431 = vector.broadcast %mul3A_430 : i32 to vector<16xi32>
        %add3A_432 = arith.addi %select_n3A, %add3A_431 : vector<16xi32>
        %add3A_433 = arith.constant 128 : i32
        %add3A_434 = vector.broadcast %add3A_433 : i32 to vector<16xi32>
        %add3A_435 = arith.addi %add3A_434, %select_n3A_56 : vector<16xi32>
        %gather3A = tpu.vector_load_idx %arg14[%add3A_432, %add3A_435] : memref<80x136xf32, #tpu.memory_space<vmem>>[vector<16xi32>, vector<16xi32>], vector<16xf32>,
        %gather3A_436 = tpu.vector_load_idx %arg16[%add3A_432, %select_n3A_56] : memref<80x8xf32, #tpu.memory_space<vmem>>[vector<16xi32>, vector<16xi32>], vector<16xf32>,
        %add3A_437 = arith.addf %gather3A, %gather3A_436 : vector<16xf32>
        %mul3A_438 = arith.constant 2.000000e-01 : f32
        %mul3A_439 = vector.broadcast %mul3A_438 : f32 to vector<16xf32>
        %mul3A_440 = arith.mulf %mul3A_439, %add3A_437 : vector<16xf32>
        %max3A = arith.maximumf %add3A_437, %mul3A_440 : vector<16xf32>
        %sub3A_441 = arith.subf %max3A, %get3A_12 : vector<16xf32>
        %exp3A = math.exp %sub3A_441 : vector<16xf32>
        %add3A_442 = arith.constant 128 : i32
        %add3A_443 = vector.broadcast %add3A_442 : i32 to vector<16xi32>
        %add3A_444 = arith.addi %add3A_443, %select_n3A_56 : vector<16xi32>
        tpu.vector_store_idx %arg18[%add3A_432, %add3A_444], %exp3A : memref<80x136xf32, #tpu.memory_space<vmem>>[vector<16xi32>, vector<16xi32>], vector<16xf32>,
        %mul3A_445 = arith.constant 2 : i32
        %mul3A_446 = arith.muli %mul3A_445, %scan3A_428 : i32
        %add3A_447 = arith.constant 0 : i32
        %add3A_448 = arith.addi %mul3A_446, %add3A_447 : i32
        %broadcast_in_dim3A = arith.constant 0 : i32
        %broadcast_in_dim3A_449 = vector.broadcast %broadcast_in_dim3A : i32 to vector<16x1xi32>
        %gather3A_450 = vector.shape_cast %broadcast_in_dim3A_449 : vector<16x1xi32> to vector<16xi32>
        %gather3A_451 = tpu.dynamic_gather %exp3A[%gather3A_450] in [0] : vector<16xf32>, vector<16xi32> -> vector<16xf32>
        %get3A_452 = arith.index_cast %add3A_448 : i32 to index
        %get3A_453 = arith.constant 0 : index
        %get3A_454 = tpu.vector_load %arg14[%get3A_452, %get3A_453] {strides = array<i32>} : memref<80x136xf32, #tpu.memory_space<vmem>>, vector<16xf32>,
        %mul3A_455 = arith.mulf %gather3A_451, %get3A_454 : vector<16xf32>
        %swap3A_456 = arith.index_cast %add3A_448 : i32 to index
        %swap3A_457 = arith.constant 0 : index
        %swap3A_458 = tpu.vector_load %arg18[%swap3A_456, %swap3A_457] {strides = array<i32>} : memref<80x136xf32, #tpu.memory_space<vmem>>, vector<16xf32>,
        tpu.vector_store %arg18[%swap3A_456, %swap3A_457], %mul3A_455 {strides = array<i32>} : memref<80x136xf32, #tpu.memory_space<vmem>>, vector<16xf32>,
        %broadcast_in_dim3A_459 = arith.constant 1 : i32
        %broadcast_in_dim3A_460 = vector.broadcast %broadcast_in_dim3A_459 : i32 to vector<16x1xi32>
        %gather3A_461 = vector.shape_cast %broadcast_in_dim3A_460 : vector<16x1xi32> to vector<16xi32>
        %gather3A_462 = tpu.dynamic_gather %exp3A[%gather3A_461] in [0] : vector<16xf32>, vector<16xi32> -> vector<16xf32>
        %get3A_463 = arith.index_cast %add3A_448 : i32 to index
        %get3A_464 = arith.constant 16 : index
        %get3A_465 = tpu.vector_load %arg14[%get3A_463, %get3A_464] {strides = array<i32>} : memref<80x136xf32, #tpu.memory_space<vmem>>, vector<16xf32>,
        %mul3A_466 = arith.mulf %gather3A_462, %get3A_465 : vector<16xf32>
        %swap3A_467 = arith.index_cast %add3A_448 : i32 to index
        %swap3A_468 = arith.constant 16 : index
        %swap3A_469 = tpu.vector_load %arg18[%swap3A_467, %swap3A_468] {strides = array<i32>} : memref<80x136xf32, #tpu.memory_space<vmem>>, vector<16xf32>,
        tpu.vector_store %arg18[%swap3A_467, %swap3A_468], %mul3A_466 {strides = array<i32>} : memref<80x136xf32, #tpu.memory_space<vmem>>, vector<16xf32>,
        %broadcast_in_dim3A_470 = arith.constant 2 : i32
        %broadcast_in_dim3A_471 = vector.broadcast %broadcast_in_dim3A_470 : i32 to vector<16x1xi32>
        %gather3A_472 = vector.shape_cast %broadcast_in_dim3A_471 : vector<16x1xi32> to vector<16xi32>
        %gather3A_473 = tpu.dynamic_gather %exp3A[%gather3A_472] in [0] : vector<16xf32>, vector<16xi32> -> vector<16xf32>
        %get3A_474 = arith.index_cast %add3A_448 : i32 to index
        %get3A_475 = arith.constant 32 : index
        %get3A_476 = tpu.vector_load %arg14[%get3A_474, %get3A_475] {strides = array<i32>} : memref<80x136xf32, #tpu.memory_space<vmem>>, vector<16xf32>,
        %mul3A_477 = arith.mulf %gather3A_473, %get3A_476 : vector<16xf32>
        %swap3A_478 = arith.index_cast %add3A_448 : i32 to index
        %swap3A_479 = arith.constant 32 : index
        %swap3A_480 = tpu.vector_load %arg18[%swap3A_478, %swap3A_479] {strides = array<i32>} : memref<80x136xf32, #tpu.memory_space<vmem>>, vector<16xf32>,
        tpu.vector_store %arg18[%swap3A_478, %swap3A_479], %mul3A_477 {strides = array<i32>} : memref<80x136xf32, #tpu.memory_space<vmem>>, vector<16xf32>,
        %broadcast_in_dim3A_481 = arith.constant 3 : i32
        %broadcast_in_dim3A_482 = vector.broadcast %broadcast_in_dim3A_481 : i32 to vector<16x1xi32>
        %gather3A_483 = vector.shape_cast %broadcast_in_dim3A_482 : vector<16x1xi32> to vector<16xi32>
        %gather3A_484 = tpu.dynamic_gather %exp3A[%gather3A_483] in [0] : vector<16xf32>, vector<16xi32> -> vector<16xf32>
        %get3A_485 = arith.index_cast %add3A_448 : i32 to index
        %get3A_486 = arith.constant 48 : index
        %get3A_487 = tpu.vector_load %arg14[%get3A_485, %get3A_486] {strides = array<i32>} : memref<80x136xf32, #tpu.memory_space<vmem>>, vector<16xf32>,
        %mul3A_488 = arith.mulf %gather3A_484, %get3A_487 : vector<16xf32>
        %swap3A_489 = arith.index_cast %add3A_448 : i32 to index
        %swap3A_490 = arith.constant 48 : index
        %swap3A_491 = tpu.vector_load %arg18[%swap3A_489, %swap3A_490] {strides = array<i32>} : memref<80x136xf32, #tpu.memory_space<vmem>>, vector<16xf32>,
        tpu.vector_store %arg18[%swap3A_489, %swap3A_490], %mul3A_488 {strides = array<i32>} : memref<80x136xf32, #tpu.memory_space<vmem>>, vector<16xf32>,
        %broadcast_in_dim3A_492 = arith.constant 4 : i32
        %broadcast_in_dim3A_493 = vector.broadcast %broadcast_in_dim3A_492 : i32 to vector<16x1xi32>
        %gather3A_494 = vector.shape_cast %broadcast_in_dim3A_493 : vector<16x1xi32> to vector<16xi32>
        %gather3A_495 = tpu.dynamic_gather %exp3A[%gather3A_494] in [0] : vector<16xf32>, vector<16xi32> -> vector<16xf32>
        %get3A_496 = arith.index_cast %add3A_448 : i32 to index
        %get3A_497 = arith.constant 64 : index
        %get3A_498 = tpu.vector_load %arg14[%get3A_496, %get3A_497] {strides = array<i32>} : memref<80x136xf32, #tpu.memory_space<vmem>>, vector<16xf32>,
        %mul3A_499 = arith.mulf %gather3A_495, %get3A_498 : vector<16xf32>
        %swap3A_500 = arith.index_cast %add3A_448 : i32 to index
        %swap3A_501 = arith.constant 64 : index
        %swap3A_502 = tpu.vector_load %arg18[%swap3A_500, %swap3A_501] {strides = array<i32>} : memref<80x136xf32, #tpu.memory_space<vmem>>, vector<16xf32>,
        tpu.vector_store %arg18[%swap3A_500, %swap3A_501], %mul3A_499 {strides = array<i32>} : memref<80x136xf32, #tpu.memory_space<vmem>>, vector<16xf32>,
        %broadcast_in_dim3A_503 = arith.constant 5 : i32
        %broadcast_in_dim3A_504 = vector.broadcast %broadcast_in_dim3A_503 : i32 to vector<16x1xi32>
        %gather3A_505 = vector.shape_cast %broadcast_in_dim3A_504 : vector<16x1xi32> to vector<16xi32>
        %gather3A_506 = tpu.dynamic_gather %exp3A[%gather3A_505] in [0] : vector<16xf32>, vector<16xi32> -> vector<16xf32>
        %get3A_507 = arith.index_cast %add3A_448 : i32 to index
        %get3A_508 = arith.constant 80 : index
        %get3A_509 = tpu.vector_load %arg14[%get3A_507, %get3A_508] {strides = array<i32>} : memref<80x136xf32, #tpu.memory_space<vmem>>, vector<16xf32>,
        %mul3A_510 = arith.mulf %gather3A_506, %get3A_509 : vector<16xf32>
        %swap3A_511 = arith.index_cast %add3A_448 : i32 to index
        %swap3A_512 = arith.constant 80 : index
        %swap3A_513 = tpu.vector_load %arg18[%swap3A_511, %swap3A_512] {strides = array<i32>} : memref<80x136xf32, #tpu.memory_space<vmem>>, vector<16xf32>,
        tpu.vector_store %arg18[%swap3A_511, %swap3A_512], %mul3A_510 {strides = array<i32>} : memref<80x136xf32, #tpu.memory_space<vmem>>, vector<16xf32>,
        %broadcast_in_dim3A_514 = arith.constant 6 : i32
        %broadcast_in_dim3A_515 = vector.broadcast %broadcast_in_dim3A_514 : i32 to vector<16x1xi32>
        %gather3A_516 = vector.shape_cast %broadcast_in_dim3A_515 : vector<16x1xi32> to vector<16xi32>
        %gather3A_517 = tpu.dynamic_gather %exp3A[%gather3A_516] in [0] : vector<16xf32>, vector<16xi32> -> vector<16xf32>
        %get3A_518 = arith.index_cast %add3A_448 : i32 to index
        %get3A_519 = arith.constant 96 : index
        %get3A_520 = tpu.vector_load %arg14[%get3A_518, %get3A_519] {strides = array<i32>} : memref<80x136xf32, #tpu.memory_space<vmem>>, vector<16xf32>,
        %mul3A_521 = arith.mulf %gather3A_517, %get3A_520 : vector<16xf32>
        %swap3A_522 = arith.index_cast %add3A_448 : i32 to index
        %swap3A_523 = arith.constant 96 : index
        %swap3A_524 = tpu.vector_load %arg18[%swap3A_522, %swap3A_523] {strides = array<i32>} : memref<80x136xf32, #tpu.memory_space<vmem>>, vector<16xf32>,
        tpu.vector_store %arg18[%swap3A_522, %swap3A_523], %mul3A_521 {strides = array<i32>} : memref<80x136xf32, #tpu.memory_space<vmem>>, vector<16xf32>,
        %broadcast_in_dim3A_525 = arith.constant 7 : i32
        %broadcast_in_dim3A_526 = vector.broadcast %broadcast_in_dim3A_525 : i32 to vector<16x1xi32>
        %gather3A_527 = vector.shape_cast %broadcast_in_dim3A_526 : vector<16x1xi32> to vector<16xi32>
        %gather3A_528 = tpu.dynamic_gather %exp3A[%gather3A_527] in [0] : vector<16xf32>, vector<16xi32> -> vector<16xf32>
        %get3A_529 = arith.index_cast %add3A_448 : i32 to index
        %get3A_530 = arith.constant 112 : index
        %get3A_531 = tpu.vector_load %arg14[%get3A_529, %get3A_530] {strides = array<i32>} : memref<80x136xf32, #tpu.memory_space<vmem>>, vector<16xf32>,
        %mul3A_532 = arith.mulf %gather3A_528, %get3A_531 : vector<16xf32>
        %swap3A_533 = arith.index_cast %add3A_448 : i32 to index
        %swap3A_534 = arith.constant 112 : index
        %swap3A_535 = tpu.vector_load %arg18[%swap3A_533, %swap3A_534] {strides = array<i32>} : memref<80x136xf32, #tpu.memory_space<vmem>>, vector<16xf32>,
        tpu.vector_store %arg18[%swap3A_533, %swap3A_534], %mul3A_532 {strides = array<i32>} : memref<80x136xf32, #tpu.memory_space<vmem>>, vector<16xf32>,
        %mul3A_536 = arith.constant 2 : i32
        %mul3A_537 = arith.muli %mul3A_536, %scan3A_428 : i32
        %add3A_538 = arith.constant 1 : i32
        %add3A_539 = arith.addi %mul3A_537, %add3A_538 : i32
        %broadcast_in_dim3A_540 = arith.constant 8 : i32
        %broadcast_in_dim3A_541 = vector.broadcast %broadcast_in_dim3A_540 : i32 to vector<16x1xi32>
        %gather3A_542 = vector.shape_cast %broadcast_in_dim3A_541 : vector<16x1xi32> to vector<16xi32>
        %gather3A_543 = tpu.dynamic_gather %exp3A[%gather3A_542] in [0] : vector<16xf32>, vector<16xi32> -> vector<16xf32>
        %get3A_544 = arith.index_cast %add3A_539 : i32 to index
        %get3A_545 = arith.constant 0 : index
        %get3A_546 = tpu.vector_load %arg14[%get3A_544, %get3A_545] {strides = array<i32>} : memref<80x136xf32, #tpu.memory_space<vmem>>, vector<16xf32>,
        %mul3A_547 = arith.mulf %gather3A_543, %get3A_546 : vector<16xf32>
        %swap3A_548 = arith.index_cast %add3A_539 : i32 to index
        %swap3A_549 = arith.constant 0 : index
        %swap3A_550 = tpu.vector_load %arg18[%swap3A_548, %swap3A_549] {strides = array<i32>} : memref<80x136xf32, #tpu.memory_space<vmem>>, vector<16xf32>,
        tpu.vector_store %arg18[%swap3A_548, %swap3A_549], %mul3A_547 {strides = array<i32>} : memref<80x136xf32, #tpu.memory_space<vmem>>, vector<16xf32>,
        %broadcast_in_dim3A_551 = arith.constant 9 : i32
        %broadcast_in_dim3A_552 = vector.broadcast %broadcast_in_dim3A_551 : i32 to vector<16x1xi32>
        %gather3A_553 = vector.shape_cast %broadcast_in_dim3A_552 : vector<16x1xi32> to vector<16xi32>
        %gather3A_554 = tpu.dynamic_gather %exp3A[%gather3A_553] in [0] : vector<16xf32>, vector<16xi32> -> vector<16xf32>
        %get3A_555 = arith.index_cast %add3A_539 : i32 to index
        %get3A_556 = arith.constant 16 : index
        %get3A_557 = tpu.vector_load %arg14[%get3A_555, %get3A_556] {strides = array<i32>} : memref<80x136xf32, #tpu.memory_space<vmem>>, vector<16xf32>,
        %mul3A_558 = arith.mulf %gather3A_554, %get3A_557 : vector<16xf32>
        %swap3A_559 = arith.index_cast %add3A_539 : i32 to index
        %swap3A_560 = arith.constant 16 : index
        %swap3A_561 = tpu.vector_load %arg18[%swap3A_559, %swap3A_560] {strides = array<i32>} : memref<80x136xf32, #tpu.memory_space<vmem>>, vector<16xf32>,
        tpu.vector_store %arg18[%swap3A_559, %swap3A_560], %mul3A_558 {strides = array<i32>} : memref<80x136xf32, #tpu.memory_space<vmem>>, vector<16xf32>,
        %broadcast_in_dim3A_562 = arith.constant 10 : i32
        %broadcast_in_dim3A_563 = vector.broadcast %broadcast_in_dim3A_562 : i32 to vector<16x1xi32>
        %gather3A_564 = vector.shape_cast %broadcast_in_dim3A_563 : vector<16x1xi32> to vector<16xi32>
        %gather3A_565 = tpu.dynamic_gather %exp3A[%gather3A_564] in [0] : vector<16xf32>, vector<16xi32> -> vector<16xf32>
        %get3A_566 = arith.index_cast %add3A_539 : i32 to index
        %get3A_567 = arith.constant 32 : index
        %get3A_568 = tpu.vector_load %arg14[%get3A_566, %get3A_567] {strides = array<i32>} : memref<80x136xf32, #tpu.memory_space<vmem>>, vector<16xf32>,
        %mul3A_569 = arith.mulf %gather3A_565, %get3A_568 : vector<16xf32>
        %swap3A_570 = arith.index_cast %add3A_539 : i32 to index
        %swap3A_571 = arith.constant 32 : index
        %swap3A_572 = tpu.vector_load %arg18[%swap3A_570, %swap3A_571] {strides = array<i32>} : memref<80x136xf32, #tpu.memory_space<vmem>>, vector<16xf32>,
        tpu.vector_store %arg18[%swap3A_570, %swap3A_571], %mul3A_569 {strides = array<i32>} : memref<80x136xf32, #tpu.memory_space<vmem>>, vector<16xf32>,
        %broadcast_in_dim3A_573 = arith.constant 11 : i32
        %broadcast_in_dim3A_574 = vector.broadcast %broadcast_in_dim3A_573 : i32 to vector<16x1xi32>
        %gather3A_575 = vector.shape_cast %broadcast_in_dim3A_574 : vector<16x1xi32> to vector<16xi32>
        %gather3A_576 = tpu.dynamic_gather %exp3A[%gather3A_575] in [0] : vector<16xf32>, vector<16xi32> -> vector<16xf32>
        %get3A_577 = arith.index_cast %add3A_539 : i32 to index
        %get3A_578 = arith.constant 48 : index
        %get3A_579 = tpu.vector_load %arg14[%get3A_577, %get3A_578] {strides = array<i32>} : memref<80x136xf32, #tpu.memory_space<vmem>>, vector<16xf32>,
        %mul3A_580 = arith.mulf %gather3A_576, %get3A_579 : vector<16xf32>
        %swap3A_581 = arith.index_cast %add3A_539 : i32 to index
        %swap3A_582 = arith.constant 48 : index
        %swap3A_583 = tpu.vector_load %arg18[%swap3A_581, %swap3A_582] {strides = array<i32>} : memref<80x136xf32, #tpu.memory_space<vmem>>, vector<16xf32>,
        tpu.vector_store %arg18[%swap3A_581, %swap3A_582], %mul3A_580 {strides = array<i32>} : memref<80x136xf32, #tpu.memory_space<vmem>>, vector<16xf32>,
        %broadcast_in_dim3A_584 = arith.constant 12 : i32
        %broadcast_in_dim3A_585 = vector.broadcast %broadcast_in_dim3A_584 : i32 to vector<16x1xi32>
        %gather3A_586 = vector.shape_cast %broadcast_in_dim3A_585 : vector<16x1xi32> to vector<16xi32>
        %gather3A_587 = tpu.dynamic_gather %exp3A[%gather3A_586] in [0] : vector<16xf32>, vector<16xi32> -> vector<16xf32>
        %get3A_588 = arith.index_cast %add3A_539 : i32 to index
        %get3A_589 = arith.constant 64 : index
        %get3A_590 = tpu.vector_load %arg14[%get3A_588, %get3A_589] {strides = array<i32>} : memref<80x136xf32, #tpu.memory_space<vmem>>, vector<16xf32>,
        %mul3A_591 = arith.mulf %gather3A_587, %get3A_590 : vector<16xf32>
        %swap3A_592 = arith.index_cast %add3A_539 : i32 to index
        %swap3A_593 = arith.constant 64 : index
        %swap3A_594 = tpu.vector_load %arg18[%swap3A_592, %swap3A_593] {strides = array<i32>} : memref<80x136xf32, #tpu.memory_space<vmem>>, vector<16xf32>,
        tpu.vector_store %arg18[%swap3A_592, %swap3A_593], %mul3A_591 {strides = array<i32>} : memref<80x136xf32, #tpu.memory_space<vmem>>, vector<16xf32>,
        %broadcast_in_dim3A_595 = arith.constant 13 : i32
        %broadcast_in_dim3A_596 = vector.broadcast %broadcast_in_dim3A_595 : i32 to vector<16x1xi32>
        %gather3A_597 = vector.shape_cast %broadcast_in_dim3A_596 : vector<16x1xi32> to vector<16xi32>
        %gather3A_598 = tpu.dynamic_gather %exp3A[%gather3A_597] in [0] : vector<16xf32>, vector<16xi32> -> vector<16xf32>
        %get3A_599 = arith.index_cast %add3A_539 : i32 to index
        %get3A_600 = arith.constant 80 : index
        %get3A_601 = tpu.vector_load %arg14[%get3A_599, %get3A_600] {strides = array<i32>} : memref<80x136xf32, #tpu.memory_space<vmem>>, vector<16xf32>,
        %mul3A_602 = arith.mulf %gather3A_598, %get3A_601 : vector<16xf32>
        %swap3A_603 = arith.index_cast %add3A_539 : i32 to index
        %swap3A_604 = arith.constant 80 : index
        %swap3A_605 = tpu.vector_load %arg18[%swap3A_603, %swap3A_604] {strides = array<i32>} : memref<80x136xf32, #tpu.memory_space<vmem>>, vector<16xf32>,
        tpu.vector_store %arg18[%swap3A_603, %swap3A_604], %mul3A_602 {strides = array<i32>} : memref<80x136xf32, #tpu.memory_space<vmem>>, vector<16xf32>,
        %broadcast_in_dim3A_606 = arith.constant 14 : i32
        %broadcast_in_dim3A_607 = vector.broadcast %broadcast_in_dim3A_606 : i32 to vector<16x1xi32>
        %gather3A_608 = vector.shape_cast %broadcast_in_dim3A_607 : vector<16x1xi32> to vector<16xi32>
        %gather3A_609 = tpu.dynamic_gather %exp3A[%gather3A_608] in [0] : vector<16xf32>, vector<16xi32> -> vector<16xf32>
        %get3A_610 = arith.index_cast %add3A_539 : i32 to index
        %get3A_611 = arith.constant 96 : index
        %get3A_612 = tpu.vector_load %arg14[%get3A_610, %get3A_611] {strides = array<i32>} : memref<80x136xf32, #tpu.memory_space<vmem>>, vector<16xf32>,
        %mul3A_613 = arith.mulf %gather3A_609, %get3A_612 : vector<16xf32>
        %swap3A_614 = arith.index_cast %add3A_539 : i32 to index
        %swap3A_615 = arith.constant 96 : index
        %swap3A_616 = tpu.vector_load %arg18[%swap3A_614, %swap3A_615] {strides = array<i32>} : memref<80x136xf32, #tpu.memory_space<vmem>>, vector<16xf32>,
        tpu.vector_store %arg18[%swap3A_614, %swap3A_615], %mul3A_613 {strides = array<i32>} : memref<80x136xf32, #tpu.memory_space<vmem>>, vector<16xf32>,
        %broadcast_in_dim3A_617 = arith.constant 15 : i32
        %broadcast_in_dim3A_618 = vector.broadcast %broadcast_in_dim3A_617 : i32 to vector<16x1xi32>
        %gather3A_619 = vector.shape_cast %broadcast_in_dim3A_618 : vector<16x1xi32> to vector<16xi32>
        %gather3A_620 = tpu.dynamic_gather %exp3A[%gather3A_619] in [0] : vector<16xf32>, vector<16xi32> -> vector<16xf32>
        %get3A_621 = arith.index_cast %add3A_539 : i32 to index
        %get3A_622 = arith.constant 112 : index
        %get3A_623 = tpu.vector_load %arg14[%get3A_621, %get3A_622] {strides = array<i32>} : memref<80x136xf32, #tpu.memory_space<vmem>>, vector<16xf32>,
        %mul3A_624 = arith.mulf %gather3A_620, %get3A_623 : vector<16xf32>
        %swap3A_625 = arith.index_cast %add3A_539 : i32 to index
        %swap3A_626 = arith.constant 112 : index
        %swap3A_627 = tpu.vector_load %arg18[%swap3A_625, %swap3A_626] {strides = array<i32>} : memref<80x136xf32, #tpu.memory_space<vmem>>, vector<16xf32>,
        tpu.vector_store %arg18[%swap3A_625, %swap3A_626], %mul3A_624 {strides = array<i32>} : memref<80x136xf32, #tpu.memory_space<vmem>>, vector<16xf32>,
      }
      %scan3A_321 = arith.constant 40 : i32
      %get3A_322 = arith.constant 0 : index
      %get3A_323 = tpu.vector_load %arg12[%get3A_322] {strides = array<i32>} : memref<80xi32, #tpu.memory_space<vmem>>, vector<16xi32>,
      %swap3A_324 = arith.constant 0 : index
      %swap3A_325 = tpu.vector_load %arg20[%swap3A_324] {strides = array<i32>} : memref<80xi32, #tpu.memory_space<vmem>>, vector<16xi32>,
      tpu.vector_store %arg20[%swap3A_324], %get3A_323 {strides = array<i32>} : memref<80xi32, #tpu.memory_space<vmem>>, vector<16xi32>,
      %get3A_326 = arith.constant 16 : index
      %get3A_327 = tpu.vector_load %arg12[%get3A_326] {strides = array<i32>} : memref<80xi32, #tpu.memory_space<vmem>>, vector<16xi32>,
      %swap3A_328 = arith.constant 16 : index
      %swap3A_329 = tpu.vector_load %arg20[%swap3A_328] {strides = array<i32>} : memref<80xi32, #tpu.memory_space<vmem>>, vector<16xi32>,
      tpu.vector_store %arg20[%swap3A_328], %get3A_327 {strides = array<i32>} : memref<80xi32, #tpu.memory_space<vmem>>, vector<16xi32>,
      %get3A_330 = arith.constant 32 : index
      %get3A_331 = tpu.vector_load %arg12[%get3A_330] {strides = array<i32>} : memref<80xi32, #tpu.memory_space<vmem>>, vector<16xi32>,
      %swap3A_332 = arith.constant 32 : index
      %swap3A_333 = tpu.vector_load %arg20[%swap3A_332] {strides = array<i32>} : memref<80xi32, #tpu.memory_space<vmem>>, vector<16xi32>,
      tpu.vector_store %arg20[%swap3A_332], %get3A_331 {strides = array<i32>} : memref<80xi32, #tpu.memory_space<vmem>>, vector<16xi32>,
      %get3A_334 = arith.constant 48 : index
      %get3A_335 = tpu.vector_load %arg12[%get3A_334] {strides = array<i32>} : memref<80xi32, #tpu.memory_space<vmem>>, vector<16xi32>,
      %swap3A_336 = arith.constant 48 : index
      %swap3A_337 = tpu.vector_load %arg20[%swap3A_336] {strides = array<i32>} : memref<80xi32, #tpu.memory_space<vmem>>, vector<16xi32>,
      tpu.vector_store %arg20[%swap3A_336], %get3A_335 {strides = array<i32>} : memref<80xi32, #tpu.memory_space<vmem>>, vector<16xi32>,
      %get3A_338 = arith.constant 64 : index
      %get3A_339 = tpu.vector_load %arg12[%get3A_338] {strides = array<i32>} : memref<80xi32, #tpu.memory_space<vmem>>, vector<16xi32>,
      %swap3A_340 = arith.constant 64 : index
      %swap3A_341 = tpu.vector_load %arg20[%swap3A_340] {strides = array<i32>} : memref<80xi32, #tpu.memory_space<vmem>>, vector<16xi32>,
      tpu.vector_store %arg20[%swap3A_340], %get3A_339 {strides = array<i32>} : memref<80xi32, #tpu.memory_space<vmem>>, vector<16xi32>,
      %dma_start3A_342 = arith.constant 0 : i32
      %dma_start3A_343 = arith.constant 0 : i32
      %dma_start3A_344 = tpu.memref_slice %arg9[%dma_start3A_342, %dma_start3A_343] : memref<10000x136xf32, #tpu.memory_space<vmem_shared>> -> memref<10000x136xf32, #tpu.memory_space<vmem_shared>>
      tpu.enqueue_indirect_dma source(%arg18 : memref<80x136xf32, #tpu.memory_space<vmem>>) target(%dma_start3A_344 : memref<10000x136xf32, #tpu.memory_space<vmem_shared>>) offsets(%arg20 : memref<80xi32, #tpu.memory_space<vmem>>) semaphore(%arg27 : memref<!tpu.dma_semaphore, #tpu.memory_space<semaphore_mem>>) {add = true}
      %add3A_345 = arith.constant 2 : i32
      %add3A_346 = arith.addi %add3A_283, %add3A_345 : i32
      %mul3A_347 = arith.constant 80 : i32
      %mul3A_348 = arith.muli %add3A_346, %mul3A_347 : i32
      %add3A_349 = arith.addi %mul3A_4, %mul3A_348 : i32
      %dma_start3A_350 = tpu.memref_slice %arg5[%add3A_349] : memref<320000xi32, #tpu.memory_space<hbm>> -> memref<80xi32, #tpu.memory_space<hbm>>
      %dma_start3A_351 = tpu.memref_slice %arg5[%add3A_349] : memref<320000xi32, #tpu.memory_space<hbm>> -> memref<80xi32, #tpu.memory_space<hbm>>
      tpu.enqueue_dma source(%dma_start3A_351 : memref<80xi32, #tpu.memory_space<hbm>>) target(%arg10 : memref<80xi32, #tpu.memory_space<vmem>>) target_semaphore(%arg25 : memref<!tpu.dma_semaphore, #tpu.memory_space<semaphore_mem>>)
      %dma_start3A_352 = tpu.memref_slice %arg6[%add3A_349] : memref<320000xi32, #tpu.memory_space<hbm>> -> memref<80xi32, #tpu.memory_space<hbm>>
      %dma_start3A_353 = tpu.memref_slice %arg6[%add3A_349] : memref<320000xi32, #tpu.memory_space<hbm>> -> memref<80xi32, #tpu.memory_space<hbm>>
      tpu.enqueue_dma source(%dma_start3A_353 : memref<80xi32, #tpu.memory_space<hbm>>) target(%arg12 : memref<80xi32, #tpu.memory_space<vmem>>) target_semaphore(%arg25 : memref<!tpu.dma_semaphore, #tpu.memory_space<semaphore_mem>>)
      %mul3A_354 = arith.constant 2 : i32
      %mul3A_355 = arith.muli %mul3A_354, %scan3A_279 : i32
      %add3A_356 = arith.constant 1 : i32
      %add3A_357 = arith.addi %mul3A_355, %add3A_356 : i32
      %dma_wait3A_358 = arith.constant 0 : i32
      %dma_wait3A_359 = tpu.memref_slice %arg5[%dma_wait3A_358] : memref<320000xi32, #tpu.memory_space<hbm>> -> memref<80xi32, #tpu.memory_space<hbm>>
      %dma_wait3A_360 = arith.constant 0 : i32
      %dma_wait3A_361 = tpu.memref_slice %arg5[%dma_wait3A_360] : memref<320000xi32, #tpu.memory_space<hbm>> -> memref<80xi32, #tpu.memory_space<hbm>>
      tpu.wait_dma2 semaphore(%arg25 : memref<!tpu.dma_semaphore, #tpu.memory_space<semaphore_mem>>) src(%dma_wait3A_361 : memref<80xi32, #tpu.memory_space<hbm>>) dst(%arg10 : memref<80xi32, #tpu.memory_space<vmem>>)
      %dma_wait3A_362 = arith.constant 0 : i32
      %dma_wait3A_363 = tpu.memref_slice %arg6[%dma_wait3A_362] : memref<320000xi32, #tpu.memory_space<hbm>> -> memref<80xi32, #tpu.memory_space<hbm>>
      %dma_wait3A_364 = arith.constant 0 : i32
      %dma_wait3A_365 = tpu.memref_slice %arg6[%dma_wait3A_364] : memref<320000xi32, #tpu.memory_space<hbm>> -> memref<80xi32, #tpu.memory_space<hbm>>
      tpu.wait_dma2 semaphore(%arg25 : memref<!tpu.dma_semaphore, #tpu.memory_space<semaphore_mem>>) src(%dma_wait3A_365 : memref<80xi32, #tpu.memory_space<hbm>>) dst(%arg12 : memref<80xi32, #tpu.memory_space<vmem>>)
      %dma_start3A_366 = arith.constant 0 : i32
      %dma_start3A_367 = arith.constant 0 : i32
      %dma_start3A_368 = tpu.memref_slice %arg2[%dma_start3A_366, %dma_start3A_367] : memref<10000x136xf32, #tpu.memory_space<hbm>> -> memref<10000x136xf32, #tpu.memory_space<hbm>>
      tpu.enqueue_indirect_dma source(%dma_start3A_368 : memref<10000x136xf32, #tpu.memory_space<hbm>>) target(%arg14 : memref<80x136xf32, #tpu.memory_space<vmem>>) offsets(%arg10 : memref<80xi32, #tpu.memory_space<vmem>>) semaphore(%arg23 : memref<!tpu.dma_semaphore, #tpu.memory_space<semaphore_mem>>)
      %dma_start3A_369 = arith.constant 0 : i32
      %dma_start3A_370 = arith.constant 0 : i32
      %dma_start3A_371 = tpu.memref_slice %arg3[%dma_start3A_369, %dma_start3A_370] : memref<10000x8xf32, #tpu.memory_space<hbm>> -> memref<10000x8xf32, #tpu.memory_space<hbm>>
      tpu.enqueue_indirect_dma source(%dma_start3A_371 : memref<10000x8xf32, #tpu.memory_space<hbm>>) target(%arg16 : memref<80x8xf32, #tpu.memory_space<vmem>>) offsets(%arg12 : memref<80xi32, #tpu.memory_space<vmem>>) semaphore(%arg23 : memref<!tpu.dma_semaphore, #tpu.memory_space<semaphore_mem>>)
      %dma_wait3A_372 = arith.constant 0 : i32
      %dma_wait3A_373 = arith.constant 0 : i32
      %dma_wait3A_374 = tpu.memref_slice %arg2[%dma_wait3A_372, %dma_wait3A_373] : memref<10000x136xf32, #tpu.memory_space<hbm>> -> memref<80x136xf32, #tpu.memory_space<hbm>>
      %dma_wait3A_375 = arith.constant 0 : i32
      %dma_wait3A_376 = arith.constant 0 : i32
      %dma_wait3A_377 = tpu.memref_slice %arg2[%dma_wait3A_375, %dma_wait3A_376] : memref<10000x136xf32, #tpu.memory_space<hbm>> -> memref<80x136xf32, #tpu.memory_space<hbm>>
      tpu.wait_dma2 semaphore(%arg24 : memref<!tpu.dma_semaphore, #tpu.memory_space<semaphore_mem>>) src(%dma_wait3A_377 : memref<80x136xf32, #tpu.memory_space<hbm>>) dst(%arg15 : memref<80x136xf32, #tpu.memory_space<vmem>>)
      %dma_wait3A_378 = arith.constant 0 : i32
      %dma_wait3A_379 = arith.constant 0 : i32
      %dma_wait3A_380 = tpu.memref_slice %arg3[%dma_wait3A_378, %dma_wait3A_379] : memref<10000x8xf32, #tpu.memory_space<hbm>> -> memref<80x8xf32, #tpu.memory_space<hbm>>
      %dma_wait3A_381 = arith.constant 0 : i32
      %dma_wait3A_382 = arith.constant 0 : i32
      %dma_wait3A_383 = tpu.memref_slice %arg3[%dma_wait3A_381, %dma_wait3A_382] : memref<10000x8xf32, #tpu.memory_space<hbm>> -> memref<80x8xf32, #tpu.memory_space<hbm>>
      tpu.wait_dma2 semaphore(%arg24 : memref<!tpu.dma_semaphore, #tpu.memory_space<semaphore_mem>>) src(%dma_wait3A_383 : memref<80x8xf32, #tpu.memory_space<hbm>>) dst(%arg17 : memref<80x8xf32, #tpu.memory_space<vmem>>)
      %dma_wait3A_384 = arith.constant 0 : i32
      %dma_wait3A_385 = arith.constant 0 : i32
      %dma_wait3A_386 = tpu.memref_slice %arg9[%dma_wait3A_384, %dma_wait3A_385] : memref<10000x136xf32, #tpu.memory_space<vmem_shared>> -> memref<80x136xf32, #tpu.memory_space<vmem_shared>>
      %dma_wait3A_387 = arith.constant 0 : i32
      %dma_wait3A_388 = arith.constant 0 : i32
      %dma_wait3A_389 = tpu.memref_slice %arg9[%dma_wait3A_387, %dma_wait3A_388] : memref<10000x136xf32, #tpu.memory_space<vmem_shared>> -> memref<80x136xf32, #tpu.memory_space<vmem_shared>>
      tpu.wait_dma2 semaphore(%arg28 : memref<!tpu.dma_semaphore, #tpu.memory_space<semaphore_mem>>) src(%arg19 : memref<80x136xf32, #tpu.memory_space<vmem>>) dst(%dma_wait3A_389 : memref<80x136xf32, #tpu.memory_space<vmem_shared>>)
      %scan3A_390 = arith.constant 0 : i32
      %scan3A_391 = arith.constant 0 : i32
      %scan3A_392 = arith.constant 40 : i32
      %scan3A_393 = arith.addi %scan3A_391, %scan3A_392 : i32
      %scan3A_394 = arith.constant 1 : i32
      scf.for %scan3A_428 = %scan3A_391 to %scan3A_393 step %scan3A_394  : i32 {
        %mul3A_429 = arith.constant 2 : i32
        %mul3A_430 = arith.muli %mul3A_429, %scan3A_428 : i32
        %add3A_431 = vector.broadcast %mul3A_430 : i32 to vector<16xi32>
        %add3A_432 = arith.addi %select_n3A, %add3A_431 : vector<16xi32>
        %add3A_433 = arith.constant 128 : i32
        %add3A_434 = vector.broadcast %add3A_433 : i32 to vector<16xi32>
        %add3A_435 = arith.addi %add3A_434, %select_n3A_56 : vector<16xi32>
        %gather3A = tpu.vector_load_idx %arg15[%add3A_432, %add3A_435] : memref<80x136xf32, #tpu.memory_space<vmem>>[vector<16xi32>, vector<16xi32>], vector<16xf32>,
        %gather3A_436 = tpu.vector_load_idx %arg17[%add3A_432, %select_n3A_56] : memref<80x8xf32, #tpu.memory_space<vmem>>[vector<16xi32>, vector<16xi32>], vector<16xf32>,
        %add3A_437 = arith.addf %gather3A, %gather3A_436 : vector<16xf32>
        %mul3A_438 = arith.constant 2.000000e-01 : f32
        %mul3A_439 = vector.broadcast %mul3A_438 : f32 to vector<16xf32>
        %mul3A_440 = arith.mulf %mul3A_439, %add3A_437 : vector<16xf32>
        %max3A = arith.maximumf %add3A_437, %mul3A_440 : vector<16xf32>
        %sub3A_441 = arith.subf %max3A, %get3A_12 : vector<16xf32>
        %exp3A = math.exp %sub3A_441 : vector<16xf32>
        %add3A_442 = arith.constant 128 : i32
        %add3A_443 = vector.broadcast %add3A_442 : i32 to vector<16xi32>
        %add3A_444 = arith.addi %add3A_443, %select_n3A_56 : vector<16xi32>
        tpu.vector_store_idx %arg19[%add3A_432, %add3A_444], %exp3A : memref<80x136xf32, #tpu.memory_space<vmem>>[vector<16xi32>, vector<16xi32>], vector<16xf32>,
        %mul3A_445 = arith.constant 2 : i32
        %mul3A_446 = arith.muli %mul3A_445, %scan3A_428 : i32
        %add3A_447 = arith.constant 0 : i32
        %add3A_448 = arith.addi %mul3A_446, %add3A_447 : i32
        %broadcast_in_dim3A = arith.constant 0 : i32
        %broadcast_in_dim3A_449 = vector.broadcast %broadcast_in_dim3A : i32 to vector<16x1xi32>
        %gather3A_450 = vector.shape_cast %broadcast_in_dim3A_449 : vector<16x1xi32> to vector<16xi32>
        %gather3A_451 = tpu.dynamic_gather %exp3A[%gather3A_450] in [0] : vector<16xf32>, vector<16xi32> -> vector<16xf32>
        %get3A_452 = arith.index_cast %add3A_448 : i32 to index
        %get3A_453 = arith.constant 0 : index
        %get3A_454 = tpu.vector_load %arg15[%get3A_452, %get3A_453] {strides = array<i32>} : memref<80x136xf32, #tpu.memory_space<vmem>>, vector<16xf32>,
        %mul3A_455 = arith.mulf %gather3A_451, %get3A_454 : vector<16xf32>
        %swap3A_456 = arith.index_cast %add3A_448 : i32 to index
        %swap3A_457 = arith.constant 0 : index
        %swap3A_458 = tpu.vector_load %arg19[%swap3A_456, %swap3A_457] {strides = array<i32>} : memref<80x136xf32, #tpu.memory_space<vmem>>, vector<16xf32>,
        tpu.vector_store %arg19[%swap3A_456, %swap3A_457], %mul3A_455 {strides = array<i32>} : memref<80x136xf32, #tpu.memory_space<vmem>>, vector<16xf32>,
        %broadcast_in_dim3A_459 = arith.constant 1 : i32
        %broadcast_in_dim3A_460 = vector.broadcast %broadcast_in_dim3A_459 : i32 to vector<16x1xi32>
        %gather3A_461 = vector.shape_cast %broadcast_in_dim3A_460 : vector<16x1xi32> to vector<16xi32>
        %gather3A_462 = tpu.dynamic_gather %exp3A[%gather3A_461] in [0] : vector<16xf32>, vector<16xi32> -> vector<16xf32>
        %get3A_463 = arith.index_cast %add3A_448 : i32 to index
        %get3A_464 = arith.constant 16 : index
        %get3A_465 = tpu.vector_load %arg15[%get3A_463, %get3A_464] {strides = array<i32>} : memref<80x136xf32, #tpu.memory_space<vmem>>, vector<16xf32>,
        %mul3A_466 = arith.mulf %gather3A_462, %get3A_465 : vector<16xf32>
        %swap3A_467 = arith.index_cast %add3A_448 : i32 to index
        %swap3A_468 = arith.constant 16 : index
        %swap3A_469 = tpu.vector_load %arg19[%swap3A_467, %swap3A_468] {strides = array<i32>} : memref<80x136xf32, #tpu.memory_space<vmem>>, vector<16xf32>,
        tpu.vector_store %arg19[%swap3A_467, %swap3A_468], %mul3A_466 {strides = array<i32>} : memref<80x136xf32, #tpu.memory_space<vmem>>, vector<16xf32>,
        %broadcast_in_dim3A_470 = arith.constant 2 : i32
        %broadcast_in_dim3A_471 = vector.broadcast %broadcast_in_dim3A_470 : i32 to vector<16x1xi32>
        %gather3A_472 = vector.shape_cast %broadcast_in_dim3A_471 : vector<16x1xi32> to vector<16xi32>
        %gather3A_473 = tpu.dynamic_gather %exp3A[%gather3A_472] in [0] : vector<16xf32>, vector<16xi32> -> vector<16xf32>
        %get3A_474 = arith.index_cast %add3A_448 : i32 to index
        %get3A_475 = arith.constant 32 : index
        %get3A_476 = tpu.vector_load %arg15[%get3A_474, %get3A_475] {strides = array<i32>} : memref<80x136xf32, #tpu.memory_space<vmem>>, vector<16xf32>,
        %mul3A_477 = arith.mulf %gather3A_473, %get3A_476 : vector<16xf32>
        %swap3A_478 = arith.index_cast %add3A_448 : i32 to index
        %swap3A_479 = arith.constant 32 : index
        %swap3A_480 = tpu.vector_load %arg19[%swap3A_478, %swap3A_479] {strides = array<i32>} : memref<80x136xf32, #tpu.memory_space<vmem>>, vector<16xf32>,
        tpu.vector_store %arg19[%swap3A_478, %swap3A_479], %mul3A_477 {strides = array<i32>} : memref<80x136xf32, #tpu.memory_space<vmem>>, vector<16xf32>,
        %broadcast_in_dim3A_481 = arith.constant 3 : i32
        %broadcast_in_dim3A_482 = vector.broadcast %broadcast_in_dim3A_481 : i32 to vector<16x1xi32>
        %gather3A_483 = vector.shape_cast %broadcast_in_dim3A_482 : vector<16x1xi32> to vector<16xi32>
        %gather3A_484 = tpu.dynamic_gather %exp3A[%gather3A_483] in [0] : vector<16xf32>, vector<16xi32> -> vector<16xf32>
        %get3A_485 = arith.index_cast %add3A_448 : i32 to index
        %get3A_486 = arith.constant 48 : index
        %get3A_487 = tpu.vector_load %arg15[%get3A_485, %get3A_486] {strides = array<i32>} : memref<80x136xf32, #tpu.memory_space<vmem>>, vector<16xf32>,
        %mul3A_488 = arith.mulf %gather3A_484, %get3A_487 : vector<16xf32>
        %swap3A_489 = arith.index_cast %add3A_448 : i32 to index
        %swap3A_490 = arith.constant 48 : index
        %swap3A_491 = tpu.vector_load %arg19[%swap3A_489, %swap3A_490] {strides = array<i32>} : memref<80x136xf32, #tpu.memory_space<vmem>>, vector<16xf32>,
        tpu.vector_store %arg19[%swap3A_489, %swap3A_490], %mul3A_488 {strides = array<i32>} : memref<80x136xf32, #tpu.memory_space<vmem>>, vector<16xf32>,
        %broadcast_in_dim3A_492 = arith.constant 4 : i32
        %broadcast_in_dim3A_493 = vector.broadcast %broadcast_in_dim3A_492 : i32 to vector<16x1xi32>
        %gather3A_494 = vector.shape_cast %broadcast_in_dim3A_493 : vector<16x1xi32> to vector<16xi32>
        %gather3A_495 = tpu.dynamic_gather %exp3A[%gather3A_494] in [0] : vector<16xf32>, vector<16xi32> -> vector<16xf32>
        %get3A_496 = arith.index_cast %add3A_448 : i32 to index
        %get3A_497 = arith.constant 64 : index
        %get3A_498 = tpu.vector_load %arg15[%get3A_496, %get3A_497] {strides = array<i32>} : memref<80x136xf32, #tpu.memory_space<vmem>>, vector<16xf32>,
        %mul3A_499 = arith.mulf %gather3A_495, %get3A_498 : vector<16xf32>
        %swap3A_500 = arith.index_cast %add3A_448 : i32 to index
        %swap3A_501 = arith.constant 64 : index
        %swap3A_502 = tpu.vector_load %arg19[%swap3A_500, %swap3A_501] {strides = array<i32>} : memref<80x136xf32, #tpu.memory_space<vmem>>, vector<16xf32>,
        tpu.vector_store %arg19[%swap3A_500, %swap3A_501], %mul3A_499 {strides = array<i32>} : memref<80x136xf32, #tpu.memory_space<vmem>>, vector<16xf32>,
        %broadcast_in_dim3A_503 = arith.constant 5 : i32
        %broadcast_in_dim3A_504 = vector.broadcast %broadcast_in_dim3A_503 : i32 to vector<16x1xi32>
        %gather3A_505 = vector.shape_cast %broadcast_in_dim3A_504 : vector<16x1xi32> to vector<16xi32>
        %gather3A_506 = tpu.dynamic_gather %exp3A[%gather3A_505] in [0] : vector<16xf32>, vector<16xi32> -> vector<16xf32>
        %get3A_507 = arith.index_cast %add3A_448 : i32 to index
        %get3A_508 = arith.constant 80 : index
        %get3A_509 = tpu.vector_load %arg15[%get3A_507, %get3A_508] {strides = array<i32>} : memref<80x136xf32, #tpu.memory_space<vmem>>, vector<16xf32>,
        %mul3A_510 = arith.mulf %gather3A_506, %get3A_509 : vector<16xf32>
        %swap3A_511 = arith.index_cast %add3A_448 : i32 to index
        %swap3A_512 = arith.constant 80 : index
        %swap3A_513 = tpu.vector_load %arg19[%swap3A_511, %swap3A_512] {strides = array<i32>} : memref<80x136xf32, #tpu.memory_space<vmem>>, vector<16xf32>,
        tpu.vector_store %arg19[%swap3A_511, %swap3A_512], %mul3A_510 {strides = array<i32>} : memref<80x136xf32, #tpu.memory_space<vmem>>, vector<16xf32>,
        %broadcast_in_dim3A_514 = arith.constant 6 : i32
        %broadcast_in_dim3A_515 = vector.broadcast %broadcast_in_dim3A_514 : i32 to vector<16x1xi32>
        %gather3A_516 = vector.shape_cast %broadcast_in_dim3A_515 : vector<16x1xi32> to vector<16xi32>
        %gather3A_517 = tpu.dynamic_gather %exp3A[%gather3A_516] in [0] : vector<16xf32>, vector<16xi32> -> vector<16xf32>
        %get3A_518 = arith.index_cast %add3A_448 : i32 to index
        %get3A_519 = arith.constant 96 : index
        %get3A_520 = tpu.vector_load %arg15[%get3A_518, %get3A_519] {strides = array<i32>} : memref<80x136xf32, #tpu.memory_space<vmem>>, vector<16xf32>,
        %mul3A_521 = arith.mulf %gather3A_517, %get3A_520 : vector<16xf32>
        %swap3A_522 = arith.index_cast %add3A_448 : i32 to index
        %swap3A_523 = arith.constant 96 : index
        %swap3A_524 = tpu.vector_load %arg19[%swap3A_522, %swap3A_523] {strides = array<i32>} : memref<80x136xf32, #tpu.memory_space<vmem>>, vector<16xf32>,
        tpu.vector_store %arg19[%swap3A_522, %swap3A_523], %mul3A_521 {strides = array<i32>} : memref<80x136xf32, #tpu.memory_space<vmem>>, vector<16xf32>,
        %broadcast_in_dim3A_525 = arith.constant 7 : i32
        %broadcast_in_dim3A_526 = vector.broadcast %broadcast_in_dim3A_525 : i32 to vector<16x1xi32>
        %gather3A_527 = vector.shape_cast %broadcast_in_dim3A_526 : vector<16x1xi32> to vector<16xi32>
        %gather3A_528 = tpu.dynamic_gather %exp3A[%gather3A_527] in [0] : vector<16xf32>, vector<16xi32> -> vector<16xf32>
        %get3A_529 = arith.index_cast %add3A_448 : i32 to index
        %get3A_530 = arith.constant 112 : index
        %get3A_531 = tpu.vector_load %arg15[%get3A_529, %get3A_530] {strides = array<i32>} : memref<80x136xf32, #tpu.memory_space<vmem>>, vector<16xf32>,
        %mul3A_532 = arith.mulf %gather3A_528, %get3A_531 : vector<16xf32>
        %swap3A_533 = arith.index_cast %add3A_448 : i32 to index
        %swap3A_534 = arith.constant 112 : index
        %swap3A_535 = tpu.vector_load %arg19[%swap3A_533, %swap3A_534] {strides = array<i32>} : memref<80x136xf32, #tpu.memory_space<vmem>>, vector<16xf32>,
        tpu.vector_store %arg19[%swap3A_533, %swap3A_534], %mul3A_532 {strides = array<i32>} : memref<80x136xf32, #tpu.memory_space<vmem>>, vector<16xf32>,
        %mul3A_536 = arith.constant 2 : i32
        %mul3A_537 = arith.muli %mul3A_536, %scan3A_428 : i32
        %add3A_538 = arith.constant 1 : i32
        %add3A_539 = arith.addi %mul3A_537, %add3A_538 : i32
        %broadcast_in_dim3A_540 = arith.constant 8 : i32
        %broadcast_in_dim3A_541 = vector.broadcast %broadcast_in_dim3A_540 : i32 to vector<16x1xi32>
        %gather3A_542 = vector.shape_cast %broadcast_in_dim3A_541 : vector<16x1xi32> to vector<16xi32>
        %gather3A_543 = tpu.dynamic_gather %exp3A[%gather3A_542] in [0] : vector<16xf32>, vector<16xi32> -> vector<16xf32>
        %get3A_544 = arith.index_cast %add3A_539 : i32 to index
        %get3A_545 = arith.constant 0 : index
        %get3A_546 = tpu.vector_load %arg15[%get3A_544, %get3A_545] {strides = array<i32>} : memref<80x136xf32, #tpu.memory_space<vmem>>, vector<16xf32>,
        %mul3A_547 = arith.mulf %gather3A_543, %get3A_546 : vector<16xf32>
        %swap3A_548 = arith.index_cast %add3A_539 : i32 to index
        %swap3A_549 = arith.constant 0 : index
        %swap3A_550 = tpu.vector_load %arg19[%swap3A_548, %swap3A_549] {strides = array<i32>} : memref<80x136xf32, #tpu.memory_space<vmem>>, vector<16xf32>,
        tpu.vector_store %arg19[%swap3A_548, %swap3A_549], %mul3A_547 {strides = array<i32>} : memref<80x136xf32, #tpu.memory_space<vmem>>, vector<16xf32>,
        %broadcast_in_dim3A_551 = arith.constant 9 : i32
        %broadcast_in_dim3A_552 = vector.broadcast %broadcast_in_dim3A_551 : i32 to vector<16x1xi32>
        %gather3A_553 = vector.shape_cast %broadcast_in_dim3A_552 : vector<16x1xi32> to vector<16xi32>
        %gather3A_554 = tpu.dynamic_gather %exp3A[%gather3A_553] in [0] : vector<16xf32>, vector<16xi32> -> vector<16xf32>
        %get3A_555 = arith.index_cast %add3A_539 : i32 to index
        %get3A_556 = arith.constant 16 : index
        %get3A_557 = tpu.vector_load %arg15[%get3A_555, %get3A_556] {strides = array<i32>} : memref<80x136xf32, #tpu.memory_space<vmem>>, vector<16xf32>,
        %mul3A_558 = arith.mulf %gather3A_554, %get3A_557 : vector<16xf32>
        %swap3A_559 = arith.index_cast %add3A_539 : i32 to index
        %swap3A_560 = arith.constant 16 : index
        %swap3A_561 = tpu.vector_load %arg19[%swap3A_559, %swap3A_560] {strides = array<i32>} : memref<80x136xf32, #tpu.memory_space<vmem>>, vector<16xf32>,
        tpu.vector_store %arg19[%swap3A_559, %swap3A_560], %mul3A_558 {strides = array<i32>} : memref<80x136xf32, #tpu.memory_space<vmem>>, vector<16xf32>,
        %broadcast_in_dim3A_562 = arith.constant 10 : i32
        %broadcast_in_dim3A_563 = vector.broadcast %broadcast_in_dim3A_562 : i32 to vector<16x1xi32>
        %gather3A_564 = vector.shape_cast %broadcast_in_dim3A_563 : vector<16x1xi32> to vector<16xi32>
        %gather3A_565 = tpu.dynamic_gather %exp3A[%gather3A_564] in [0] : vector<16xf32>, vector<16xi32> -> vector<16xf32>
        %get3A_566 = arith.index_cast %add3A_539 : i32 to index
        %get3A_567 = arith.constant 32 : index
        %get3A_568 = tpu.vector_load %arg15[%get3A_566, %get3A_567] {strides = array<i32>} : memref<80x136xf32, #tpu.memory_space<vmem>>, vector<16xf32>,
        %mul3A_569 = arith.mulf %gather3A_565, %get3A_568 : vector<16xf32>
        %swap3A_570 = arith.index_cast %add3A_539 : i32 to index
        %swap3A_571 = arith.constant 32 : index
        %swap3A_572 = tpu.vector_load %arg19[%swap3A_570, %swap3A_571] {strides = array<i32>} : memref<80x136xf32, #tpu.memory_space<vmem>>, vector<16xf32>,
        tpu.vector_store %arg19[%swap3A_570, %swap3A_571], %mul3A_569 {strides = array<i32>} : memref<80x136xf32, #tpu.memory_space<vmem>>, vector<16xf32>,
        %broadcast_in_dim3A_573 = arith.constant 11 : i32
        %broadcast_in_dim3A_574 = vector.broadcast %broadcast_in_dim3A_573 : i32 to vector<16x1xi32>
        %gather3A_575 = vector.shape_cast %broadcast_in_dim3A_574 : vector<16x1xi32> to vector<16xi32>
        %gather3A_576 = tpu.dynamic_gather %exp3A[%gather3A_575] in [0] : vector<16xf32>, vector<16xi32> -> vector<16xf32>
        %get3A_577 = arith.index_cast %add3A_539 : i32 to index
        %get3A_578 = arith.constant 48 : index
        %get3A_579 = tpu.vector_load %arg15[%get3A_577, %get3A_578] {strides = array<i32>} : memref<80x136xf32, #tpu.memory_space<vmem>>, vector<16xf32>,
        %mul3A_580 = arith.mulf %gather3A_576, %get3A_579 : vector<16xf32>
        %swap3A_581 = arith.index_cast %add3A_539 : i32 to index
        %swap3A_582 = arith.constant 48 : index
        %swap3A_583 = tpu.vector_load %arg19[%swap3A_581, %swap3A_582] {strides = array<i32>} : memref<80x136xf32, #tpu.memory_space<vmem>>, vector<16xf32>,
        tpu.vector_store %arg19[%swap3A_581, %swap3A_582], %mul3A_580 {strides = array<i32>} : memref<80x136xf32, #tpu.memory_space<vmem>>, vector<16xf32>,
        %broadcast_in_dim3A_584 = arith.constant 12 : i32
        %broadcast_in_dim3A_585 = vector.broadcast %broadcast_in_dim3A_584 : i32 to vector<16x1xi32>
        %gather3A_586 = vector.shape_cast %broadcast_in_dim3A_585 : vector<16x1xi32> to vector<16xi32>
        %gather3A_587 = tpu.dynamic_gather %exp3A[%gather3A_586] in [0] : vector<16xf32>, vector<16xi32> -> vector<16xf32>
        %get3A_588 = arith.index_cast %add3A_539 : i32 to index
        %get3A_589 = arith.constant 64 : index
        %get3A_590 = tpu.vector_load %arg15[%get3A_588, %get3A_589] {strides = array<i32>} : memref<80x136xf32, #tpu.memory_space<vmem>>, vector<16xf32>,
        %mul3A_591 = arith.mulf %gather3A_587, %get3A_590 : vector<16xf32>
        %swap3A_592 = arith.index_cast %add3A_539 : i32 to index
        %swap3A_593 = arith.constant 64 : index
        %swap3A_594 = tpu.vector_load %arg19[%swap3A_592, %swap3A_593] {strides = array<i32>} : memref<80x136xf32, #tpu.memory_space<vmem>>, vector<16xf32>,
        tpu.vector_store %arg19[%swap3A_592, %swap3A_593], %mul3A_591 {strides = array<i32>} : memref<80x136xf32, #tpu.memory_space<vmem>>, vector<16xf32>,
        %broadcast_in_dim3A_595 = arith.constant 13 : i32
        %broadcast_in_dim3A_596 = vector.broadcast %broadcast_in_dim3A_595 : i32 to vector<16x1xi32>
        %gather3A_597 = vector.shape_cast %broadcast_in_dim3A_596 : vector<16x1xi32> to vector<16xi32>
        %gather3A_598 = tpu.dynamic_gather %exp3A[%gather3A_597] in [0] : vector<16xf32>, vector<16xi32> -> vector<16xf32>
        %get3A_599 = arith.index_cast %add3A_539 : i32 to index
        %get3A_600 = arith.constant 80 : index
        %get3A_601 = tpu.vector_load %arg15[%get3A_599, %get3A_600] {strides = array<i32>} : memref<80x136xf32, #tpu.memory_space<vmem>>, vector<16xf32>,
        %mul3A_602 = arith.mulf %gather3A_598, %get3A_601 : vector<16xf32>
        %swap3A_603 = arith.index_cast %add3A_539 : i32 to index
        %swap3A_604 = arith.constant 80 : index
        %swap3A_605 = tpu.vector_load %arg19[%swap3A_603, %swap3A_604] {strides = array<i32>} : memref<80x136xf32, #tpu.memory_space<vmem>>, vector<16xf32>,
        tpu.vector_store %arg19[%swap3A_603, %swap3A_604], %mul3A_602 {strides = array<i32>} : memref<80x136xf32, #tpu.memory_space<vmem>>, vector<16xf32>,
        %broadcast_in_dim3A_606 = arith.constant 14 : i32
        %broadcast_in_dim3A_607 = vector.broadcast %broadcast_in_dim3A_606 : i32 to vector<16x1xi32>
        %gather3A_608 = vector.shape_cast %broadcast_in_dim3A_607 : vector<16x1xi32> to vector<16xi32>
        %gather3A_609 = tpu.dynamic_gather %exp3A[%gather3A_608] in [0] : vector<16xf32>, vector<16xi32> -> vector<16xf32>
        %get3A_610 = arith.index_cast %add3A_539 : i32 to index
        %get3A_611 = arith.constant 96 : index
        %get3A_612 = tpu.vector_load %arg15[%get3A_610, %get3A_611] {strides = array<i32>} : memref<80x136xf32, #tpu.memory_space<vmem>>, vector<16xf32>,
        %mul3A_613 = arith.mulf %gather3A_609, %get3A_612 : vector<16xf32>
        %swap3A_614 = arith.index_cast %add3A_539 : i32 to index
        %swap3A_615 = arith.constant 96 : index
        %swap3A_616 = tpu.vector_load %arg19[%swap3A_614, %swap3A_615] {strides = array<i32>} : memref<80x136xf32, #tpu.memory_space<vmem>>, vector<16xf32>,
        tpu.vector_store %arg19[%swap3A_614, %swap3A_615], %mul3A_613 {strides = array<i32>} : memref<80x136xf32, #tpu.memory_space<vmem>>, vector<16xf32>,
        %broadcast_in_dim3A_617 = arith.constant 15 : i32
        %broadcast_in_dim3A_618 = vector.broadcast %broadcast_in_dim3A_617 : i32 to vector<16x1xi32>
        %gather3A_619 = vector.shape_cast %broadcast_in_dim3A_618 : vector<16x1xi32> to vector<16xi32>
        %gather3A_620 = tpu.dynamic_gather %exp3A[%gather3A_619] in [0] : vector<16xf32>, vector<16xi32> -> vector<16xf32>
        %get3A_621 = arith.index_cast %add3A_539 : i32 to index
        %get3A_622 = arith.constant 112 : index
        %get3A_623 = tpu.vector_load %arg15[%get3A_621, %get3A_622] {strides = array<i32>} : memref<80x136xf32, #tpu.memory_space<vmem>>, vector<16xf32>,
        %mul3A_624 = arith.mulf %gather3A_620, %get3A_623 : vector<16xf32>
        %swap3A_625 = arith.index_cast %add3A_539 : i32 to index
        %swap3A_626 = arith.constant 112 : index
        %swap3A_627 = tpu.vector_load %arg19[%swap3A_625, %swap3A_626] {strides = array<i32>} : memref<80x136xf32, #tpu.memory_space<vmem>>, vector<16xf32>,
        tpu.vector_store %arg19[%swap3A_625, %swap3A_626], %mul3A_624 {strides = array<i32>} : memref<80x136xf32, #tpu.memory_space<vmem>>, vector<16xf32>,
      }
      %scan3A_395 = arith.constant 40 : i32
      %get3A_396 = arith.constant 0 : index
      %get3A_397 = tpu.vector_load %arg13[%get3A_396] {strides = array<i32>} : memref<80xi32, #tpu.memory_space<vmem>>, vector<16xi32>,
      %swap3A_398 = arith.constant 0 : index
      %swap3A_399 = tpu.vector_load %arg21[%swap3A_398] {strides = array<i32>} : memref<80xi32, #tpu.memory_space<vmem>>, vector<16xi32>,
      tpu.vector_store %arg21[%swap3A_398], %get3A_397 {strides = array<i32>} : memref<80xi32, #tpu.memory_space<vmem>>, vector<16xi32>,
      %get3A_400 = arith.constant 16 : index
      %get3A_401 = tpu.vector_load %arg13[%get3A_400] {strides = array<i32>} : memref<80xi32, #tpu.memory_space<vmem>>, vector<16xi32>,
      %swap3A_402 = arith.constant 16 : index
      %swap3A_403 = tpu.vector_load %arg21[%swap3A_402] {strides = array<i32>} : memref<80xi32, #tpu.memory_space<vmem>>, vector<16xi32>,
      tpu.vector_store %arg21[%swap3A_402], %get3A_401 {strides = array<i32>} : memref<80xi32, #tpu.memory_space<vmem>>, vector<16xi32>,
      %get3A_404 = arith.constant 32 : index
      %get3A_405 = tpu.vector_load %arg13[%get3A_404] {strides = array<i32>} : memref<80xi32, #tpu.memory_space<vmem>>, vector<16xi32>,
      %swap3A_406 = arith.constant 32 : index
      %swap3A_407 = tpu.vector_load %arg21[%swap3A_406] {strides = array<i32>} : memref<80xi32, #tpu.memory_space<vmem>>, vector<16xi32>,
      tpu.vector_store %arg21[%swap3A_406], %get3A_405 {strides = array<i32>} : memref<80xi32, #tpu.memory_space<vmem>>, vector<16xi32>,
      %get3A_408 = arith.constant 48 : index
      %get3A_409 = tpu.vector_load %arg13[%get3A_408] {strides = array<i32>} : memref<80xi32, #tpu.memory_space<vmem>>, vector<16xi32>,
      %swap3A_410 = arith.constant 48 : index
      %swap3A_411 = tpu.vector_load %arg21[%swap3A_410] {strides = array<i32>} : memref<80xi32, #tpu.memory_space<vmem>>, vector<16xi32>,
      tpu.vector_store %arg21[%swap3A_410], %get3A_409 {strides = array<i32>} : memref<80xi32, #tpu.memory_space<vmem>>, vector<16xi32>,
      %get3A_412 = arith.constant 64 : index
      %get3A_413 = tpu.vector_load %arg13[%get3A_412] {strides = array<i32>} : memref<80xi32, #tpu.memory_space<vmem>>, vector<16xi32>,
      %swap3A_414 = arith.constant 64 : index
      %swap3A_415 = tpu.vector_load %arg21[%swap3A_414] {strides = array<i32>} : memref<80xi32, #tpu.memory_space<vmem>>, vector<16xi32>,
      tpu.vector_store %arg21[%swap3A_414], %get3A_413 {strides = array<i32>} : memref<80xi32, #tpu.memory_space<vmem>>, vector<16xi32>,
      %dma_start3A_416 = arith.constant 0 : i32
      %dma_start3A_417 = arith.constant 0 : i32
      %dma_start3A_418 = tpu.memref_slice %arg9[%dma_start3A_416, %dma_start3A_417] : memref<10000x136xf32, #tpu.memory_space<vmem_shared>> -> memref<10000x136xf32, #tpu.memory_space<vmem_shared>>
      tpu.enqueue_indirect_dma source(%arg19 : memref<80x136xf32, #tpu.memory_space<vmem>>) target(%dma_start3A_418 : memref<10000x136xf32, #tpu.memory_space<vmem_shared>>) offsets(%arg21 : memref<80xi32, #tpu.memory_space<vmem>>) semaphore(%arg28 : memref<!tpu.dma_semaphore, #tpu.memory_space<semaphore_mem>>) {add = true}
      %add3A_419 = arith.constant 2 : i32
      %add3A_420 = arith.addi %add3A_357, %add3A_419 : i32
      %mul3A_421 = arith.constant 80 : i32
      %mul3A_422 = arith.muli %add3A_420, %mul3A_421 : i32
      %add3A_423 = arith.addi %mul3A_4, %mul3A_422 : i32
      %dma_start3A_424 = tpu.memref_slice %arg5[%add3A_423] : memref<320000xi32, #tpu.memory_space<hbm>> -> memref<80xi32, #tpu.memory_space<hbm>>
      %dma_start3A_425 = tpu.memref_slice %arg5[%add3A_423] : memref<320000xi32, #tpu.memory_space<hbm>> -> memref<80xi32, #tpu.memory_space<hbm>>
      tpu.enqueue_dma source(%dma_start3A_425 : memref<80xi32, #tpu.memory_space<hbm>>) target(%arg11 : memref<80xi32, #tpu.memory_space<vmem>>) target_semaphore(%arg26 : memref<!tpu.dma_semaphore, #tpu.memory_space<semaphore_mem>>)
      %dma_start3A_426 = tpu.memref_slice %arg6[%add3A_423] : memref<320000xi32, #tpu.memory_space<hbm>> -> memref<80xi32, #tpu.memory_space<hbm>>
      %dma_start3A_427 = tpu.memref_slice %arg6[%add3A_423] : memref<320000xi32, #tpu.memory_space<hbm>> -> memref<80xi32, #tpu.memory_space<hbm>>
      tpu.enqueue_dma source(%dma_start3A_427 : memref<80xi32, #tpu.memory_space<hbm>>) target(%arg13 : memref<80xi32, #tpu.memory_space<vmem>>) target_semaphore(%arg26 : memref<!tpu.dma_semaphore, #tpu.memory_space<semaphore_mem>>)
    }
    %scan3A_86 = arith.constant 61 : i32
    %dma_wait3A_87 = arith.constant 0 : i32
    %dma_wait3A_88 = tpu.memref_slice %arg5[%dma_wait3A_87] : memref<320000xi32, #tpu.memory_space<hbm>> -> memref<80xi32, #tpu.memory_space<hbm>>
    %dma_wait3A_89 = arith.constant 0 : i32
    %dma_wait3A_90 = tpu.memref_slice %arg5[%dma_wait3A_89] : memref<320000xi32, #tpu.memory_space<hbm>> -> memref<80xi32, #tpu.memory_space<hbm>>
    tpu.wait_dma2 semaphore(%arg26 : memref<!tpu.dma_semaphore, #tpu.memory_space<semaphore_mem>>) src(%dma_wait3A_90 : memref<80xi32, #tpu.memory_space<hbm>>) dst(%arg11 : memref<80xi32, #tpu.memory_space<vmem>>)
    %dma_wait3A_91 = arith.constant 0 : i32
    %dma_wait3A_92 = tpu.memref_slice %arg6[%dma_wait3A_91] : memref<320000xi32, #tpu.memory_space<hbm>> -> memref<80xi32, #tpu.memory_space<hbm>>
    %dma_wait3A_93 = arith.constant 0 : i32
    %dma_wait3A_94 = tpu.memref_slice %arg6[%dma_wait3A_93] : memref<320000xi32, #tpu.memory_space<hbm>> -> memref<80xi32, #tpu.memory_space<hbm>>
    tpu.wait_dma2 semaphore(%arg26 : memref<!tpu.dma_semaphore, #tpu.memory_space<semaphore_mem>>) src(%dma_wait3A_94 : memref<80xi32, #tpu.memory_space<hbm>>) dst(%arg13 : memref<80xi32, #tpu.memory_space<vmem>>)
    %dma_start3A_95 = arith.constant 0 : i32
    %dma_start3A_96 = arith.constant 0 : i32
    %dma_start3A_97 = tpu.memref_slice %arg2[%dma_start3A_95, %dma_start3A_96] : memref<10000x136xf32, #tpu.memory_space<hbm>> -> memref<10000x136xf32, #tpu.memory_space<hbm>>
    tpu.enqueue_indirect_dma source(%dma_start3A_97 : memref<10000x136xf32, #tpu.memory_space<hbm>>) target(%arg15 : memref<80x136xf32, #tpu.memory_space<vmem>>) offsets(%arg11 : memref<80xi32, #tpu.memory_space<vmem>>) semaphore(%arg24 : memref<!tpu.dma_semaphore, #tpu.memory_space<semaphore_mem>>)
    %dma_start3A_98 = arith.constant 0 : i32
    %dma_start3A_99 = arith.constant 0 : i32
    %dma_start3A_100 = tpu.memref_slice %arg3[%dma_start3A_98, %dma_start3A_99] : memref<10000x8xf32, #tpu.memory_space<hbm>> -> memref<10000x8xf32, #tpu.memory_space<hbm>>
    tpu.enqueue_indirect_dma source(%dma_start3A_100 : memref<10000x8xf32, #tpu.memory_space<hbm>>) target(%arg17 : memref<80x8xf32, #tpu.memory_space<vmem>>) offsets(%arg13 : memref<80xi32, #tpu.memory_space<vmem>>) semaphore(%arg24 : memref<!tpu.dma_semaphore, #tpu.memory_space<semaphore_mem>>)
    %dma_wait3A_101 = arith.constant 0 : i32
    %dma_wait3A_102 = arith.constant 0 : i32
    %dma_wait3A_103 = tpu.memref_slice %arg2[%dma_wait3A_101, %dma_wait3A_102] : memref<10000x136xf32, #tpu.memory_space<hbm>> -> memref<80x136xf32, #tpu.memory_space<hbm>>
    %dma_wait3A_104 = arith.constant 0 : i32
    %dma_wait3A_105 = arith.constant 0 : i32
    %dma_wait3A_106 = tpu.memref_slice %arg2[%dma_wait3A_104, %dma_wait3A_105] : memref<10000x136xf32, #tpu.memory_space<hbm>> -> memref<80x136xf32, #tpu.memory_space<hbm>>
    tpu.wait_dma2 semaphore(%arg23 : memref<!tpu.dma_semaphore, #tpu.memory_space<semaphore_mem>>) src(%dma_wait3A_106 : memref<80x136xf32, #tpu.memory_space<hbm>>) dst(%arg14 : memref<80x136xf32, #tpu.memory_space<vmem>>)
    %dma_wait3A_107 = arith.constant 0 : i32
    %dma_wait3A_108 = arith.constant 0 : i32
    %dma_wait3A_109 = tpu.memref_slice %arg3[%dma_wait3A_107, %dma_wait3A_108] : memref<10000x8xf32, #tpu.memory_space<hbm>> -> memref<80x8xf32, #tpu.memory_space<hbm>>
    %dma_wait3A_110 = arith.constant 0 : i32
    %dma_wait3A_111 = arith.constant 0 : i32
    %dma_wait3A_112 = tpu.memref_slice %arg3[%dma_wait3A_110, %dma_wait3A_111] : memref<10000x8xf32, #tpu.memory_space<hbm>> -> memref<80x8xf32, #tpu.memory_space<hbm>>
    tpu.wait_dma2 semaphore(%arg23 : memref<!tpu.dma_semaphore, #tpu.memory_space<semaphore_mem>>) src(%dma_wait3A_112 : memref<80x8xf32, #tpu.memory_space<hbm>>) dst(%arg16 : memref<80x8xf32, #tpu.memory_space<vmem>>)
    %dma_wait3A_113 = arith.constant 0 : i32
    %dma_wait3A_114 = arith.constant 0 : i32
    %dma_wait3A_115 = tpu.memref_slice %arg9[%dma_wait3A_113, %dma_wait3A_114] : memref<10000x136xf32, #tpu.memory_space<vmem_shared>> -> memref<80x136xf32, #tpu.memory_space<vmem_shared>>
    %dma_wait3A_116 = arith.constant 0 : i32
    %dma_wait3A_117 = arith.constant 0 : i32
    %dma_wait3A_118 = tpu.memref_slice %arg9[%dma_wait3A_116, %dma_wait3A_117] : memref<10000x136xf32, #tpu.memory_space<vmem_shared>> -> memref<80x136xf32, #tpu.memory_space<vmem_shared>>
    tpu.wait_dma2 semaphore(%arg27 : memref<!tpu.dma_semaphore, #tpu.memory_space<semaphore_mem>>) src(%arg18 : memref<80x136xf32, #tpu.memory_space<vmem>>) dst(%dma_wait3A_118 : memref<80x136xf32, #tpu.memory_space<vmem_shared>>)
    %scan3A_119 = arith.constant 0 : i32
    %scan3A_120 = arith.constant 0 : i32
    %scan3A_121 = arith.constant 40 : i32
    %scan3A_122 = arith.addi %scan3A_120, %scan3A_121 : i32
    %scan3A_123 = arith.constant 1 : i32
    scf.for %scan3A_279 = %scan3A_120 to %scan3A_122 step %scan3A_123  : i32 {
      %mul3A_280 = arith.constant 2 : i32
      %mul3A_281 = arith.muli %mul3A_280, %scan3A_279 : i32
      %add3A_282 = vector.broadcast %mul3A_281 : i32 to vector<16xi32>
      %add3A_283 = arith.addi %select_n3A, %add3A_282 : vector<16xi32>
      %add3A_284 = arith.constant 128 : i32
      %add3A_285 = vector.broadcast %add3A_284 : i32 to vector<16xi32>
      %add3A_286 = arith.addi %add3A_285, %select_n3A_56 : vector<16xi32>
      %gather3A = tpu.vector_load_idx %arg14[%add3A_283, %add3A_286] : memref<80x136xf32, #tpu.memory_space<vmem>>[vector<16xi32>, vector<16xi32>], vector<16xf32>,
      %gather3A_287 = tpu.vector_load_idx %arg16[%add3A_283, %select_n3A_56] : memref<80x8xf32, #tpu.memory_space<vmem>>[vector<16xi32>, vector<16xi32>], vector<16xf32>,
      %add3A_288 = arith.addf %gather3A, %gather3A_287 : vector<16xf32>
      %mul3A_289 = arith.constant 2.000000e-01 : f32
      %mul3A_290 = vector.broadcast %mul3A_289 : f32 to vector<16xf32>
      %mul3A_291 = arith.mulf %mul3A_290, %add3A_288 : vector<16xf32>
      %max3A = arith.maximumf %add3A_288, %mul3A_291 : vector<16xf32>
      %sub3A_292 = arith.subf %max3A, %get3A_12 : vector<16xf32>
      %exp3A = math.exp %sub3A_292 : vector<16xf32>
      %add3A_293 = arith.constant 128 : i32
      %add3A_294 = vector.broadcast %add3A_293 : i32 to vector<16xi32>
      %add3A_295 = arith.addi %add3A_294, %select_n3A_56 : vector<16xi32>
      tpu.vector_store_idx %arg18[%add3A_283, %add3A_295], %exp3A : memref<80x136xf32, #tpu.memory_space<vmem>>[vector<16xi32>, vector<16xi32>], vector<16xf32>,
      %mul3A_296 = arith.constant 2 : i32
      %mul3A_297 = arith.muli %mul3A_296, %scan3A_279 : i32
      %add3A_298 = arith.constant 0 : i32
      %add3A_299 = arith.addi %mul3A_297, %add3A_298 : i32
      %broadcast_in_dim3A = arith.constant 0 : i32
      %broadcast_in_dim3A_300 = vector.broadcast %broadcast_in_dim3A : i32 to vector<16x1xi32>
      %gather3A_301 = vector.shape_cast %broadcast_in_dim3A_300 : vector<16x1xi32> to vector<16xi32>
      %gather3A_302 = tpu.dynamic_gather %exp3A[%gather3A_301] in [0] : vector<16xf32>, vector<16xi32> -> vector<16xf32>
      %get3A_303 = arith.index_cast %add3A_299 : i32 to index
      %get3A_304 = arith.constant 0 : index
      %get3A_305 = tpu.vector_load %arg14[%get3A_303, %get3A_304] {strides = array<i32>} : memref<80x136xf32, #tpu.memory_space<vmem>>, vector<16xf32>,
      %mul3A_306 = arith.mulf %gather3A_302, %get3A_305 : vector<16xf32>
      %swap3A_307 = arith.index_cast %add3A_299 : i32 to index
      %swap3A_308 = arith.constant 0 : index
      %swap3A_309 = tpu.vector_load %arg18[%swap3A_307, %swap3A_308] {strides = array<i32>} : memref<80x136xf32, #tpu.memory_space<vmem>>, vector<16xf32>,
      tpu.vector_store %arg18[%swap3A_307, %swap3A_308], %mul3A_306 {strides = array<i32>} : memref<80x136xf32, #tpu.memory_space<vmem>>, vector<16xf32>,
      %broadcast_in_dim3A_310 = arith.constant 1 : i32
      %broadcast_in_dim3A_311 = vector.broadcast %broadcast_in_dim3A_310 : i32 to vector<16x1xi32>
      %gather3A_312 = vector.shape_cast %broadcast_in_dim3A_311 : vector<16x1xi32> to vector<16xi32>
      %gather3A_313 = tpu.dynamic_gather %exp3A[%gather3A_312] in [0] : vector<16xf32>, vector<16xi32> -> vector<16xf32>
      %get3A_314 = arith.index_cast %add3A_299 : i32 to index
      %get3A_315 = arith.constant 16 : index
      %get3A_316 = tpu.vector_load %arg14[%get3A_314, %get3A_315] {strides = array<i32>} : memref<80x136xf32, #tpu.memory_space<vmem>>, vector<16xf32>,
      %mul3A_317 = arith.mulf %gather3A_313, %get3A_316 : vector<16xf32>
      %swap3A_318 = arith.index_cast %add3A_299 : i32 to index
      %swap3A_319 = arith.constant 16 : index
      %swap3A_320 = tpu.vector_load %arg18[%swap3A_318, %swap3A_319] {strides = array<i32>} : memref<80x136xf32, #tpu.memory_space<vmem>>, vector<16xf32>,
      tpu.vector_store %arg18[%swap3A_318, %swap3A_319], %mul3A_317 {strides = array<i32>} : memref<80x136xf32, #tpu.memory_space<vmem>>, vector<16xf32>,
      %broadcast_in_dim3A_321 = arith.constant 2 : i32
      %broadcast_in_dim3A_322 = vector.broadcast %broadcast_in_dim3A_321 : i32 to vector<16x1xi32>
      %gather3A_323 = vector.shape_cast %broadcast_in_dim3A_322 : vector<16x1xi32> to vector<16xi32>
      %gather3A_324 = tpu.dynamic_gather %exp3A[%gather3A_323] in [0] : vector<16xf32>, vector<16xi32> -> vector<16xf32>
      %get3A_325 = arith.index_cast %add3A_299 : i32 to index
      %get3A_326 = arith.constant 32 : index
      %get3A_327 = tpu.vector_load %arg14[%get3A_325, %get3A_326] {strides = array<i32>} : memref<80x136xf32, #tpu.memory_space<vmem>>, vector<16xf32>,
      %mul3A_328 = arith.mulf %gather3A_324, %get3A_327 : vector<16xf32>
      %swap3A_329 = arith.index_cast %add3A_299 : i32 to index
      %swap3A_330 = arith.constant 32 : index
      %swap3A_331 = tpu.vector_load %arg18[%swap3A_329, %swap3A_330] {strides = array<i32>} : memref<80x136xf32, #tpu.memory_space<vmem>>, vector<16xf32>,
      tpu.vector_store %arg18[%swap3A_329, %swap3A_330], %mul3A_328 {strides = array<i32>} : memref<80x136xf32, #tpu.memory_space<vmem>>, vector<16xf32>,
      %broadcast_in_dim3A_332 = arith.constant 3 : i32
      %broadcast_in_dim3A_333 = vector.broadcast %broadcast_in_dim3A_332 : i32 to vector<16x1xi32>
      %gather3A_334 = vector.shape_cast %broadcast_in_dim3A_333 : vector<16x1xi32> to vector<16xi32>
      %gather3A_335 = tpu.dynamic_gather %exp3A[%gather3A_334] in [0] : vector<16xf32>, vector<16xi32> -> vector<16xf32>
      %get3A_336 = arith.index_cast %add3A_299 : i32 to index
      %get3A_337 = arith.constant 48 : index
      %get3A_338 = tpu.vector_load %arg14[%get3A_336, %get3A_337] {strides = array<i32>} : memref<80x136xf32, #tpu.memory_space<vmem>>, vector<16xf32>,
      %mul3A_339 = arith.mulf %gather3A_335, %get3A_338 : vector<16xf32>
      %swap3A_340 = arith.index_cast %add3A_299 : i32 to index
      %swap3A_341 = arith.constant 48 : index
      %swap3A_342 = tpu.vector_load %arg18[%swap3A_340, %swap3A_341] {strides = array<i32>} : memref<80x136xf32, #tpu.memory_space<vmem>>, vector<16xf32>,
      tpu.vector_store %arg18[%swap3A_340, %swap3A_341], %mul3A_339 {strides = array<i32>} : memref<80x136xf32, #tpu.memory_space<vmem>>, vector<16xf32>,
      %broadcast_in_dim3A_343 = arith.constant 4 : i32
      %broadcast_in_dim3A_344 = vector.broadcast %broadcast_in_dim3A_343 : i32 to vector<16x1xi32>
      %gather3A_345 = vector.shape_cast %broadcast_in_dim3A_344 : vector<16x1xi32> to vector<16xi32>
      %gather3A_346 = tpu.dynamic_gather %exp3A[%gather3A_345] in [0] : vector<16xf32>, vector<16xi32> -> vector<16xf32>
      %get3A_347 = arith.index_cast %add3A_299 : i32 to index
      %get3A_348 = arith.constant 64 : index
      %get3A_349 = tpu.vector_load %arg14[%get3A_347, %get3A_348] {strides = array<i32>} : memref<80x136xf32, #tpu.memory_space<vmem>>, vector<16xf32>,
      %mul3A_350 = arith.mulf %gather3A_346, %get3A_349 : vector<16xf32>
      %swap3A_351 = arith.index_cast %add3A_299 : i32 to index
      %swap3A_352 = arith.constant 64 : index
      %swap3A_353 = tpu.vector_load %arg18[%swap3A_351, %swap3A_352] {strides = array<i32>} : memref<80x136xf32, #tpu.memory_space<vmem>>, vector<16xf32>,
      tpu.vector_store %arg18[%swap3A_351, %swap3A_352], %mul3A_350 {strides = array<i32>} : memref<80x136xf32, #tpu.memory_space<vmem>>, vector<16xf32>,
      %broadcast_in_dim3A_354 = arith.constant 5 : i32
      %broadcast_in_dim3A_355 = vector.broadcast %broadcast_in_dim3A_354 : i32 to vector<16x1xi32>
      %gather3A_356 = vector.shape_cast %broadcast_in_dim3A_355 : vector<16x1xi32> to vector<16xi32>
      %gather3A_357 = tpu.dynamic_gather %exp3A[%gather3A_356] in [0] : vector<16xf32>, vector<16xi32> -> vector<16xf32>
      %get3A_358 = arith.index_cast %add3A_299 : i32 to index
      %get3A_359 = arith.constant 80 : index
      %get3A_360 = tpu.vector_load %arg14[%get3A_358, %get3A_359] {strides = array<i32>} : memref<80x136xf32, #tpu.memory_space<vmem>>, vector<16xf32>,
      %mul3A_361 = arith.mulf %gather3A_357, %get3A_360 : vector<16xf32>
      %swap3A_362 = arith.index_cast %add3A_299 : i32 to index
      %swap3A_363 = arith.constant 80 : index
      %swap3A_364 = tpu.vector_load %arg18[%swap3A_362, %swap3A_363] {strides = array<i32>} : memref<80x136xf32, #tpu.memory_space<vmem>>, vector<16xf32>,
      tpu.vector_store %arg18[%swap3A_362, %swap3A_363], %mul3A_361 {strides = array<i32>} : memref<80x136xf32, #tpu.memory_space<vmem>>, vector<16xf32>,
      %broadcast_in_dim3A_365 = arith.constant 6 : i32
      %broadcast_in_dim3A_366 = vector.broadcast %broadcast_in_dim3A_365 : i32 to vector<16x1xi32>
      %gather3A_367 = vector.shape_cast %broadcast_in_dim3A_366 : vector<16x1xi32> to vector<16xi32>
      %gather3A_368 = tpu.dynamic_gather %exp3A[%gather3A_367] in [0] : vector<16xf32>, vector<16xi32> -> vector<16xf32>
      %get3A_369 = arith.index_cast %add3A_299 : i32 to index
      %get3A_370 = arith.constant 96 : index
      %get3A_371 = tpu.vector_load %arg14[%get3A_369, %get3A_370] {strides = array<i32>} : memref<80x136xf32, #tpu.memory_space<vmem>>, vector<16xf32>,
      %mul3A_372 = arith.mulf %gather3A_368, %get3A_371 : vector<16xf32>
      %swap3A_373 = arith.index_cast %add3A_299 : i32 to index
      %swap3A_374 = arith.constant 96 : index
      %swap3A_375 = tpu.vector_load %arg18[%swap3A_373, %swap3A_374] {strides = array<i32>} : memref<80x136xf32, #tpu.memory_space<vmem>>, vector<16xf32>,
      tpu.vector_store %arg18[%swap3A_373, %swap3A_374], %mul3A_372 {strides = array<i32>} : memref<80x136xf32, #tpu.memory_space<vmem>>, vector<16xf32>,
      %broadcast_in_dim3A_376 = arith.constant 7 : i32
      %broadcast_in_dim3A_377 = vector.broadcast %broadcast_in_dim3A_376 : i32 to vector<16x1xi32>
      %gather3A_378 = vector.shape_cast %broadcast_in_dim3A_377 : vector<16x1xi32> to vector<16xi32>
      %gather3A_379 = tpu.dynamic_gather %exp3A[%gather3A_378] in [0] : vector<16xf32>, vector<16xi32> -> vector<16xf32>
      %get3A_380 = arith.index_cast %add3A_299 : i32 to index
      %get3A_381 = arith.constant 112 : index
      %get3A_382 = tpu.vector_load %arg14[%get3A_380, %get3A_381] {strides = array<i32>} : memref<80x136xf32, #tpu.memory_space<vmem>>, vector<16xf32>,
      %mul3A_383 = arith.mulf %gather3A_379, %get3A_382 : vector<16xf32>
      %swap3A_384 = arith.index_cast %add3A_299 : i32 to index
      %swap3A_385 = arith.constant 112 : index
      %swap3A_386 = tpu.vector_load %arg18[%swap3A_384, %swap3A_385] {strides = array<i32>} : memref<80x136xf32, #tpu.memory_space<vmem>>, vector<16xf32>,
      tpu.vector_store %arg18[%swap3A_384, %swap3A_385], %mul3A_383 {strides = array<i32>} : memref<80x136xf32, #tpu.memory_space<vmem>>, vector<16xf32>,
      %mul3A_387 = arith.constant 2 : i32
      %mul3A_388 = arith.muli %mul3A_387, %scan3A_279 : i32
      %add3A_389 = arith.constant 1 : i32
      %add3A_390 = arith.addi %mul3A_388, %add3A_389 : i32
      %broadcast_in_dim3A_391 = arith.constant 8 : i32
      %broadcast_in_dim3A_392 = vector.broadcast %broadcast_in_dim3A_391 : i32 to vector<16x1xi32>
      %gather3A_393 = vector.shape_cast %broadcast_in_dim3A_392 : vector<16x1xi32> to vector<16xi32>
      %gather3A_394 = tpu.dynamic_gather %exp3A[%gather3A_393] in [0] : vector<16xf32>, vector<16xi32> -> vector<16xf32>
      %get3A_395 = arith.index_cast %add3A_390 : i32 to index
      %get3A_396 = arith.constant 0 : index
      %get3A_397 = tpu.vector_load %arg14[%get3A_395, %get3A_396] {strides = array<i32>} : memref<80x136xf32, #tpu.memory_space<vmem>>, vector<16xf32>,
      %mul3A_398 = arith.mulf %gather3A_394, %get3A_397 : vector<16xf32>
      %swap3A_399 = arith.index_cast %add3A_390 : i32 to index
      %swap3A_400 = arith.constant 0 : index
      %swap3A_401 = tpu.vector_load %arg18[%swap3A_399, %swap3A_400] {strides = array<i32>} : memref<80x136xf32, #tpu.memory_space<vmem>>, vector<16xf32>,
      tpu.vector_store %arg18[%swap3A_399, %swap3A_400], %mul3A_398 {strides = array<i32>} : memref<80x136xf32, #tpu.memory_space<vmem>>, vector<16xf32>,
      %broadcast_in_dim3A_402 = arith.constant 9 : i32
      %broadcast_in_dim3A_403 = vector.broadcast %broadcast_in_dim3A_402 : i32 to vector<16x1xi32>
      %gather3A_404 = vector.shape_cast %broadcast_in_dim3A_403 : vector<16x1xi32> to vector<16xi32>
      %gather3A_405 = tpu.dynamic_gather %exp3A[%gather3A_404] in [0] : vector<16xf32>, vector<16xi32> -> vector<16xf32>
      %get3A_406 = arith.index_cast %add3A_390 : i32 to index
      %get3A_407 = arith.constant 16 : index
      %get3A_408 = tpu.vector_load %arg14[%get3A_406, %get3A_407] {strides = array<i32>} : memref<80x136xf32, #tpu.memory_space<vmem>>, vector<16xf32>,
      %mul3A_409 = arith.mulf %gather3A_405, %get3A_408 : vector<16xf32>
      %swap3A_410 = arith.index_cast %add3A_390 : i32 to index
      %swap3A_411 = arith.constant 16 : index
      %swap3A_412 = tpu.vector_load %arg18[%swap3A_410, %swap3A_411] {strides = array<i32>} : memref<80x136xf32, #tpu.memory_space<vmem>>, vector<16xf32>,
      tpu.vector_store %arg18[%swap3A_410, %swap3A_411], %mul3A_409 {strides = array<i32>} : memref<80x136xf32, #tpu.memory_space<vmem>>, vector<16xf32>,
      %broadcast_in_dim3A_413 = arith.constant 10 : i32
      %broadcast_in_dim3A_414 = vector.broadcast %broadcast_in_dim3A_413 : i32 to vector<16x1xi32>
      %gather3A_415 = vector.shape_cast %broadcast_in_dim3A_414 : vector<16x1xi32> to vector<16xi32>
      %gather3A_416 = tpu.dynamic_gather %exp3A[%gather3A_415] in [0] : vector<16xf32>, vector<16xi32> -> vector<16xf32>
      %get3A_417 = arith.index_cast %add3A_390 : i32 to index
      %get3A_418 = arith.constant 32 : index
      %get3A_419 = tpu.vector_load %arg14[%get3A_417, %get3A_418] {strides = array<i32>} : memref<80x136xf32, #tpu.memory_space<vmem>>, vector<16xf32>,
      %mul3A_420 = arith.mulf %gather3A_416, %get3A_419 : vector<16xf32>
      %swap3A_421 = arith.index_cast %add3A_390 : i32 to index
      %swap3A_422 = arith.constant 32 : index
      %swap3A_423 = tpu.vector_load %arg18[%swap3A_421, %swap3A_422] {strides = array<i32>} : memref<80x136xf32, #tpu.memory_space<vmem>>, vector<16xf32>,
      tpu.vector_store %arg18[%swap3A_421, %swap3A_422], %mul3A_420 {strides = array<i32>} : memref<80x136xf32, #tpu.memory_space<vmem>>, vector<16xf32>,
      %broadcast_in_dim3A_424 = arith.constant 11 : i32
      %broadcast_in_dim3A_425 = vector.broadcast %broadcast_in_dim3A_424 : i32 to vector<16x1xi32>
      %gather3A_426 = vector.shape_cast %broadcast_in_dim3A_425 : vector<16x1xi32> to vector<16xi32>
      %gather3A_427 = tpu.dynamic_gather %exp3A[%gather3A_426] in [0] : vector<16xf32>, vector<16xi32> -> vector<16xf32>
      %get3A_428 = arith.index_cast %add3A_390 : i32 to index
      %get3A_429 = arith.constant 48 : index
      %get3A_430 = tpu.vector_load %arg14[%get3A_428, %get3A_429] {strides = array<i32>} : memref<80x136xf32, #tpu.memory_space<vmem>>, vector<16xf32>,
      %mul3A_431 = arith.mulf %gather3A_427, %get3A_430 : vector<16xf32>
      %swap3A_432 = arith.index_cast %add3A_390 : i32 to index
      %swap3A_433 = arith.constant 48 : index
      %swap3A_434 = tpu.vector_load %arg18[%swap3A_432, %swap3A_433] {strides = array<i32>} : memref<80x136xf32, #tpu.memory_space<vmem>>, vector<16xf32>,
      tpu.vector_store %arg18[%swap3A_432, %swap3A_433], %mul3A_431 {strides = array<i32>} : memref<80x136xf32, #tpu.memory_space<vmem>>, vector<16xf32>,
      %broadcast_in_dim3A_435 = arith.constant 12 : i32
      %broadcast_in_dim3A_436 = vector.broadcast %broadcast_in_dim3A_435 : i32 to vector<16x1xi32>
      %gather3A_437 = vector.shape_cast %broadcast_in_dim3A_436 : vector<16x1xi32> to vector<16xi32>
      %gather3A_438 = tpu.dynamic_gather %exp3A[%gather3A_437] in [0] : vector<16xf32>, vector<16xi32> -> vector<16xf32>
      %get3A_439 = arith.index_cast %add3A_390 : i32 to index
      %get3A_440 = arith.constant 64 : index
      %get3A_441 = tpu.vector_load %arg14[%get3A_439, %get3A_440] {strides = array<i32>} : memref<80x136xf32, #tpu.memory_space<vmem>>, vector<16xf32>,
      %mul3A_442 = arith.mulf %gather3A_438, %get3A_441 : vector<16xf32>
      %swap3A_443 = arith.index_cast %add3A_390 : i32 to index
      %swap3A_444 = arith.constant 64 : index
      %swap3A_445 = tpu.vector_load %arg18[%swap3A_443, %swap3A_444] {strides = array<i32>} : memref<80x136xf32, #tpu.memory_space<vmem>>, vector<16xf32>,
      tpu.vector_store %arg18[%swap3A_443, %swap3A_444], %mul3A_442 {strides = array<i32>} : memref<80x136xf32, #tpu.memory_space<vmem>>, vector<16xf32>,
      %broadcast_in_dim3A_446 = arith.constant 13 : i32
      %broadcast_in_dim3A_447 = vector.broadcast %broadcast_in_dim3A_446 : i32 to vector<16x1xi32>
      %gather3A_448 = vector.shape_cast %broadcast_in_dim3A_447 : vector<16x1xi32> to vector<16xi32>
      %gather3A_449 = tpu.dynamic_gather %exp3A[%gather3A_448] in [0] : vector<16xf32>, vector<16xi32> -> vector<16xf32>
      %get3A_450 = arith.index_cast %add3A_390 : i32 to index
      %get3A_451 = arith.constant 80 : index
      %get3A_452 = tpu.vector_load %arg14[%get3A_450, %get3A_451] {strides = array<i32>} : memref<80x136xf32, #tpu.memory_space<vmem>>, vector<16xf32>,
      %mul3A_453 = arith.mulf %gather3A_449, %get3A_452 : vector<16xf32>
      %swap3A_454 = arith.index_cast %add3A_390 : i32 to index
      %swap3A_455 = arith.constant 80 : index
      %swap3A_456 = tpu.vector_load %arg18[%swap3A_454, %swap3A_455] {strides = array<i32>} : memref<80x136xf32, #tpu.memory_space<vmem>>, vector<16xf32>,
      tpu.vector_store %arg18[%swap3A_454, %swap3A_455], %mul3A_453 {strides = array<i32>} : memref<80x136xf32, #tpu.memory_space<vmem>>, vector<16xf32>,
      %broadcast_in_dim3A_457 = arith.constant 14 : i32
      %broadcast_in_dim3A_458 = vector.broadcast %broadcast_in_dim3A_457 : i32 to vector<16x1xi32>
      %gather3A_459 = vector.shape_cast %broadcast_in_dim3A_458 : vector<16x1xi32> to vector<16xi32>
      %gather3A_460 = tpu.dynamic_gather %exp3A[%gather3A_459] in [0] : vector<16xf32>, vector<16xi32> -> vector<16xf32>
      %get3A_461 = arith.index_cast %add3A_390 : i32 to index
      %get3A_462 = arith.constant 96 : index
      %get3A_463 = tpu.vector_load %arg14[%get3A_461, %get3A_462] {strides = array<i32>} : memref<80x136xf32, #tpu.memory_space<vmem>>, vector<16xf32>,
      %mul3A_464 = arith.mulf %gather3A_460, %get3A_463 : vector<16xf32>
      %swap3A_465 = arith.index_cast %add3A_390 : i32 to index
      %swap3A_466 = arith.constant 96 : index
      %swap3A_467 = tpu.vector_load %arg18[%swap3A_465, %swap3A_466] {strides = array<i32>} : memref<80x136xf32, #tpu.memory_space<vmem>>, vector<16xf32>,
      tpu.vector_store %arg18[%swap3A_465, %swap3A_466], %mul3A_464 {strides = array<i32>} : memref<80x136xf32, #tpu.memory_space<vmem>>, vector<16xf32>,
      %broadcast_in_dim3A_468 = arith.constant 15 : i32
      %broadcast_in_dim3A_469 = vector.broadcast %broadcast_in_dim3A_468 : i32 to vector<16x1xi32>
      %gather3A_470 = vector.shape_cast %broadcast_in_dim3A_469 : vector<16x1xi32> to vector<16xi32>
      %gather3A_471 = tpu.dynamic_gather %exp3A[%gather3A_470] in [0] : vector<16xf32>, vector<16xi32> -> vector<16xf32>
      %get3A_472 = arith.index_cast %add3A_390 : i32 to index
      %get3A_473 = arith.constant 112 : index
      %get3A_474 = tpu.vector_load %arg14[%get3A_472, %get3A_473] {strides = array<i32>} : memref<80x136xf32, #tpu.memory_space<vmem>>, vector<16xf32>,
      %mul3A_475 = arith.mulf %gather3A_471, %get3A_474 : vector<16xf32>
      %swap3A_476 = arith.index_cast %add3A_390 : i32 to index
      %swap3A_477 = arith.constant 112 : index
      %swap3A_478 = tpu.vector_load %arg18[%swap3A_476, %swap3A_477] {strides = array<i32>} : memref<80x136xf32, #tpu.memory_space<vmem>>, vector<16xf32>,
      tpu.vector_store %arg18[%swap3A_476, %swap3A_477], %mul3A_475 {strides = array<i32>} : memref<80x136xf32, #tpu.memory_space<vmem>>, vector<16xf32>,
    }
    %scan3A_124 = arith.constant 40 : i32
    %get3A_125 = arith.constant 0 : index
    %get3A_126 = tpu.vector_load %arg12[%get3A_125] {strides = array<i32>} : memref<80xi32, #tpu.memory_space<vmem>>, vector<16xi32>,
    %swap3A = arith.constant 0 : index
    %swap3A_127 = tpu.vector_load %arg20[%swap3A] {strides = array<i32>} : memref<80xi32, #tpu.memory_space<vmem>>, vector<16xi32>,
    tpu.vector_store %arg20[%swap3A], %get3A_126 {strides = array<i32>} : memref<80xi32, #tpu.memory_space<vmem>>, vector<16xi32>,
    %get3A_128 = arith.constant 16 : index
    %get3A_129 = tpu.vector_load %arg12[%get3A_128] {strides = array<i32>} : memref<80xi32, #tpu.memory_space<vmem>>, vector<16xi32>,
    %swap3A_130 = arith.constant 16 : index
    %swap3A_131 = tpu.vector_load %arg20[%swap3A_130] {strides = array<i32>} : memref<80xi32, #tpu.memory_space<vmem>>, vector<16xi32>,
    tpu.vector_store %arg20[%swap3A_130], %get3A_129 {strides = array<i32>} : memref<80xi32, #tpu.memory_space<vmem>>, vector<16xi32>,
    %get3A_132 = arith.constant 32 : index
    %get3A_133 = tpu.vector_load %arg12[%get3A_132] {strides = array<i32>} : memref<80xi32, #tpu.memory_space<vmem>>, vector<16xi32>,
    %swap3A_134 = arith.constant 32 : index
    %swap3A_135 = tpu.vector_load %arg20[%swap3A_134] {strides = array<i32>} : memref<80xi32, #tpu.memory_space<vmem>>, vector<16xi32>,
    tpu.vector_store %arg20[%swap3A_134], %get3A_133 {strides = array<i32>} : memref<80xi32, #tpu.memory_space<vmem>>, vector<16xi32>,
    %get3A_136 = arith.constant 48 : index
    %get3A_137 = tpu.vector_load %arg12[%get3A_136] {strides = array<i32>} : memref<80xi32, #tpu.memory_space<vmem>>, vector<16xi32>,
    %swap3A_138 = arith.constant 48 : index
    %swap3A_139 = tpu.vector_load %arg20[%swap3A_138] {strides = array<i32>} : memref<80xi32, #tpu.memory_space<vmem>>, vector<16xi32>,
    tpu.vector_store %arg20[%swap3A_138], %get3A_137 {strides = array<i32>} : memref<80xi32, #tpu.memory_space<vmem>>, vector<16xi32>,
    %get3A_140 = arith.constant 64 : index
    %get3A_141 = tpu.vector_load %arg12[%get3A_140] {strides = array<i32>} : memref<80xi32, #tpu.memory_space<vmem>>, vector<16xi32>,
    %swap3A_142 = arith.constant 64 : index
    %swap3A_143 = tpu.vector_load %arg20[%swap3A_142] {strides = array<i32>} : memref<80xi32, #tpu.memory_space<vmem>>, vector<16xi32>,
    tpu.vector_store %arg20[%swap3A_142], %get3A_141 {strides = array<i32>} : memref<80xi32, #tpu.memory_space<vmem>>, vector<16xi32>,
    %dma_start3A_144 = arith.constant 0 : i32
    %dma_start3A_145 = arith.constant 0 : i32
    %dma_start3A_146 = tpu.memref_slice %arg9[%dma_start3A_144, %dma_start3A_145] : memref<10000x136xf32, #tpu.memory_space<vmem_shared>> -> memref<10000x136xf32, #tpu.memory_space<vmem_shared>>
    tpu.enqueue_indirect_dma source(%arg18 : memref<80x136xf32, #tpu.memory_space<vmem>>) target(%dma_start3A_146 : memref<10000x136xf32, #tpu.memory_space<vmem_shared>>) offsets(%arg20 : memref<80xi32, #tpu.memory_space<vmem>>) semaphore(%arg27 : memref<!tpu.dma_semaphore, #tpu.memory_space<semaphore_mem>>) {add = true}
    %add3A_147 = arith.constant 9920 : i32
    %add3A_148 = arith.addi %mul3A_4, %add3A_147 : i32
    %dma_start3A_149 = tpu.memref_slice %arg5[%add3A_148] : memref<320000xi32, #tpu.memory_space<hbm>> -> memref<80xi32, #tpu.memory_space<hbm>>
    %dma_start3A_150 = tpu.memref_slice %arg5[%add3A_148] : memref<320000xi32, #tpu.memory_space<hbm>> -> memref<80xi32, #tpu.memory_space<hbm>>
    tpu.enqueue_dma source(%dma_start3A_150 : memref<80xi32, #tpu.memory_space<hbm>>) target(%arg10 : memref<80xi32, #tpu.memory_space<vmem>>) target_semaphore(%arg25 : memref<!tpu.dma_semaphore, #tpu.memory_space<semaphore_mem>>)
    %dma_start3A_151 = tpu.memref_slice %arg6[%add3A_148] : memref<320000xi32, #tpu.memory_space<hbm>> -> memref<80xi32, #tpu.memory_space<hbm>>
    %dma_start3A_152 = tpu.memref_slice %arg6[%add3A_148] : memref<320000xi32, #tpu.memory_space<hbm>> -> memref<80xi32, #tpu.memory_space<hbm>>
    tpu.enqueue_dma source(%dma_start3A_152 : memref<80xi32, #tpu.memory_space<hbm>>) target(%arg12 : memref<80xi32, #tpu.memory_space<vmem>>) target_semaphore(%arg25 : memref<!tpu.dma_semaphore, #tpu.memory_space<semaphore_mem>>)
    %dma_wait3A_153 = arith.constant 0 : i32
    %dma_wait3A_154 = tpu.memref_slice %arg5[%dma_wait3A_153] : memref<320000xi32, #tpu.memory_space<hbm>> -> memref<80xi32, #tpu.memory_space<hbm>>
    %dma_wait3A_155 = arith.constant 0 : i32
    %dma_wait3A_156 = tpu.memref_slice %arg5[%dma_wait3A_155] : memref<320000xi32, #tpu.memory_space<hbm>> -> memref<80xi32, #tpu.memory_space<hbm>>
    tpu.wait_dma2 semaphore(%arg25 : memref<!tpu.dma_semaphore, #tpu.memory_space<semaphore_mem>>) src(%dma_wait3A_156 : memref<80xi32, #tpu.memory_space<hbm>>) dst(%arg10 : memref<80xi32, #tpu.memory_space<vmem>>)
    %dma_wait3A_157 = arith.constant 0 : i32
    %dma_wait3A_158 = tpu.memref_slice %arg6[%dma_wait3A_157] : memref<320000xi32, #tpu.memory_space<hbm>> -> memref<80xi32, #tpu.memory_space<hbm>>
    %dma_wait3A_159 = arith.constant 0 : i32
    %dma_wait3A_160 = tpu.memref_slice %arg6[%dma_wait3A_159] : memref<320000xi32, #tpu.memory_space<hbm>> -> memref<80xi32, #tpu.memory_space<hbm>>
    tpu.wait_dma2 semaphore(%arg25 : memref<!tpu.dma_semaphore, #tpu.memory_space<semaphore_mem>>) src(%dma_wait3A_160 : memref<80xi32, #tpu.memory_space<hbm>>) dst(%arg12 : memref<80xi32, #tpu.memory_space<vmem>>)
    %dma_start3A_161 = arith.constant 0 : i32
    %dma_start3A_162 = arith.constant 0 : i32
    %dma_start3A_163 = tpu.memref_slice %arg2[%dma_start3A_161, %dma_start3A_162] : memref<10000x136xf32, #tpu.memory_space<hbm>> -> memref<10000x136xf32, #tpu.memory_space<hbm>>
    tpu.enqueue_indirect_dma source(%dma_start3A_163 : memref<10000x136xf32, #tpu.memory_space<hbm>>) target(%arg14 : memref<80x136xf32, #tpu.memory_space<vmem>>) offsets(%arg10 : memref<80xi32, #tpu.memory_space<vmem>>) semaphore(%arg23 : memref<!tpu.dma_semaphore, #tpu.memory_space<semaphore_mem>>)
    %dma_start3A_164 = arith.constant 0 : i32
    %dma_start3A_165 = arith.constant 0 : i32
    %dma_start3A_166 = tpu.memref_slice %arg3[%dma_start3A_164, %dma_start3A_165] : memref<10000x8xf32, #tpu.memory_space<hbm>> -> memref<10000x8xf32, #tpu.memory_space<hbm>>
    tpu.enqueue_indirect_dma source(%dma_start3A_166 : memref<10000x8xf32, #tpu.memory_space<hbm>>) target(%arg16 : memref<80x8xf32, #tpu.memory_space<vmem>>) offsets(%arg12 : memref<80xi32, #tpu.memory_space<vmem>>) semaphore(%arg23 : memref<!tpu.dma_semaphore, #tpu.memory_space<semaphore_mem>>)
    %dma_wait3A_167 = arith.constant 0 : i32
    %dma_wait3A_168 = arith.constant 0 : i32
    %dma_wait3A_169 = tpu.memref_slice %arg2[%dma_wait3A_167, %dma_wait3A_168] : memref<10000x136xf32, #tpu.memory_space<hbm>> -> memref<80x136xf32, #tpu.memory_space<hbm>>
    %dma_wait3A_170 = arith.constant 0 : i32
    %dma_wait3A_171 = arith.constant 0 : i32
    %dma_wait3A_172 = tpu.memref_slice %arg2[%dma_wait3A_170, %dma_wait3A_171] : memref<10000x136xf32, #tpu.memory_space<hbm>> -> memref<80x136xf32, #tpu.memory_space<hbm>>
    tpu.wait_dma2 semaphore(%arg24 : memref<!tpu.dma_semaphore, #tpu.memory_space<semaphore_mem>>) src(%dma_wait3A_172 : memref<80x136xf32, #tpu.memory_space<hbm>>) dst(%arg15 : memref<80x136xf32, #tpu.memory_space<vmem>>)
    %dma_wait3A_173 = arith.constant 0 : i32
    %dma_wait3A_174 = arith.constant 0 : i32
    %dma_wait3A_175 = tpu.memref_slice %arg3[%dma_wait3A_173, %dma_wait3A_174] : memref<10000x8xf32, #tpu.memory_space<hbm>> -> memref<80x8xf32, #tpu.memory_space<hbm>>
    %dma_wait3A_176 = arith.constant 0 : i32
    %dma_wait3A_177 = arith.constant 0 : i32
    %dma_wait3A_178 = tpu.memref_slice %arg3[%dma_wait3A_176, %dma_wait3A_177] : memref<10000x8xf32, #tpu.memory_space<hbm>> -> memref<80x8xf32, #tpu.memory_space<hbm>>
    tpu.wait_dma2 semaphore(%arg24 : memref<!tpu.dma_semaphore, #tpu.memory_space<semaphore_mem>>) src(%dma_wait3A_178 : memref<80x8xf32, #tpu.memory_space<hbm>>) dst(%arg17 : memref<80x8xf32, #tpu.memory_space<vmem>>)
    %dma_wait3A_179 = arith.constant 0 : i32
    %dma_wait3A_180 = arith.constant 0 : i32
    %dma_wait3A_181 = tpu.memref_slice %arg9[%dma_wait3A_179, %dma_wait3A_180] : memref<10000x136xf32, #tpu.memory_space<vmem_shared>> -> memref<80x136xf32, #tpu.memory_space<vmem_shared>>
    %dma_wait3A_182 = arith.constant 0 : i32
    %dma_wait3A_183 = arith.constant 0 : i32
    %dma_wait3A_184 = tpu.memref_slice %arg9[%dma_wait3A_182, %dma_wait3A_183] : memref<10000x136xf32, #tpu.memory_space<vmem_shared>> -> memref<80x136xf32, #tpu.memory_space<vmem_shared>>
    tpu.wait_dma2 semaphore(%arg28 : memref<!tpu.dma_semaphore, #tpu.memory_space<semaphore_mem>>) src(%arg19 : memref<80x136xf32, #tpu.memory_space<vmem>>) dst(%dma_wait3A_184 : memref<80x136xf32, #tpu.memory_space<vmem_shared>>)
    %scan3A_185 = arith.constant 0 : i32
    %scan3A_186 = arith.constant 0 : i32
    %scan3A_187 = arith.constant 40 : i32
    %scan3A_188 = arith.addi %scan3A_186, %scan3A_187 : i32
    %scan3A_189 = arith.constant 1 : i32
    scf.for %scan3A_279 = %scan3A_186 to %scan3A_188 step %scan3A_189  : i32 {
      %mul3A_280 = arith.constant 2 : i32
      %mul3A_281 = arith.muli %mul3A_280, %scan3A_279 : i32
      %add3A_282 = vector.broadcast %mul3A_281 : i32 to vector<16xi32>
      %add3A_283 = arith.addi %select_n3A, %add3A_282 : vector<16xi32>
      %add3A_284 = arith.constant 128 : i32
      %add3A_285 = vector.broadcast %add3A_284 : i32 to vector<16xi32>
      %add3A_286 = arith.addi %add3A_285, %select_n3A_56 : vector<16xi32>
      %gather3A = tpu.vector_load_idx %arg15[%add3A_283, %add3A_286] : memref<80x136xf32, #tpu.memory_space<vmem>>[vector<16xi32>, vector<16xi32>], vector<16xf32>,
      %gather3A_287 = tpu.vector_load_idx %arg17[%add3A_283, %select_n3A_56] : memref<80x8xf32, #tpu.memory_space<vmem>>[vector<16xi32>, vector<16xi32>], vector<16xf32>,
      %add3A_288 = arith.addf %gather3A, %gather3A_287 : vector<16xf32>
      %mul3A_289 = arith.constant 2.000000e-01 : f32
      %mul3A_290 = vector.broadcast %mul3A_289 : f32 to vector<16xf32>
      %mul3A_291 = arith.mulf %mul3A_290, %add3A_288 : vector<16xf32>
      %max3A = arith.maximumf %add3A_288, %mul3A_291 : vector<16xf32>
      %sub3A_292 = arith.subf %max3A, %get3A_12 : vector<16xf32>
      %exp3A = math.exp %sub3A_292 : vector<16xf32>
      %add3A_293 = arith.constant 128 : i32
      %add3A_294 = vector.broadcast %add3A_293 : i32 to vector<16xi32>
      %add3A_295 = arith.addi %add3A_294, %select_n3A_56 : vector<16xi32>
      tpu.vector_store_idx %arg19[%add3A_283, %add3A_295], %exp3A : memref<80x136xf32, #tpu.memory_space<vmem>>[vector<16xi32>, vector<16xi32>], vector<16xf32>,
      %mul3A_296 = arith.constant 2 : i32
      %mul3A_297 = arith.muli %mul3A_296, %scan3A_279 : i32
      %add3A_298 = arith.constant 0 : i32
      %add3A_299 = arith.addi %mul3A_297, %add3A_298 : i32
      %broadcast_in_dim3A = arith.constant 0 : i32
      %broadcast_in_dim3A_300 = vector.broadcast %broadcast_in_dim3A : i32 to vector<16x1xi32>
      %gather3A_301 = vector.shape_cast %broadcast_in_dim3A_300 : vector<16x1xi32> to vector<16xi32>
      %gather3A_302 = tpu.dynamic_gather %exp3A[%gather3A_301] in [0] : vector<16xf32>, vector<16xi32> -> vector<16xf32>
      %get3A_303 = arith.index_cast %add3A_299 : i32 to index
      %get3A_304 = arith.constant 0 : index
      %get3A_305 = tpu.vector_load %arg15[%get3A_303, %get3A_304] {strides = array<i32>} : memref<80x136xf32, #tpu.memory_space<vmem>>, vector<16xf32>,
      %mul3A_306 = arith.mulf %gather3A_302, %get3A_305 : vector<16xf32>
      %swap3A_307 = arith.index_cast %add3A_299 : i32 to index
      %swap3A_308 = arith.constant 0 : index
      %swap3A_309 = tpu.vector_load %arg19[%swap3A_307, %swap3A_308] {strides = array<i32>} : memref<80x136xf32, #tpu.memory_space<vmem>>, vector<16xf32>,
      tpu.vector_store %arg19[%swap3A_307, %swap3A_308], %mul3A_306 {strides = array<i32>} : memref<80x136xf32, #tpu.memory_space<vmem>>, vector<16xf32>,
      %broadcast_in_dim3A_310 = arith.constant 1 : i32
      %broadcast_in_dim3A_311 = vector.broadcast %broadcast_in_dim3A_310 : i32 to vector<16x1xi32>
      %gather3A_312 = vector.shape_cast %broadcast_in_dim3A_311 : vector<16x1xi32> to vector<16xi32>
      %gather3A_313 = tpu.dynamic_gather %exp3A[%gather3A_312] in [0] : vector<16xf32>, vector<16xi32> -> vector<16xf32>
      %get3A_314 = arith.index_cast %add3A_299 : i32 to index
      %get3A_315 = arith.constant 16 : index
      %get3A_316 = tpu.vector_load %arg15[%get3A_314, %get3A_315] {strides = array<i32>} : memref<80x136xf32, #tpu.memory_space<vmem>>, vector<16xf32>,
      %mul3A_317 = arith.mulf %gather3A_313, %get3A_316 : vector<16xf32>
      %swap3A_318 = arith.index_cast %add3A_299 : i32 to index
      %swap3A_319 = arith.constant 16 : index
      %swap3A_320 = tpu.vector_load %arg19[%swap3A_318, %swap3A_319] {strides = array<i32>} : memref<80x136xf32, #tpu.memory_space<vmem>>, vector<16xf32>,
      tpu.vector_store %arg19[%swap3A_318, %swap3A_319], %mul3A_317 {strides = array<i32>} : memref<80x136xf32, #tpu.memory_space<vmem>>, vector<16xf32>,
      %broadcast_in_dim3A_321 = arith.constant 2 : i32
      %broadcast_in_dim3A_322 = vector.broadcast %broadcast_in_dim3A_321 : i32 to vector<16x1xi32>
      %gather3A_323 = vector.shape_cast %broadcast_in_dim3A_322 : vector<16x1xi32> to vector<16xi32>
      %gather3A_324 = tpu.dynamic_gather %exp3A[%gather3A_323] in [0] : vector<16xf32>, vector<16xi32> -> vector<16xf32>
      %get3A_325 = arith.index_cast %add3A_299 : i32 to index
      %get3A_326 = arith.constant 32 : index
      %get3A_327 = tpu.vector_load %arg15[%get3A_325, %get3A_326] {strides = array<i32>} : memref<80x136xf32, #tpu.memory_space<vmem>>, vector<16xf32>,
      %mul3A_328 = arith.mulf %gather3A_324, %get3A_327 : vector<16xf32>
      %swap3A_329 = arith.index_cast %add3A_299 : i32 to index
      %swap3A_330 = arith.constant 32 : index
      %swap3A_331 = tpu.vector_load %arg19[%swap3A_329, %swap3A_330] {strides = array<i32>} : memref<80x136xf32, #tpu.memory_space<vmem>>, vector<16xf32>,
      tpu.vector_store %arg19[%swap3A_329, %swap3A_330], %mul3A_328 {strides = array<i32>} : memref<80x136xf32, #tpu.memory_space<vmem>>, vector<16xf32>,
      %broadcast_in_dim3A_332 = arith.constant 3 : i32
      %broadcast_in_dim3A_333 = vector.broadcast %broadcast_in_dim3A_332 : i32 to vector<16x1xi32>
      %gather3A_334 = vector.shape_cast %broadcast_in_dim3A_333 : vector<16x1xi32> to vector<16xi32>
      %gather3A_335 = tpu.dynamic_gather %exp3A[%gather3A_334] in [0] : vector<16xf32>, vector<16xi32> -> vector<16xf32>
      %get3A_336 = arith.index_cast %add3A_299 : i32 to index
      %get3A_337 = arith.constant 48 : index
      %get3A_338 = tpu.vector_load %arg15[%get3A_336, %get3A_337] {strides = array<i32>} : memref<80x136xf32, #tpu.memory_space<vmem>>, vector<16xf32>,
      %mul3A_339 = arith.mulf %gather3A_335, %get3A_338 : vector<16xf32>
      %swap3A_340 = arith.index_cast %add3A_299 : i32 to index
      %swap3A_341 = arith.constant 48 : index
      %swap3A_342 = tpu.vector_load %arg19[%swap3A_340, %swap3A_341] {strides = array<i32>} : memref<80x136xf32, #tpu.memory_space<vmem>>, vector<16xf32>,
      tpu.vector_store %arg19[%swap3A_340, %swap3A_341], %mul3A_339 {strides = array<i32>} : memref<80x136xf32, #tpu.memory_space<vmem>>, vector<16xf32>,
      %broadcast_in_dim3A_343 = arith.constant 4 : i32
      %broadcast_in_dim3A_344 = vector.broadcast %broadcast_in_dim3A_343 : i32 to vector<16x1xi32>
      %gather3A_345 = vector.shape_cast %broadcast_in_dim3A_344 : vector<16x1xi32> to vector<16xi32>
      %gather3A_346 = tpu.dynamic_gather %exp3A[%gather3A_345] in [0] : vector<16xf32>, vector<16xi32> -> vector<16xf32>
      %get3A_347 = arith.index_cast %add3A_299 : i32 to index
      %get3A_348 = arith.constant 64 : index
      %get3A_349 = tpu.vector_load %arg15[%get3A_347, %get3A_348] {strides = array<i32>} : memref<80x136xf32, #tpu.memory_space<vmem>>, vector<16xf32>,
      %mul3A_350 = arith.mulf %gather3A_346, %get3A_349 : vector<16xf32>
      %swap3A_351 = arith.index_cast %add3A_299 : i32 to index
      %swap3A_352 = arith.constant 64 : index
      %swap3A_353 = tpu.vector_load %arg19[%swap3A_351, %swap3A_352] {strides = array<i32>} : memref<80x136xf32, #tpu.memory_space<vmem>>, vector<16xf32>,
      tpu.vector_store %arg19[%swap3A_351, %swap3A_352], %mul3A_350 {strides = array<i32>} : memref<80x136xf32, #tpu.memory_space<vmem>>, vector<16xf32>,
      %broadcast_in_dim3A_354 = arith.constant 5 : i32
      %broadcast_in_dim3A_355 = vector.broadcast %broadcast_in_dim3A_354 : i32 to vector<16x1xi32>
      %gather3A_356 = vector.shape_cast %broadcast_in_dim3A_355 : vector<16x1xi32> to vector<16xi32>
      %gather3A_357 = tpu.dynamic_gather %exp3A[%gather3A_356] in [0] : vector<16xf32>, vector<16xi32> -> vector<16xf32>
      %get3A_358 = arith.index_cast %add3A_299 : i32 to index
      %get3A_359 = arith.constant 80 : index
      %get3A_360 = tpu.vector_load %arg15[%get3A_358, %get3A_359] {strides = array<i32>} : memref<80x136xf32, #tpu.memory_space<vmem>>, vector<16xf32>,
      %mul3A_361 = arith.mulf %gather3A_357, %get3A_360 : vector<16xf32>
      %swap3A_362 = arith.index_cast %add3A_299 : i32 to index
      %swap3A_363 = arith.constant 80 : index
      %swap3A_364 = tpu.vector_load %arg19[%swap3A_362, %swap3A_363] {strides = array<i32>} : memref<80x136xf32, #tpu.memory_space<vmem>>, vector<16xf32>,
      tpu.vector_store %arg19[%swap3A_362, %swap3A_363], %mul3A_361 {strides = array<i32>} : memref<80x136xf32, #tpu.memory_space<vmem>>, vector<16xf32>,
      %broadcast_in_dim3A_365 = arith.constant 6 : i32
      %broadcast_in_dim3A_366 = vector.broadcast %broadcast_in_dim3A_365 : i32 to vector<16x1xi32>
      %gather3A_367 = vector.shape_cast %broadcast_in_dim3A_366 : vector<16x1xi32> to vector<16xi32>
      %gather3A_368 = tpu.dynamic_gather %exp3A[%gather3A_367] in [0] : vector<16xf32>, vector<16xi32> -> vector<16xf32>
      %get3A_369 = arith.index_cast %add3A_299 : i32 to index
      %get3A_370 = arith.constant 96 : index
      %get3A_371 = tpu.vector_load %arg15[%get3A_369, %get3A_370] {strides = array<i32>} : memref<80x136xf32, #tpu.memory_space<vmem>>, vector<16xf32>,
      %mul3A_372 = arith.mulf %gather3A_368, %get3A_371 : vector<16xf32>
      %swap3A_373 = arith.index_cast %add3A_299 : i32 to index
      %swap3A_374 = arith.constant 96 : index
      %swap3A_375 = tpu.vector_load %arg19[%swap3A_373, %swap3A_374] {strides = array<i32>} : memref<80x136xf32, #tpu.memory_space<vmem>>, vector<16xf32>,
      tpu.vector_store %arg19[%swap3A_373, %swap3A_374], %mul3A_372 {strides = array<i32>} : memref<80x136xf32, #tpu.memory_space<vmem>>, vector<16xf32>,
      %broadcast_in_dim3A_376 = arith.constant 7 : i32
      %broadcast_in_dim3A_377 = vector.broadcast %broadcast_in_dim3A_376 : i32 to vector<16x1xi32>
      %gather3A_378 = vector.shape_cast %broadcast_in_dim3A_377 : vector<16x1xi32> to vector<16xi32>
      %gather3A_379 = tpu.dynamic_gather %exp3A[%gather3A_378] in [0] : vector<16xf32>, vector<16xi32> -> vector<16xf32>
      %get3A_380 = arith.index_cast %add3A_299 : i32 to index
      %get3A_381 = arith.constant 112 : index
      %get3A_382 = tpu.vector_load %arg15[%get3A_380, %get3A_381] {strides = array<i32>} : memref<80x136xf32, #tpu.memory_space<vmem>>, vector<16xf32>,
      %mul3A_383 = arith.mulf %gather3A_379, %get3A_382 : vector<16xf32>
      %swap3A_384 = arith.index_cast %add3A_299 : i32 to index
      %swap3A_385 = arith.constant 112 : index
      %swap3A_386 = tpu.vector_load %arg19[%swap3A_384, %swap3A_385] {strides = array<i32>} : memref<80x136xf32, #tpu.memory_space<vmem>>, vector<16xf32>,
      tpu.vector_store %arg19[%swap3A_384, %swap3A_385], %mul3A_383 {strides = array<i32>} : memref<80x136xf32, #tpu.memory_space<vmem>>, vector<16xf32>,
      %mul3A_387 = arith.constant 2 : i32
      %mul3A_388 = arith.muli %mul3A_387, %scan3A_279 : i32
      %add3A_389 = arith.constant 1 : i32
      %add3A_390 = arith.addi %mul3A_388, %add3A_389 : i32
      %broadcast_in_dim3A_391 = arith.constant 8 : i32
      %broadcast_in_dim3A_392 = vector.broadcast %broadcast_in_dim3A_391 : i32 to vector<16x1xi32>
      %gather3A_393 = vector.shape_cast %broadcast_in_dim3A_392 : vector<16x1xi32> to vector<16xi32>
      %gather3A_394 = tpu.dynamic_gather %exp3A[%gather3A_393] in [0] : vector<16xf32>, vector<16xi32> -> vector<16xf32>
      %get3A_395 = arith.index_cast %add3A_390 : i32 to index
      %get3A_396 = arith.constant 0 : index
      %get3A_397 = tpu.vector_load %arg15[%get3A_395, %get3A_396] {strides = array<i32>} : memref<80x136xf32, #tpu.memory_space<vmem>>, vector<16xf32>,
      %mul3A_398 = arith.mulf %gather3A_394, %get3A_397 : vector<16xf32>
      %swap3A_399 = arith.index_cast %add3A_390 : i32 to index
      %swap3A_400 = arith.constant 0 : index
      %swap3A_401 = tpu.vector_load %arg19[%swap3A_399, %swap3A_400] {strides = array<i32>} : memref<80x136xf32, #tpu.memory_space<vmem>>, vector<16xf32>,
      tpu.vector_store %arg19[%swap3A_399, %swap3A_400], %mul3A_398 {strides = array<i32>} : memref<80x136xf32, #tpu.memory_space<vmem>>, vector<16xf32>,
      %broadcast_in_dim3A_402 = arith.constant 9 : i32
      %broadcast_in_dim3A_403 = vector.broadcast %broadcast_in_dim3A_402 : i32 to vector<16x1xi32>
      %gather3A_404 = vector.shape_cast %broadcast_in_dim3A_403 : vector<16x1xi32> to vector<16xi32>
      %gather3A_405 = tpu.dynamic_gather %exp3A[%gather3A_404] in [0] : vector<16xf32>, vector<16xi32> -> vector<16xf32>
      %get3A_406 = arith.index_cast %add3A_390 : i32 to index
      %get3A_407 = arith.constant 16 : index
      %get3A_408 = tpu.vector_load %arg15[%get3A_406, %get3A_407] {strides = array<i32>} : memref<80x136xf32, #tpu.memory_space<vmem>>, vector<16xf32>,
      %mul3A_409 = arith.mulf %gather3A_405, %get3A_408 : vector<16xf32>
      %swap3A_410 = arith.index_cast %add3A_390 : i32 to index
      %swap3A_411 = arith.constant 16 : index
      %swap3A_412 = tpu.vector_load %arg19[%swap3A_410, %swap3A_411] {strides = array<i32>} : memref<80x136xf32, #tpu.memory_space<vmem>>, vector<16xf32>,
      tpu.vector_store %arg19[%swap3A_410, %swap3A_411], %mul3A_409 {strides = array<i32>} : memref<80x136xf32, #tpu.memory_space<vmem>>, vector<16xf32>,
      %broadcast_in_dim3A_413 = arith.constant 10 : i32
      %broadcast_in_dim3A_414 = vector.broadcast %broadcast_in_dim3A_413 : i32 to vector<16x1xi32>
      %gather3A_415 = vector.shape_cast %broadcast_in_dim3A_414 : vector<16x1xi32> to vector<16xi32>
      %gather3A_416 = tpu.dynamic_gather %exp3A[%gather3A_415] in [0] : vector<16xf32>, vector<16xi32> -> vector<16xf32>
      %get3A_417 = arith.index_cast %add3A_390 : i32 to index
      %get3A_418 = arith.constant 32 : index
      %get3A_419 = tpu.vector_load %arg15[%get3A_417, %get3A_418] {strides = array<i32>} : memref<80x136xf32, #tpu.memory_space<vmem>>, vector<16xf32>,
      %mul3A_420 = arith.mulf %gather3A_416, %get3A_419 : vector<16xf32>
      %swap3A_421 = arith.index_cast %add3A_390 : i32 to index
      %swap3A_422 = arith.constant 32 : index
      %swap3A_423 = tpu.vector_load %arg19[%swap3A_421, %swap3A_422] {strides = array<i32>} : memref<80x136xf32, #tpu.memory_space<vmem>>, vector<16xf32>,
      tpu.vector_store %arg19[%swap3A_421, %swap3A_422], %mul3A_420 {strides = array<i32>} : memref<80x136xf32, #tpu.memory_space<vmem>>, vector<16xf32>,
      %broadcast_in_dim3A_424 = arith.constant 11 : i32
      %broadcast_in_dim3A_425 = vector.broadcast %broadcast_in_dim3A_424 : i32 to vector<16x1xi32>
      %gather3A_426 = vector.shape_cast %broadcast_in_dim3A_425 : vector<16x1xi32> to vector<16xi32>
      %gather3A_427 = tpu.dynamic_gather %exp3A[%gather3A_426] in [0] : vector<16xf32>, vector<16xi32> -> vector<16xf32>
      %get3A_428 = arith.index_cast %add3A_390 : i32 to index
      %get3A_429 = arith.constant 48 : index
      %get3A_430 = tpu.vector_load %arg15[%get3A_428, %get3A_429] {strides = array<i32>} : memref<80x136xf32, #tpu.memory_space<vmem>>, vector<16xf32>,
      %mul3A_431 = arith.mulf %gather3A_427, %get3A_430 : vector<16xf32>
      %swap3A_432 = arith.index_cast %add3A_390 : i32 to index
      %swap3A_433 = arith.constant 48 : index
      %swap3A_434 = tpu.vector_load %arg19[%swap3A_432, %swap3A_433] {strides = array<i32>} : memref<80x136xf32, #tpu.memory_space<vmem>>, vector<16xf32>,
      tpu.vector_store %arg19[%swap3A_432, %swap3A_433], %mul3A_431 {strides = array<i32>} : memref<80x136xf32, #tpu.memory_space<vmem>>, vector<16xf32>,
      %broadcast_in_dim3A_435 = arith.constant 12 : i32
      %broadcast_in_dim3A_436 = vector.broadcast %broadcast_in_dim3A_435 : i32 to vector<16x1xi32>
      %gather3A_437 = vector.shape_cast %broadcast_in_dim3A_436 : vector<16x1xi32> to vector<16xi32>
      %gather3A_438 = tpu.dynamic_gather %exp3A[%gather3A_437] in [0] : vector<16xf32>, vector<16xi32> -> vector<16xf32>
      %get3A_439 = arith.index_cast %add3A_390 : i32 to index
      %get3A_440 = arith.constant 64 : index
      %get3A_441 = tpu.vector_load %arg15[%get3A_439, %get3A_440] {strides = array<i32>} : memref<80x136xf32, #tpu.memory_space<vmem>>, vector<16xf32>,
      %mul3A_442 = arith.mulf %gather3A_438, %get3A_441 : vector<16xf32>
      %swap3A_443 = arith.index_cast %add3A_390 : i32 to index
      %swap3A_444 = arith.constant 64 : index
      %swap3A_445 = tpu.vector_load %arg19[%swap3A_443, %swap3A_444] {strides = array<i32>} : memref<80x136xf32, #tpu.memory_space<vmem>>, vector<16xf32>,
      tpu.vector_store %arg19[%swap3A_443, %swap3A_444], %mul3A_442 {strides = array<i32>} : memref<80x136xf32, #tpu.memory_space<vmem>>, vector<16xf32>,
      %broadcast_in_dim3A_446 = arith.constant 13 : i32
      %broadcast_in_dim3A_447 = vector.broadcast %broadcast_in_dim3A_446 : i32 to vector<16x1xi32>
      %gather3A_448 = vector.shape_cast %broadcast_in_dim3A_447 : vector<16x1xi32> to vector<16xi32>
      %gather3A_449 = tpu.dynamic_gather %exp3A[%gather3A_448] in [0] : vector<16xf32>, vector<16xi32> -> vector<16xf32>
      %get3A_450 = arith.index_cast %add3A_390 : i32 to index
      %get3A_451 = arith.constant 80 : index
      %get3A_452 = tpu.vector_load %arg15[%get3A_450, %get3A_451] {strides = array<i32>} : memref<80x136xf32, #tpu.memory_space<vmem>>, vector<16xf32>,
      %mul3A_453 = arith.mulf %gather3A_449, %get3A_452 : vector<16xf32>
      %swap3A_454 = arith.index_cast %add3A_390 : i32 to index
      %swap3A_455 = arith.constant 80 : index
      %swap3A_456 = tpu.vector_load %arg19[%swap3A_454, %swap3A_455] {strides = array<i32>} : memref<80x136xf32, #tpu.memory_space<vmem>>, vector<16xf32>,
      tpu.vector_store %arg19[%swap3A_454, %swap3A_455], %mul3A_453 {strides = array<i32>} : memref<80x136xf32, #tpu.memory_space<vmem>>, vector<16xf32>,
      %broadcast_in_dim3A_457 = arith.constant 14 : i32
      %broadcast_in_dim3A_458 = vector.broadcast %broadcast_in_dim3A_457 : i32 to vector<16x1xi32>
      %gather3A_459 = vector.shape_cast %broadcast_in_dim3A_458 : vector<16x1xi32> to vector<16xi32>
      %gather3A_460 = tpu.dynamic_gather %exp3A[%gather3A_459] in [0] : vector<16xf32>, vector<16xi32> -> vector<16xf32>
      %get3A_461 = arith.index_cast %add3A_390 : i32 to index
      %get3A_462 = arith.constant 96 : index
      %get3A_463 = tpu.vector_load %arg15[%get3A_461, %get3A_462] {strides = array<i32>} : memref<80x136xf32, #tpu.memory_space<vmem>>, vector<16xf32>,
      %mul3A_464 = arith.mulf %gather3A_460, %get3A_463 : vector<16xf32>
      %swap3A_465 = arith.index_cast %add3A_390 : i32 to index
      %swap3A_466 = arith.constant 96 : index
      %swap3A_467 = tpu.vector_load %arg19[%swap3A_465, %swap3A_466] {strides = array<i32>} : memref<80x136xf32, #tpu.memory_space<vmem>>, vector<16xf32>,
      tpu.vector_store %arg19[%swap3A_465, %swap3A_466], %mul3A_464 {strides = array<i32>} : memref<80x136xf32, #tpu.memory_space<vmem>>, vector<16xf32>,
      %broadcast_in_dim3A_468 = arith.constant 15 : i32
      %broadcast_in_dim3A_469 = vector.broadcast %broadcast_in_dim3A_468 : i32 to vector<16x1xi32>
      %gather3A_470 = vector.shape_cast %broadcast_in_dim3A_469 : vector<16x1xi32> to vector<16xi32>
      %gather3A_471 = tpu.dynamic_gather %exp3A[%gather3A_470] in [0] : vector<16xf32>, vector<16xi32> -> vector<16xf32>
      %get3A_472 = arith.index_cast %add3A_390 : i32 to index
      %get3A_473 = arith.constant 112 : index
      %get3A_474 = tpu.vector_load %arg15[%get3A_472, %get3A_473] {strides = array<i32>} : memref<80x136xf32, #tpu.memory_space<vmem>>, vector<16xf32>,
      %mul3A_475 = arith.mulf %gather3A_471, %get3A_474 : vector<16xf32>
      %swap3A_476 = arith.index_cast %add3A_390 : i32 to index
      %swap3A_477 = arith.constant 112 : index
      %swap3A_478 = tpu.vector_load %arg19[%swap3A_476, %swap3A_477] {strides = array<i32>} : memref<80x136xf32, #tpu.memory_space<vmem>>, vector<16xf32>,
      tpu.vector_store %arg19[%swap3A_476, %swap3A_477], %mul3A_475 {strides = array<i32>} : memref<80x136xf32, #tpu.memory_space<vmem>>, vector<16xf32>,
    }
    %scan3A_190 = arith.constant 40 : i32
    %get3A_191 = arith.constant 0 : index
    %get3A_192 = tpu.vector_load %arg13[%get3A_191] {strides = array<i32>} : memref<80xi32, #tpu.memory_space<vmem>>, vector<16xi32>,
    %swap3A_193 = arith.constant 0 : index
    %swap3A_194 = tpu.vector_load %arg21[%swap3A_193] {strides = array<i32>} : memref<80xi32, #tpu.memory_space<vmem>>, vector<16xi32>,
    tpu.vector_store %arg21[%swap3A_193], %get3A_192 {strides = array<i32>} : memref<80xi32, #tpu.memory_space<vmem>>, vector<16xi32>,
    %get3A_195 = arith.constant 16 : index
    %get3A_196 = tpu.vector_load %arg13[%get3A_195] {strides = array<i32>} : memref<80xi32, #tpu.memory_space<vmem>>, vector<16xi32>,
    %swap3A_197 = arith.constant 16 : index
    %swap3A_198 = tpu.vector_load %arg21[%swap3A_197] {strides = array<i32>} : memref<80xi32, #tpu.memory_space<vmem>>, vector<16xi32>,
    tpu.vector_store %arg21[%swap3A_197], %get3A_196 {strides = array<i32>} : memref<80xi32, #tpu.memory_space<vmem>>, vector<16xi32>,
    %get3A_199 = arith.constant 32 : index
    %get3A_200 = tpu.vector_load %arg13[%get3A_199] {strides = array<i32>} : memref<80xi32, #tpu.memory_space<vmem>>, vector<16xi32>,
    %swap3A_201 = arith.constant 32 : index
    %swap3A_202 = tpu.vector_load %arg21[%swap3A_201] {strides = array<i32>} : memref<80xi32, #tpu.memory_space<vmem>>, vector<16xi32>,
    tpu.vector_store %arg21[%swap3A_201], %get3A_200 {strides = array<i32>} : memref<80xi32, #tpu.memory_space<vmem>>, vector<16xi32>,
    %get3A_203 = arith.constant 48 : index
    %get3A_204 = tpu.vector_load %arg13[%get3A_203] {strides = array<i32>} : memref<80xi32, #tpu.memory_space<vmem>>, vector<16xi32>,
    %swap3A_205 = arith.constant 48 : index
    %swap3A_206 = tpu.vector_load %arg21[%swap3A_205] {strides = array<i32>} : memref<80xi32, #tpu.memory_space<vmem>>, vector<16xi32>,
    tpu.vector_store %arg21[%swap3A_205], %get3A_204 {strides = array<i32>} : memref<80xi32, #tpu.memory_space<vmem>>, vector<16xi32>,
    %get3A_207 = arith.constant 64 : index
    %get3A_208 = tpu.vector_load %arg13[%get3A_207] {strides = array<i32>} : memref<80xi32, #tpu.memory_space<vmem>>, vector<16xi32>,
    %swap3A_209 = arith.constant 64 : index
    %swap3A_210 = tpu.vector_load %arg21[%swap3A_209] {strides = array<i32>} : memref<80xi32, #tpu.memory_space<vmem>>, vector<16xi32>,
    tpu.vector_store %arg21[%swap3A_209], %get3A_208 {strides = array<i32>} : memref<80xi32, #tpu.memory_space<vmem>>, vector<16xi32>,
    %dma_start3A_211 = arith.constant 0 : i32
    %dma_start3A_212 = arith.constant 0 : i32
    %dma_start3A_213 = tpu.memref_slice %arg9[%dma_start3A_211, %dma_start3A_212] : memref<10000x136xf32, #tpu.memory_space<vmem_shared>> -> memref<10000x136xf32, #tpu.memory_space<vmem_shared>>
    tpu.enqueue_indirect_dma source(%arg19 : memref<80x136xf32, #tpu.memory_space<vmem>>) target(%dma_start3A_213 : memref<10000x136xf32, #tpu.memory_space<vmem_shared>>) offsets(%arg21 : memref<80xi32, #tpu.memory_space<vmem>>) semaphore(%arg28 : memref<!tpu.dma_semaphore, #tpu.memory_space<semaphore_mem>>) {add = true}
    %dma_wait3A_214 = arith.constant 0 : i32
    %dma_wait3A_215 = arith.constant 0 : i32
    %dma_wait3A_216 = tpu.memref_slice %arg2[%dma_wait3A_214, %dma_wait3A_215] : memref<10000x136xf32, #tpu.memory_space<hbm>> -> memref<80x136xf32, #tpu.memory_space<hbm>>
    %dma_wait3A_217 = arith.constant 0 : i32
    %dma_wait3A_218 = arith.constant 0 : i32
    %dma_wait3A_219 = tpu.memref_slice %arg2[%dma_wait3A_217, %dma_wait3A_218] : memref<10000x136xf32, #tpu.memory_space<hbm>> -> memref<80x136xf32, #tpu.memory_space<hbm>>
    tpu.wait_dma2 semaphore(%arg23 : memref<!tpu.dma_semaphore, #tpu.memory_space<semaphore_mem>>) src(%dma_wait3A_219 : memref<80x136xf32, #tpu.memory_space<hbm>>) dst(%arg14 : memref<80x136xf32, #tpu.memory_space<vmem>>)
    %dma_wait3A_220 = arith.constant 0 : i32
    %dma_wait3A_221 = arith.constant 0 : i32
    %dma_wait3A_222 = tpu.memref_slice %arg3[%dma_wait3A_220, %dma_wait3A_221] : memref<10000x8xf32, #tpu.memory_space<hbm>> -> memref<80x8xf32, #tpu.memory_space<hbm>>
    %dma_wait3A_223 = arith.constant 0 : i32
    %dma_wait3A_224 = arith.constant 0 : i32
    %dma_wait3A_225 = tpu.memref_slice %arg3[%dma_wait3A_223, %dma_wait3A_224] : memref<10000x8xf32, #tpu.memory_space<hbm>> -> memref<80x8xf32, #tpu.memory_space<hbm>>
    tpu.wait_dma2 semaphore(%arg23 : memref<!tpu.dma_semaphore, #tpu.memory_space<semaphore_mem>>) src(%dma_wait3A_225 : memref<80x8xf32, #tpu.memory_space<hbm>>) dst(%arg16 : memref<80x8xf32, #tpu.memory_space<vmem>>)
    %dma_wait3A_226 = arith.constant 0 : i32
    %dma_wait3A_227 = arith.constant 0 : i32
    %dma_wait3A_228 = tpu.memref_slice %arg9[%dma_wait3A_226, %dma_wait3A_227] : memref<10000x136xf32, #tpu.memory_space<vmem_shared>> -> memref<80x136xf32, #tpu.memory_space<vmem_shared>>
    %dma_wait3A_229 = arith.constant 0 : i32
    %dma_wait3A_230 = arith.constant 0 : i32
    %dma_wait3A_231 = tpu.memref_slice %arg9[%dma_wait3A_229, %dma_wait3A_230] : memref<10000x136xf32, #tpu.memory_space<vmem_shared>> -> memref<80x136xf32, #tpu.memory_space<vmem_shared>>
    tpu.wait_dma2 semaphore(%arg27 : memref<!tpu.dma_semaphore, #tpu.memory_space<semaphore_mem>>) src(%arg18 : memref<80x136xf32, #tpu.memory_space<vmem>>) dst(%dma_wait3A_231 : memref<80x136xf32, #tpu.memory_space<vmem_shared>>)
    %scan3A_232 = arith.constant 0 : i32
    %scan3A_233 = arith.constant 0 : i32
    %scan3A_234 = arith.constant 40 : i32
    %scan3A_235 = arith.addi %scan3A_233, %scan3A_234 : i32
    %scan3A_236 = arith.constant 1 : i32
    scf.for %scan3A_279 = %scan3A_233 to %scan3A_235 step %scan3A_236  : i32 {
      %mul3A_280 = arith.constant 2 : i32
      %mul3A_281 = arith.muli %mul3A_280, %scan3A_279 : i32
      %add3A_282 = vector.broadcast %mul3A_281 : i32 to vector<16xi32>
      %add3A_283 = arith.addi %select_n3A, %add3A_282 : vector<16xi32>
      %add3A_284 = arith.constant 128 : i32
      %add3A_285 = vector.broadcast %add3A_284 : i32 to vector<16xi32>
      %add3A_286 = arith.addi %add3A_285, %select_n3A_56 : vector<16xi32>
      %gather3A = tpu.vector_load_idx %arg14[%add3A_283, %add3A_286] : memref<80x136xf32, #tpu.memory_space<vmem>>[vector<16xi32>, vector<16xi32>], vector<16xf32>,
      %gather3A_287 = tpu.vector_load_idx %arg16[%add3A_283, %select_n3A_56] : memref<80x8xf32, #tpu.memory_space<vmem>>[vector<16xi32>, vector<16xi32>], vector<16xf32>,
      %add3A_288 = arith.addf %gather3A, %gather3A_287 : vector<16xf32>
      %mul3A_289 = arith.constant 2.000000e-01 : f32
      %mul3A_290 = vector.broadcast %mul3A_289 : f32 to vector<16xf32>
      %mul3A_291 = arith.mulf %mul3A_290, %add3A_288 : vector<16xf32>
      %max3A = arith.maximumf %add3A_288, %mul3A_291 : vector<16xf32>
      %sub3A_292 = arith.subf %max3A, %get3A_12 : vector<16xf32>
      %exp3A = math.exp %sub3A_292 : vector<16xf32>
      %add3A_293 = arith.constant 128 : i32
      %add3A_294 = vector.broadcast %add3A_293 : i32 to vector<16xi32>
      %add3A_295 = arith.addi %add3A_294, %select_n3A_56 : vector<16xi32>
      tpu.vector_store_idx %arg18[%add3A_283, %add3A_295], %exp3A : memref<80x136xf32, #tpu.memory_space<vmem>>[vector<16xi32>, vector<16xi32>], vector<16xf32>,
      %mul3A_296 = arith.constant 2 : i32
      %mul3A_297 = arith.muli %mul3A_296, %scan3A_279 : i32
      %add3A_298 = arith.constant 0 : i32
      %add3A_299 = arith.addi %mul3A_297, %add3A_298 : i32
      %broadcast_in_dim3A = arith.constant 0 : i32
      %broadcast_in_dim3A_300 = vector.broadcast %broadcast_in_dim3A : i32 to vector<16x1xi32>
      %gather3A_301 = vector.shape_cast %broadcast_in_dim3A_300 : vector<16x1xi32> to vector<16xi32>
      %gather3A_302 = tpu.dynamic_gather %exp3A[%gather3A_301] in [0] : vector<16xf32>, vector<16xi32> -> vector<16xf32>
      %get3A_303 = arith.index_cast %add3A_299 : i32 to index
      %get3A_304 = arith.constant 0 : index
      %get3A_305 = tpu.vector_load %arg14[%get3A_303, %get3A_304] {strides = array<i32>} : memref<80x136xf32, #tpu.memory_space<vmem>>, vector<16xf32>,
      %mul3A_306 = arith.mulf %gather3A_302, %get3A_305 : vector<16xf32>
      %swap3A_307 = arith.index_cast %add3A_299 : i32 to index
      %swap3A_308 = arith.constant 0 : index
      %swap3A_309 = tpu.vector_load %arg18[%swap3A_307, %swap3A_308] {strides = array<i32>} : memref<80x136xf32, #tpu.memory_space<vmem>>, vector<16xf32>,
      tpu.vector_store %arg18[%swap3A_307, %swap3A_308], %mul3A_306 {strides = array<i32>} : memref<80x136xf32, #tpu.memory_space<vmem>>, vector<16xf32>,
      %broadcast_in_dim3A_310 = arith.constant 1 : i32
      %broadcast_in_dim3A_311 = vector.broadcast %broadcast_in_dim3A_310 : i32 to vector<16x1xi32>
      %gather3A_312 = vector.shape_cast %broadcast_in_dim3A_311 : vector<16x1xi32> to vector<16xi32>
      %gather3A_313 = tpu.dynamic_gather %exp3A[%gather3A_312] in [0] : vector<16xf32>, vector<16xi32> -> vector<16xf32>
      %get3A_314 = arith.index_cast %add3A_299 : i32 to index
      %get3A_315 = arith.constant 16 : index
      %get3A_316 = tpu.vector_load %arg14[%get3A_314, %get3A_315] {strides = array<i32>} : memref<80x136xf32, #tpu.memory_space<vmem>>, vector<16xf32>,
      %mul3A_317 = arith.mulf %gather3A_313, %get3A_316 : vector<16xf32>
      %swap3A_318 = arith.index_cast %add3A_299 : i32 to index
      %swap3A_319 = arith.constant 16 : index
      %swap3A_320 = tpu.vector_load %arg18[%swap3A_318, %swap3A_319] {strides = array<i32>} : memref<80x136xf32, #tpu.memory_space<vmem>>, vector<16xf32>,
      tpu.vector_store %arg18[%swap3A_318, %swap3A_319], %mul3A_317 {strides = array<i32>} : memref<80x136xf32, #tpu.memory_space<vmem>>, vector<16xf32>,
      %broadcast_in_dim3A_321 = arith.constant 2 : i32
      %broadcast_in_dim3A_322 = vector.broadcast %broadcast_in_dim3A_321 : i32 to vector<16x1xi32>
      %gather3A_323 = vector.shape_cast %broadcast_in_dim3A_322 : vector<16x1xi32> to vector<16xi32>
      %gather3A_324 = tpu.dynamic_gather %exp3A[%gather3A_323] in [0] : vector<16xf32>, vector<16xi32> -> vector<16xf32>
      %get3A_325 = arith.index_cast %add3A_299 : i32 to index
      %get3A_326 = arith.constant 32 : index
      %get3A_327 = tpu.vector_load %arg14[%get3A_325, %get3A_326] {strides = array<i32>} : memref<80x136xf32, #tpu.memory_space<vmem>>, vector<16xf32>,
      %mul3A_328 = arith.mulf %gather3A_324, %get3A_327 : vector<16xf32>
      %swap3A_329 = arith.index_cast %add3A_299 : i32 to index
      %swap3A_330 = arith.constant 32 : index
      %swap3A_331 = tpu.vector_load %arg18[%swap3A_329, %swap3A_330] {strides = array<i32>} : memref<80x136xf32, #tpu.memory_space<vmem>>, vector<16xf32>,
      tpu.vector_store %arg18[%swap3A_329, %swap3A_330], %mul3A_328 {strides = array<i32>} : memref<80x136xf32, #tpu.memory_space<vmem>>, vector<16xf32>,
      %broadcast_in_dim3A_332 = arith.constant 3 : i32
      %broadcast_in_dim3A_333 = vector.broadcast %broadcast_in_dim3A_332 : i32 to vector<16x1xi32>
      %gather3A_334 = vector.shape_cast %broadcast_in_dim3A_333 : vector<16x1xi32> to vector<16xi32>
      %gather3A_335 = tpu.dynamic_gather %exp3A[%gather3A_334] in [0] : vector<16xf32>, vector<16xi32> -> vector<16xf32>
      %get3A_336 = arith.index_cast %add3A_299 : i32 to index
      %get3A_337 = arith.constant 48 : index
      %get3A_338 = tpu.vector_load %arg14[%get3A_336, %get3A_337] {strides = array<i32>} : memref<80x136xf32, #tpu.memory_space<vmem>>, vector<16xf32>,
      %mul3A_339 = arith.mulf %gather3A_335, %get3A_338 : vector<16xf32>
      %swap3A_340 = arith.index_cast %add3A_299 : i32 to index
      %swap3A_341 = arith.constant 48 : index
      %swap3A_342 = tpu.vector_load %arg18[%swap3A_340, %swap3A_341] {strides = array<i32>} : memref<80x136xf32, #tpu.memory_space<vmem>>, vector<16xf32>,
      tpu.vector_store %arg18[%swap3A_340, %swap3A_341], %mul3A_339 {strides = array<i32>} : memref<80x136xf32, #tpu.memory_space<vmem>>, vector<16xf32>,
      %broadcast_in_dim3A_343 = arith.constant 4 : i32
      %broadcast_in_dim3A_344 = vector.broadcast %broadcast_in_dim3A_343 : i32 to vector<16x1xi32>
      %gather3A_345 = vector.shape_cast %broadcast_in_dim3A_344 : vector<16x1xi32> to vector<16xi32>
      %gather3A_346 = tpu.dynamic_gather %exp3A[%gather3A_345] in [0] : vector<16xf32>, vector<16xi32> -> vector<16xf32>
      %get3A_347 = arith.index_cast %add3A_299 : i32 to index
      %get3A_348 = arith.constant 64 : index
      %get3A_349 = tpu.vector_load %arg14[%get3A_347, %get3A_348] {strides = array<i32>} : memref<80x136xf32, #tpu.memory_space<vmem>>, vector<16xf32>,
      %mul3A_350 = arith.mulf %gather3A_346, %get3A_349 : vector<16xf32>
      %swap3A_351 = arith.index_cast %add3A_299 : i32 to index
      %swap3A_352 = arith.constant 64 : index
      %swap3A_353 = tpu.vector_load %arg18[%swap3A_351, %swap3A_352] {strides = array<i32>} : memref<80x136xf32, #tpu.memory_space<vmem>>, vector<16xf32>,
      tpu.vector_store %arg18[%swap3A_351, %swap3A_352], %mul3A_350 {strides = array<i32>} : memref<80x136xf32, #tpu.memory_space<vmem>>, vector<16xf32>,
      %broadcast_in_dim3A_354 = arith.constant 5 : i32
      %broadcast_in_dim3A_355 = vector.broadcast %broadcast_in_dim3A_354 : i32 to vector<16x1xi32>
      %gather3A_356 = vector.shape_cast %broadcast_in_dim3A_355 : vector<16x1xi32> to vector<16xi32>
      %gather3A_357 = tpu.dynamic_gather %exp3A[%gather3A_356] in [0] : vector<16xf32>, vector<16xi32> -> vector<16xf32>
      %get3A_358 = arith.index_cast %add3A_299 : i32 to index
      %get3A_359 = arith.constant 80 : index
      %get3A_360 = tpu.vector_load %arg14[%get3A_358, %get3A_359] {strides = array<i32>} : memref<80x136xf32, #tpu.memory_space<vmem>>, vector<16xf32>,
      %mul3A_361 = arith.mulf %gather3A_357, %get3A_360 : vector<16xf32>
      %swap3A_362 = arith.index_cast %add3A_299 : i32 to index
      %swap3A_363 = arith.constant 80 : index
      %swap3A_364 = tpu.vector_load %arg18[%swap3A_362, %swap3A_363] {strides = array<i32>} : memref<80x136xf32, #tpu.memory_space<vmem>>, vector<16xf32>,
      tpu.vector_store %arg18[%swap3A_362, %swap3A_363], %mul3A_361 {strides = array<i32>} : memref<80x136xf32, #tpu.memory_space<vmem>>, vector<16xf32>,
      %broadcast_in_dim3A_365 = arith.constant 6 : i32
      %broadcast_in_dim3A_366 = vector.broadcast %broadcast_in_dim3A_365 : i32 to vector<16x1xi32>
      %gather3A_367 = vector.shape_cast %broadcast_in_dim3A_366 : vector<16x1xi32> to vector<16xi32>
      %gather3A_368 = tpu.dynamic_gather %exp3A[%gather3A_367] in [0] : vector<16xf32>, vector<16xi32> -> vector<16xf32>
      %get3A_369 = arith.index_cast %add3A_299 : i32 to index
      %get3A_370 = arith.constant 96 : index
      %get3A_371 = tpu.vector_load %arg14[%get3A_369, %get3A_370] {strides = array<i32>} : memref<80x136xf32, #tpu.memory_space<vmem>>, vector<16xf32>,
      %mul3A_372 = arith.mulf %gather3A_368, %get3A_371 : vector<16xf32>
      %swap3A_373 = arith.index_cast %add3A_299 : i32 to index
      %swap3A_374 = arith.constant 96 : index
      %swap3A_375 = tpu.vector_load %arg18[%swap3A_373, %swap3A_374] {strides = array<i32>} : memref<80x136xf32, #tpu.memory_space<vmem>>, vector<16xf32>,
      tpu.vector_store %arg18[%swap3A_373, %swap3A_374], %mul3A_372 {strides = array<i32>} : memref<80x136xf32, #tpu.memory_space<vmem>>, vector<16xf32>,
      %broadcast_in_dim3A_376 = arith.constant 7 : i32
      %broadcast_in_dim3A_377 = vector.broadcast %broadcast_in_dim3A_376 : i32 to vector<16x1xi32>
      %gather3A_378 = vector.shape_cast %broadcast_in_dim3A_377 : vector<16x1xi32> to vector<16xi32>
      %gather3A_379 = tpu.dynamic_gather %exp3A[%gather3A_378] in [0] : vector<16xf32>, vector<16xi32> -> vector<16xf32>
      %get3A_380 = arith.index_cast %add3A_299 : i32 to index
      %get3A_381 = arith.constant 112 : index
      %get3A_382 = tpu.vector_load %arg14[%get3A_380, %get3A_381] {strides = array<i32>} : memref<80x136xf32, #tpu.memory_space<vmem>>, vector<16xf32>,
      %mul3A_383 = arith.mulf %gather3A_379, %get3A_382 : vector<16xf32>
      %swap3A_384 = arith.index_cast %add3A_299 : i32 to index
      %swap3A_385 = arith.constant 112 : index
      %swap3A_386 = tpu.vector_load %arg18[%swap3A_384, %swap3A_385] {strides = array<i32>} : memref<80x136xf32, #tpu.memory_space<vmem>>, vector<16xf32>,
      tpu.vector_store %arg18[%swap3A_384, %swap3A_385], %mul3A_383 {strides = array<i32>} : memref<80x136xf32, #tpu.memory_space<vmem>>, vector<16xf32>,
      %mul3A_387 = arith.constant 2 : i32
      %mul3A_388 = arith.muli %mul3A_387, %scan3A_279 : i32
      %add3A_389 = arith.constant 1 : i32
      %add3A_390 = arith.addi %mul3A_388, %add3A_389 : i32
      %broadcast_in_dim3A_391 = arith.constant 8 : i32
      %broadcast_in_dim3A_392 = vector.broadcast %broadcast_in_dim3A_391 : i32 to vector<16x1xi32>
      %gather3A_393 = vector.shape_cast %broadcast_in_dim3A_392 : vector<16x1xi32> to vector<16xi32>
      %gather3A_394 = tpu.dynamic_gather %exp3A[%gather3A_393] in [0] : vector<16xf32>, vector<16xi32> -> vector<16xf32>
      %get3A_395 = arith.index_cast %add3A_390 : i32 to index
      %get3A_396 = arith.constant 0 : index
      %get3A_397 = tpu.vector_load %arg14[%get3A_395, %get3A_396] {strides = array<i32>} : memref<80x136xf32, #tpu.memory_space<vmem>>, vector<16xf32>,
      %mul3A_398 = arith.mulf %gather3A_394, %get3A_397 : vector<16xf32>
      %swap3A_399 = arith.index_cast %add3A_390 : i32 to index
      %swap3A_400 = arith.constant 0 : index
      %swap3A_401 = tpu.vector_load %arg18[%swap3A_399, %swap3A_400] {strides = array<i32>} : memref<80x136xf32, #tpu.memory_space<vmem>>, vector<16xf32>,
      tpu.vector_store %arg18[%swap3A_399, %swap3A_400], %mul3A_398 {strides = array<i32>} : memref<80x136xf32, #tpu.memory_space<vmem>>, vector<16xf32>,
      %broadcast_in_dim3A_402 = arith.constant 9 : i32
      %broadcast_in_dim3A_403 = vector.broadcast %broadcast_in_dim3A_402 : i32 to vector<16x1xi32>
      %gather3A_404 = vector.shape_cast %broadcast_in_dim3A_403 : vector<16x1xi32> to vector<16xi32>
      %gather3A_405 = tpu.dynamic_gather %exp3A[%gather3A_404] in [0] : vector<16xf32>, vector<16xi32> -> vector<16xf32>
      %get3A_406 = arith.index_cast %add3A_390 : i32 to index
      %get3A_407 = arith.constant 16 : index
      %get3A_408 = tpu.vector_load %arg14[%get3A_406, %get3A_407] {strides = array<i32>} : memref<80x136xf32, #tpu.memory_space<vmem>>, vector<16xf32>,
      %mul3A_409 = arith.mulf %gather3A_405, %get3A_408 : vector<16xf32>
      %swap3A_410 = arith.index_cast %add3A_390 : i32 to index
      %swap3A_411 = arith.constant 16 : index
      %swap3A_412 = tpu.vector_load %arg18[%swap3A_410, %swap3A_411] {strides = array<i32>} : memref<80x136xf32, #tpu.memory_space<vmem>>, vector<16xf32>,
      tpu.vector_store %arg18[%swap3A_410, %swap3A_411], %mul3A_409 {strides = array<i32>} : memref<80x136xf32, #tpu.memory_space<vmem>>, vector<16xf32>,
      %broadcast_in_dim3A_413 = arith.constant 10 : i32
      %broadcast_in_dim3A_414 = vector.broadcast %broadcast_in_dim3A_413 : i32 to vector<16x1xi32>
      %gather3A_415 = vector.shape_cast %broadcast_in_dim3A_414 : vector<16x1xi32> to vector<16xi32>
      %gather3A_416 = tpu.dynamic_gather %exp3A[%gather3A_415] in [0] : vector<16xf32>, vector<16xi32> -> vector<16xf32>
      %get3A_417 = arith.index_cast %add3A_390 : i32 to index
      %get3A_418 = arith.constant 32 : index
      %get3A_419 = tpu.vector_load %arg14[%get3A_417, %get3A_418] {strides = array<i32>} : memref<80x136xf32, #tpu.memory_space<vmem>>, vector<16xf32>,
      %mul3A_420 = arith.mulf %gather3A_416, %get3A_419 : vector<16xf32>
      %swap3A_421 = arith.index_cast %add3A_390 : i32 to index
      %swap3A_422 = arith.constant 32 : index
      %swap3A_423 = tpu.vector_load %arg18[%swap3A_421, %swap3A_422] {strides = array<i32>} : memref<80x136xf32, #tpu.memory_space<vmem>>, vector<16xf32>,
      tpu.vector_store %arg18[%swap3A_421, %swap3A_422], %mul3A_420 {strides = array<i32>} : memref<80x136xf32, #tpu.memory_space<vmem>>, vector<16xf32>,
      %broadcast_in_dim3A_424 = arith.constant 11 : i32
      %broadcast_in_dim3A_425 = vector.broadcast %broadcast_in_dim3A_424 : i32 to vector<16x1xi32>
      %gather3A_426 = vector.shape_cast %broadcast_in_dim3A_425 : vector<16x1xi32> to vector<16xi32>
      %gather3A_427 = tpu.dynamic_gather %exp3A[%gather3A_426] in [0] : vector<16xf32>, vector<16xi32> -> vector<16xf32>
      %get3A_428 = arith.index_cast %add3A_390 : i32 to index
      %get3A_429 = arith.constant 48 : index
      %get3A_430 = tpu.vector_load %arg14[%get3A_428, %get3A_429] {strides = array<i32>} : memref<80x136xf32, #tpu.memory_space<vmem>>, vector<16xf32>,
      %mul3A_431 = arith.mulf %gather3A_427, %get3A_430 : vector<16xf32>
      %swap3A_432 = arith.index_cast %add3A_390 : i32 to index
      %swap3A_433 = arith.constant 48 : index
      %swap3A_434 = tpu.vector_load %arg18[%swap3A_432, %swap3A_433] {strides = array<i32>} : memref<80x136xf32, #tpu.memory_space<vmem>>, vector<16xf32>,
      tpu.vector_store %arg18[%swap3A_432, %swap3A_433], %mul3A_431 {strides = array<i32>} : memref<80x136xf32, #tpu.memory_space<vmem>>, vector<16xf32>,
      %broadcast_in_dim3A_435 = arith.constant 12 : i32
      %broadcast_in_dim3A_436 = vector.broadcast %broadcast_in_dim3A_435 : i32 to vector<16x1xi32>
      %gather3A_437 = vector.shape_cast %broadcast_in_dim3A_436 : vector<16x1xi32> to vector<16xi32>
      %gather3A_438 = tpu.dynamic_gather %exp3A[%gather3A_437] in [0] : vector<16xf32>, vector<16xi32> -> vector<16xf32>
      %get3A_439 = arith.index_cast %add3A_390 : i32 to index
      %get3A_440 = arith.constant 64 : index
      %get3A_441 = tpu.vector_load %arg14[%get3A_439, %get3A_440] {strides = array<i32>} : memref<80x136xf32, #tpu.memory_space<vmem>>, vector<16xf32>,
      %mul3A_442 = arith.mulf %gather3A_438, %get3A_441 : vector<16xf32>
      %swap3A_443 = arith.index_cast %add3A_390 : i32 to index
      %swap3A_444 = arith.constant 64 : index
      %swap3A_445 = tpu.vector_load %arg18[%swap3A_443, %swap3A_444] {strides = array<i32>} : memref<80x136xf32, #tpu.memory_space<vmem>>, vector<16xf32>,
      tpu.vector_store %arg18[%swap3A_443, %swap3A_444], %mul3A_442 {strides = array<i32>} : memref<80x136xf32, #tpu.memory_space<vmem>>, vector<16xf32>,
      %broadcast_in_dim3A_446 = arith.constant 13 : i32
      %broadcast_in_dim3A_447 = vector.broadcast %broadcast_in_dim3A_446 : i32 to vector<16x1xi32>
      %gather3A_448 = vector.shape_cast %broadcast_in_dim3A_447 : vector<16x1xi32> to vector<16xi32>
      %gather3A_449 = tpu.dynamic_gather %exp3A[%gather3A_448] in [0] : vector<16xf32>, vector<16xi32> -> vector<16xf32>
      %get3A_450 = arith.index_cast %add3A_390 : i32 to index
      %get3A_451 = arith.constant 80 : index
      %get3A_452 = tpu.vector_load %arg14[%get3A_450, %get3A_451] {strides = array<i32>} : memref<80x136xf32, #tpu.memory_space<vmem>>, vector<16xf32>,
      %mul3A_453 = arith.mulf %gather3A_449, %get3A_452 : vector<16xf32>
      %swap3A_454 = arith.index_cast %add3A_390 : i32 to index
      %swap3A_455 = arith.constant 80 : index
      %swap3A_456 = tpu.vector_load %arg18[%swap3A_454, %swap3A_455] {strides = array<i32>} : memref<80x136xf32, #tpu.memory_space<vmem>>, vector<16xf32>,
      tpu.vector_store %arg18[%swap3A_454, %swap3A_455], %mul3A_453 {strides = array<i32>} : memref<80x136xf32, #tpu.memory_space<vmem>>, vector<16xf32>,
      %broadcast_in_dim3A_457 = arith.constant 14 : i32
      %broadcast_in_dim3A_458 = vector.broadcast %broadcast_in_dim3A_457 : i32 to vector<16x1xi32>
      %gather3A_459 = vector.shape_cast %broadcast_in_dim3A_458 : vector<16x1xi32> to vector<16xi32>
      %gather3A_460 = tpu.dynamic_gather %exp3A[%gather3A_459] in [0] : vector<16xf32>, vector<16xi32> -> vector<16xf32>
      %get3A_461 = arith.index_cast %add3A_390 : i32 to index
      %get3A_462 = arith.constant 96 : index
      %get3A_463 = tpu.vector_load %arg14[%get3A_461, %get3A_462] {strides = array<i32>} : memref<80x136xf32, #tpu.memory_space<vmem>>, vector<16xf32>,
      %mul3A_464 = arith.mulf %gather3A_460, %get3A_463 : vector<16xf32>
      %swap3A_465 = arith.index_cast %add3A_390 : i32 to index
      %swap3A_466 = arith.constant 96 : index
      %swap3A_467 = tpu.vector_load %arg18[%swap3A_465, %swap3A_466] {strides = array<i32>} : memref<80x136xf32, #tpu.memory_space<vmem>>, vector<16xf32>,
      tpu.vector_store %arg18[%swap3A_465, %swap3A_466], %mul3A_464 {strides = array<i32>} : memref<80x136xf32, #tpu.memory_space<vmem>>, vector<16xf32>,
      %broadcast_in_dim3A_468 = arith.constant 15 : i32
      %broadcast_in_dim3A_469 = vector.broadcast %broadcast_in_dim3A_468 : i32 to vector<16x1xi32>
      %gather3A_470 = vector.shape_cast %broadcast_in_dim3A_469 : vector<16x1xi32> to vector<16xi32>
      %gather3A_471 = tpu.dynamic_gather %exp3A[%gather3A_470] in [0] : vector<16xf32>, vector<16xi32> -> vector<16xf32>
      %get3A_472 = arith.index_cast %add3A_390 : i32 to index
      %get3A_473 = arith.constant 112 : index
      %get3A_474 = tpu.vector_load %arg14[%get3A_472, %get3A_473] {strides = array<i32>} : memref<80x136xf32, #tpu.memory_space<vmem>>, vector<16xf32>,
      %mul3A_475 = arith.mulf %gather3A_471, %get3A_474 : vector<16xf32>
      %swap3A_476 = arith.index_cast %add3A_390 : i32 to index
      %swap3A_477 = arith.constant 112 : index
      %swap3A_478 = tpu.vector_load %arg18[%swap3A_476, %swap3A_477] {strides = array<i32>} : memref<80x136xf32, #tpu.memory_space<vmem>>, vector<16xf32>,
      tpu.vector_store %arg18[%swap3A_476, %swap3A_477], %mul3A_475 {strides = array<i32>} : memref<80x136xf32, #tpu.memory_space<vmem>>, vector<16xf32>,
    }
    %scan3A_237 = arith.constant 40 : i32
    %get3A_238 = arith.constant 0 : index
    %get3A_239 = tpu.vector_load %arg12[%get3A_238] {strides = array<i32>} : memref<80xi32, #tpu.memory_space<vmem>>, vector<16xi32>,
    %swap3A_240 = arith.constant 0 : index
    %swap3A_241 = tpu.vector_load %arg20[%swap3A_240] {strides = array<i32>} : memref<80xi32, #tpu.memory_space<vmem>>, vector<16xi32>,
    tpu.vector_store %arg20[%swap3A_240], %get3A_239 {strides = array<i32>} : memref<80xi32, #tpu.memory_space<vmem>>, vector<16xi32>,
    %get3A_242 = arith.constant 16 : index
    %get3A_243 = tpu.vector_load %arg12[%get3A_242] {strides = array<i32>} : memref<80xi32, #tpu.memory_space<vmem>>, vector<16xi32>,
    %swap3A_244 = arith.constant 16 : index
    %swap3A_245 = tpu.vector_load %arg20[%swap3A_244] {strides = array<i32>} : memref<80xi32, #tpu.memory_space<vmem>>, vector<16xi32>,
    tpu.vector_store %arg20[%swap3A_244], %get3A_243 {strides = array<i32>} : memref<80xi32, #tpu.memory_space<vmem>>, vector<16xi32>,
    %get3A_246 = arith.constant 32 : index
    %get3A_247 = tpu.vector_load %arg12[%get3A_246] {strides = array<i32>} : memref<80xi32, #tpu.memory_space<vmem>>, vector<16xi32>,
    %swap3A_248 = arith.constant 32 : index
    %swap3A_249 = tpu.vector_load %arg20[%swap3A_248] {strides = array<i32>} : memref<80xi32, #tpu.memory_space<vmem>>, vector<16xi32>,
    tpu.vector_store %arg20[%swap3A_248], %get3A_247 {strides = array<i32>} : memref<80xi32, #tpu.memory_space<vmem>>, vector<16xi32>,
    %get3A_250 = arith.constant 48 : index
    %get3A_251 = tpu.vector_load %arg12[%get3A_250] {strides = array<i32>} : memref<80xi32, #tpu.memory_space<vmem>>, vector<16xi32>,
    %swap3A_252 = arith.constant 48 : index
    %swap3A_253 = tpu.vector_load %arg20[%swap3A_252] {strides = array<i32>} : memref<80xi32, #tpu.memory_space<vmem>>, vector<16xi32>,
    tpu.vector_store %arg20[%swap3A_252], %get3A_251 {strides = array<i32>} : memref<80xi32, #tpu.memory_space<vmem>>, vector<16xi32>,
    %get3A_254 = arith.constant 64 : index
    %get3A_255 = tpu.vector_load %arg12[%get3A_254] {strides = array<i32>} : memref<80xi32, #tpu.memory_space<vmem>>, vector<16xi32>,
    %swap3A_256 = arith.constant 64 : index
    %swap3A_257 = tpu.vector_load %arg20[%swap3A_256] {strides = array<i32>} : memref<80xi32, #tpu.memory_space<vmem>>, vector<16xi32>,
    tpu.vector_store %arg20[%swap3A_256], %get3A_255 {strides = array<i32>} : memref<80xi32, #tpu.memory_space<vmem>>, vector<16xi32>,
    %dma_start3A_258 = arith.constant 0 : i32
    %dma_start3A_259 = arith.constant 0 : i32
    %dma_start3A_260 = tpu.memref_slice %arg9[%dma_start3A_258, %dma_start3A_259] : memref<10000x136xf32, #tpu.memory_space<vmem_shared>> -> memref<10000x136xf32, #tpu.memory_space<vmem_shared>>
    tpu.enqueue_indirect_dma source(%arg18 : memref<80x136xf32, #tpu.memory_space<vmem>>) target(%dma_start3A_260 : memref<10000x136xf32, #tpu.memory_space<vmem_shared>>) offsets(%arg20 : memref<80xi32, #tpu.memory_space<vmem>>) semaphore(%arg27 : memref<!tpu.dma_semaphore, #tpu.memory_space<semaphore_mem>>) {add = true}
    %dma_wait3A_261 = arith.constant 0 : i32
    %dma_wait3A_262 = arith.constant 0 : i32
    %dma_wait3A_263 = tpu.memref_slice %arg9[%dma_wait3A_261, %dma_wait3A_262] : memref<10000x136xf32, #tpu.memory_space<vmem_shared>> -> memref<80x136xf32, #tpu.memory_space<vmem_shared>>
    %dma_wait3A_264 = arith.constant 0 : i32
    %dma_wait3A_265 = arith.constant 0 : i32
    %dma_wait3A_266 = tpu.memref_slice %arg9[%dma_wait3A_264, %dma_wait3A_265] : memref<10000x136xf32, #tpu.memory_space<vmem_shared>> -> memref<80x136xf32, #tpu.memory_space<vmem_shared>>
    tpu.wait_dma2 semaphore(%arg27 : memref<!tpu.dma_semaphore, #tpu.memory_space<semaphore_mem>>) src(%arg18 : memref<80x136xf32, #tpu.memory_space<vmem>>) dst(%dma_wait3A_266 : memref<80x136xf32, #tpu.memory_space<vmem_shared>>)
    %dma_wait3A_267 = arith.constant 0 : i32
    %dma_wait3A_268 = arith.constant 0 : i32
    %dma_wait3A_269 = tpu.memref_slice %arg9[%dma_wait3A_267, %dma_wait3A_268] : memref<10000x136xf32, #tpu.memory_space<vmem_shared>> -> memref<80x136xf32, #tpu.memory_space<vmem_shared>>
    %dma_wait3A_270 = arith.constant 0 : i32
    %dma_wait3A_271 = arith.constant 0 : i32
    %dma_wait3A_272 = tpu.memref_slice %arg9[%dma_wait3A_270, %dma_wait3A_271] : memref<10000x136xf32, #tpu.memory_space<vmem_shared>> -> memref<80x136xf32, #tpu.memory_space<vmem_shared>>
    tpu.wait_dma2 semaphore(%arg28 : memref<!tpu.dma_semaphore, #tpu.memory_space<semaphore_mem>>) src(%arg19 : memref<80x136xf32, #tpu.memory_space<vmem>>) dst(%dma_wait3A_272 : memref<80x136xf32, #tpu.memory_space<vmem_shared>>)
    %barrier3A_273 = arith.constant 0 : index
    tpu.barrier barrier_id(%barrier3A_273)
    %lt3A_274 = arith.constant 10 : i32
    %lt3A_275 = arith.cmpi slt, %arg1, %lt3A_274 : i32
    %convert_element_type3A_276 = arith.extui %lt3A_275 : i1 to i32
    %cond3A_277 = arith.constant 0 : i32
    %cond3A_278 = arith.cmpi ne, %convert_element_type3A_276, %cond3A_277 : i32
    scf.if %cond3A_278 {
      "tpu.region"() ({
        %run_scoped3A = tpu.sem_alloc : memref<!tpu.dma_semaphore, #tpu.memory_space<semaphore_mem>>
        %dma_start3A_279 = arith.constant 0 : i32
        %dma_start3A_280 = tpu.memref_slice %arg8[%arg0, %mul3A_0, %dma_start3A_279] : memref<2x10000x136xf32, #tpu.memory_space<hbm>> -> memref<1x1000x136xf32, #tpu.memory_space<hbm>>
        %dma_start3A_281 = tpu.memref_squeeze %dma_start3A_280 : memref<1x1000x136xf32, #tpu.memory_space<hbm>> -> memref<1000x136xf32, #tpu.memory_space<hbm>>
        %dma_start3A_282 = arith.constant 0 : i32
        %dma_start3A_283 = tpu.memref_slice %arg9[%mul3A_0, %dma_start3A_282] : memref<10000x136xf32, #tpu.memory_space<vmem_shared>> -> memref<1000x136xf32, #tpu.memory_space<vmem_shared>>
        tpu.enqueue_dma source(%dma_start3A_283 : memref<1000x136xf32, #tpu.memory_space<vmem_shared>>) target(%dma_start3A_281 : memref<1000x136xf32, #tpu.memory_space<hbm>>) target_semaphore(%run_scoped3A : memref<!tpu.dma_semaphore, #tpu.memory_space<semaphore_mem>>)
        %dma_wait3A_284 = arith.constant 0 : i32
        %dma_wait3A_285 = tpu.memref_slice %arg8[%arg0, %mul3A_0, %dma_wait3A_284] : memref<2x10000x136xf32, #tpu.memory_space<hbm>> -> memref<1x1000x136xf32, #tpu.memory_space<hbm>>
        %dma_wait3A_286 = tpu.memref_squeeze %dma_wait3A_285 : memref<1x1000x136xf32, #tpu.memory_space<hbm>> -> memref<1000x136xf32, #tpu.memory_space<hbm>>
        %dma_wait3A_287 = arith.constant 0 : i32
        %dma_wait3A_288 = tpu.memref_slice %arg9[%mul3A_0, %dma_wait3A_287] : memref<10000x136xf32, #tpu.memory_space<vmem_shared>> -> memref<1000x136xf32, #tpu.memory_space<vmem_shared>>
        tpu.wait_dma2 semaphore(%run_scoped3A : memref<!tpu.dma_semaphore, #tpu.memory_space<semaphore_mem>>) src(%dma_wait3A_288 : memref<1000x136xf32, #tpu.memory_space<vmem_shared>>) dst(%dma_wait3A_286 : memref<1000x136xf32, #tpu.memory_space<hbm>>)
        tpu.yield
      }) : () -> ()
    } else {
    }
    return
  }
}

</mosaic_0001>

<sc_bundles>
// kernel: _sc_edge.3.cloned.1.call-start
scs
__scs_entry_jumppad:
0x0: {  	(pc) =	sbr.rel $0x88, $3  }
0x1: {  	(tag) =	ssettag $0x0;
	lr =	simm.s32 $0x1  }
0x2: {  	[smem:$0x3F9B] =	sst lr;
	_ =	strace $0xD0000000  }
0x3: {  	_ = 	snop  }
0x4: {  	_ = 	snop  }
0x5: {  	_ = 	snop  }
0x6: {  	_ = 	snop  }
0x7: {  	_ = 	snop  }
__scs_overlays_trampoline_lowered:
0x8: {  	[smem:$0x3FAA] =	sst s0  }
0x9: {  	[smem:$0x3FAB] =	sst s1  }
0xa: {  	[smem:$0x3FAC] =	sst s2  }
0xb: {  	[smem:$0x3FAD] =	sst s3  }
0xc: {  	[smem:$0x3FAE] =	sst s4  }
0xd: {  	[smem:$0x3FAF] =	sst s5  }
0xe: {  	[smem:$0x3FB0] =	sst s6  }
0xf: {  	[smem:$0x3FB1] =	sst s7  }
0x10: {  	[smem:$0x3FB2] =	sst s8  }
0x11: {  	[smem:$0x3FB3] =	sst s9;
	s0 =	simm.s32 @!p0 $0x0  }
0x12: {  	s1 =	sld [smem:$0x3F99];
	s0 =	simm.s32 @p0 $0x1  }
0x13: {  	[smem:$0x3FB4] =	sst s0;
	s0 =	simm.s32 @!p1 $0x0  }
0x14: {  	s2 =	sld [smem:$0x3F98];
	s0 =	simm.s32 @p1 $0x1  }
0x15: {  	[smem:$0x3FB5] =	sst s0;
	s0 =	simm.s32 @!p2 $0x0  }
0x16: {  	s3 =	sld [smem:$0x3FDB];
	s0 =	simm.s32 @p2 $0x1  }
0x17: {  	s4 =	simm.s32 $0x1BF5;
	[smem:$0x3FB7] =	sst s0  }
0x18: {  	s0 =	sld [smem:$0x3F9A];
	_ =	swait.ge [sflag:s4], $0x0  }
0x19: {  	s7 =	sld [smem:$0x3F9B]  }
0x1a: {  	s8 =	sadd.s32 $0xFFFFE003, lr  }
0x1b: {  	s9 =	sadd.s32 $0xFFFFFEF7, lr;
	s5 =	simm.s32 $0xFFFFFFFF;
	p2 =	slt.u32 s8, $0xFFFFF086  }
0x1c: {  	p1 =	slt.u32 s9, $0xF7A;
	s5 =	simm.s32 @!p2 $0x0  }
0x1d: {  	s5 =	simm.s32 @p1 $0x1;
	p0 =	seq.s32 s7, s2  }
0x1e: {  	s7 =	smul.u32 @!p0 $0xF7A, s2;
	p2 =	seq.s32 @!p0 s5, $0x0  }
0x1f: {  	s9 =	smul.u32 $0xF7A, s1;
	s8 =	simm.s32 @!p0 $0x1BF5;
	p2 =	por !p2, p0  }
0x20: {  	[sflag:s8] =	ssyncset.s32 @!p0 $0xFFFFF086;
	s6 =	sadd.s32 @!p0 s3, s7;
	s7 =	simm.s32 @!p0 $0x108  }
0x21: {  	s3 =	sadd.s32 s3, s9;
	s6 =	sadd.s32 @!p0 $0x88, s6;
	s7 =	simm.s32 @p2 $0x1082  }
0x22: {  	[simem:s7], [sflag:s8] =	dma.local @!p0 [hbm:s6], $0xF7A  }
0x23: {  	s9 =	sor.u32 $0xD0000000, s2;
	s6 =	simm.s32 $0x108;
	_ =	swait.ge @!p0 [sflag:s8], $0x0  }
0x24: {  	s3 =	sadd.s32 $0x88, s3;
	s6 =	simm.s32 @!p1 $0x1082;
	[sflag:s4] =	ssyncset.s32 $0xFFFFF086  }
0x25: {  	[simem:s6], [sflag:s4] =	dma.local [hbm:s3], $0xF7A  }
0x26: {  	[smem:$0x3F9B] =	sst s1;
	(tag) =	ssettag s2;
	_ =	strace s9  }
0x27: {  	s1 =	sld [smem:$0x3FAB]  }
0x28: {  	s2 =	sld [smem:$0x3FAC]  }
0x29: {  	s4 =	sld [smem:$0x3FAE]  }
0x2a: {  	p0 =	seq.s32 s5, $0x0;
	s5 =	sld [smem:$0x3FAF]  }
0x2b: {  	s6 =	sld [smem:$0x3FB0]  }
0x2c: {  	s7 =	sld [smem:$0x3FB1]  }
0x2d: {  	s3 =	simm.s32 $0x108;
	s8 =	sld [smem:$0x3FB2]  }
0x2e: {  	s3 =	simm.s32 @!p0 $0x1082;
	s9 =	sld [smem:$0x3FB3]  }
0x2f: {  	lr =	sadd.s32 s0, s3;
	s0 =	sld [smem:$0x3FAA]  }
0x30: {  	s3 =	sld [smem:$0x3FAD]  }
0x31: {  	[smem:$0x3FB6] =	sst s10  }
0x32: {  	s10 =	sld [smem:$0x3FB4];
	_ =	sdelay $0x3  }
0x33: {  	p0 =	seq.s32 s10, $0x1;
	s10 =	sld [smem:$0x3FB6];
	_ =	sdelay $0x3  }
0x34: {  	[smem:$0x3FB6] =	sst s10  }
0x35: {  	s10 =	sld [smem:$0x3FB5];
	_ =	sdelay $0x3  }
0x36: {  	p1 =	seq.s32 s10, $0x1;
	s10 =	sld [smem:$0x3FB6];
	_ =	sdelay $0x3  }
0x37: {  	[smem:$0x3FB6] =	sst s10  }
0x38: {  	s10 =	sld [smem:$0x3FB7]  }
0x39: {  	_ = 	snop;
	(pc) =	sbr.ind lr, $3  }
0x3a: {  	_ = 	snop  }
0x3b: {  	_ = 	snop  }
0x3c: {  	p2 =	seq.s32 s10, $0x1;
	s10 =	sld [smem:$0x3FB6]  }
0x3d: {  	_ =	shalt  }
0x3e: {  	_ =	shalt  }
0x3f: {  	_ =	shalt  }
0x40: {  	_ =	shalt  }
0x41: {  	_ =	shalt  }
0x42: {  	_ =	shalt  }
0x43: {  	_ =	shalt  }
0x44: {  	_ =	shalt  }
0x45: {  	_ =	shalt  }
0x46: {  	_ =	shalt  }
0x47: {  	_ =	shalt  }
0x48: {  	_ =	shalt  }
0x49: {  	_ =	shalt  }
0x4a: {  	_ =	shalt  }
0x4b: {  	_ =	shalt  }
0x4c: {  	_ =	shalt  }
0x4d: {  	_ =	shalt  }
0x4e: {  	_ =	shalt  }
0x4f: {  	_ =	shalt  }
0x50: {  	_ =	shalt  }
0x51: {  	_ =	shalt  }
0x52: {  	_ =	shalt  }
0x53: {  	_ =	shalt  }
0x54: {  	_ =	shalt  }
0x55: {  	_ =	shalt  }
0x56: {  	_ =	shalt  }
0x57: {  	_ =	shalt  }
0x58: {  	_ =	shalt  }
0x59: {  	_ =	shalt  }
0x5a: {  	_ =	shalt  }
0x5b: {  	_ =	shalt  }
0x5c: {  	_ =	shalt  }
0x5d: {  	_ =	shalt  }
0x5e: {  	_ =	shalt  }
0x5f: {  	_ =	shalt  }
0x60: {  	_ =	shalt  }
0x61: {  	_ =	shalt  }
0x62: {  	_ =	shalt  }
0x63: {  	_ =	shalt  }
0x64: {  	_ =	shalt  }
0x65: {  	_ =	shalt  }
0x66: {  	_ =	shalt  }
0x67: {  	_ =	shalt  }
0x68: {  	_ =	shalt  }
0x69: {  	_ =	shalt  }
0x6a: {  	_ =	shalt  }
0x6b: {  	_ =	shalt  }
0x6c: {  	_ =	shalt  }
0x6d: {  	_ =	shalt  }
0x6e: {  	_ =	shalt  }
0x6f: {  	_ =	shalt  }
0x70: {  	_ =	shalt  }
0x71: {  	_ =	shalt  }
0x72: {  	_ =	shalt  }
0x73: {  	_ =	shalt  }
0x74: {  	_ =	shalt  }
0x75: {  	_ =	shalt  }
0x76: {  	_ =	shalt  }
0x77: {  	_ =	shalt  }
0x78: {  	_ =	shalt  }
0x79: {  	_ =	shalt  }
0x7a: {  	_ =	shalt  }
0x7b: {  	_ =	shalt  }
0x7c: {  	_ =	shalt  }
0x7d: {  	_ =	shalt  }
0x7e: {  	_ =	shalt  }
0x7f: {  	_ =	shalt  }
0x80: {  	_ =	shalt  }
0x81: {  	_ =	shalt  }
0x82: {  	_ =	shalt  }
0x83: {  	_ =	shalt  }
0x84: {  	_ =	shalt  }
0x85: {  	_ =	shalt  }
0x86: {  	_ =	shalt  }
0x87: {  	_ =	shalt  }
.Lfunc_end0:
.L_simem_size_0:
called_computation_lowered:
.L_overlay_start_0:
0x88: {  	s2 =	sld [smem:$0x3FD9]  }
0x89: {  	s3 =	sld [smem:$0x3FFE];
	_ =	sdelay $0x1  }
0x8a: {  	s1 =	srdreg.scid  }
0x8b: {  	s0 =	sand.u32 $0x1, s1  }
0x8c: {  	s17 =	sshll.u32 s0, $0xA;
	s2 =	sadd.s32 s3, s2  }
0x8d: {  	s2 =	sadd.s32 s2, s17  }
0x8e: {  	[smem:$0x3FC2] =	sst s2  }
0x8f: {  	_ = 	snop  }
0x90: {  	s2 =	sld [smem:$0x3FC7]  }
0x91: {  	s18 =	sld [smem:$0x3FC6]  }
0x92: {  	s4 =	sld [smem:$0x3FC5]  }
0x93: {  	s5 =	sld [smem:$0x3FD0];
	(tm) =	ssettm $0x1  }
0x94: {  	s6 =	sld [smem:$0x3FFB];
	_ =	sdelay $0x3  }
0x95: {  	_ =	strace s6  }
0x96: {  	s6 =	sld [smem:$0x3FFC];
	_ =	sdelay $0x3  }
0x97: {  	_ =	strace s6  }
0x98: {  	s6 =	sld [smem:$0x3FFD];
	_ =	sdelay $0x3  }
0x99: {  	_ =	strace s6  }
0x9a: {  	_ =	strace $0x8FFFFFFF  }
0x9b: {  	s19 =	sld [smem:$0x3FDB];
	_ =	sdelay $0x1  }
0x9c: {  	s7 =	simm.s32 $_scs_section_size  }
0x9d: {  	s8 =	simm.s32 $_size__tile_overlayer_lowered;
	s9 =	simm.s32 $_tile_overlayer_lowered  }
0x9e: {  	s22 =	simm.s32 $0x1BFF;
	s21 =	sshll.u32 s9, $0x1;
	s6 =	sadd.s32 s7, s19  }
0x9f: {  	s10 =	simm.s32 $0x0;
	s20 =	sshll.u32 s8, $0x1;
	s8 =	sadd.s32 s21, s6  }
0xa0: {  	[timem:s10], [sflag:s22] =	dma.local [hbm:s8], s20  }
0xa1: {  	_ =	swait.ge [sflag:s22], s20  }
0xa2: {  	s7 =	ssub.s32 $0x0, s20;
	[sflag:s22] =	ssyncset.done $0x0  }
0xa3: {  	[sflag:s22] =	ssyncadd.s32 s7;
	_ =	sdelay $0x1  }
0xa4: {  	s23 =	simm.s32 $0x1B8B  }
0xa5: {  	_ =	swait.ge [sflag:s23], $0x1  }
0xa6: {  	[sflag:s23] =	ssyncset.done $0x0  }
0xa7: {  	s25 =	simm.s32 $0x1B8E;
	s24 =	sld [smem:$0x3FFE];
	[sflag:s23] =	ssyncadd.s32 $0xFFFFFFFF  }
0xa8: {  	s26 =	simm.s32 $execute0_lowered;
	[smem:$0x3FD2] =	sst s25  }
0xa9: {  	s8 =	sshll.u32 s26, $0x1;
	_ =	strace $0x80000046;
	[dreg:$0x1] =	wrdreg $0xFFFFFFFF  }
0xaa: {  	s28 =	simm.s32 $_size_execute0_lowered;
	s6 =	sadd.s32 s6, s8;
	[dreg:$0x0] =	wrdreg $0x0  }
0xab: {  	s8 =	sshll.u32 s28, $0x1;
	[dreg:$0x2] =	wrdreg s6  }
0xac: {  	[dreg:$0x3] =	wrdreg s8  }
0xad: {  	[dreg:$0x4] =	wrdreg $0xC0  }
0xae: {  	_ =	task [dreg:s10], $0x5FFFF  }
0xaf: {  	[dreg:$0x1] =	wrdreg $0xFFFFFFFF  }
0xb0: {  	[dreg:$0x0] =	wrdreg $0x60  }
0xb1: {  	[dreg:$0x2] =	wrdreg s24  }
0xb2: {  	[dreg:$0x3] =	wrdreg s2  }
0xb3: {  	[dreg:$0x4] =	wrdreg s18  }
0xb4: {  	[dreg:$0x5] =	wrdreg s4  }
0xb5: {  	[dreg:$0x6] =	wrdreg s5  }
0xb6: {  	[dreg:$0x7] =	wrdreg $0x0  }
0xb7: {  	[dreg:$0x8] =	wrdreg $0x9  }
0xb8: {  	_ =	task.clear_ibuf [dreg:s10], $0x9FFFF;
	_ =	strace $0x90000046  }
0xb9: {  	s29 =	simm.s32 $0x9;
	_ =	strace $0x80000048  }
0xba: {  	_ =	swait.ge [sflag:s29], $0x1  }
0xbb: {  	[sflag:s29] =	ssyncadd.s32 $0xFFFFFFFF  }
0xbc: {  	_ =	strace $0x90000048  }
0xbd: {  	_ =	sfence  }
0xbe: {  	s30 =	sld [smem:$0x0];
	_ =	sdelay $0x2  }
0xbf: {  	s31 =	sshll.u32 s1, $0xD;
	s1 =	sshrl.u32 s1, $0x2  }
0xc0: {  	s3 =	sand.u32 $0x4000, s31;
	s1 =	sadd.s32 s1, s30  }
0xc1: {  	s0 =	sor.u32 s3, s0;
	s1 =	sshll.u32 s1, $0x11  }
0xc2: {  	s0 =	sor.u32 s1, s0  }
0xc3: {  	s0 =	sadd.s32 $0x8F2B, s0  }
0xc4: {  	[sflag:s0] =	ssyncadd.remote.s32 $0x1  }
0xc5: {  	_ =	sfence.sel $0xFFFF  }
0xc6: {  	[dreg:$0x0] =	wrdreg $0xFFFFFFFF;
	(pc) =	sbr.abs _section_cstart, $3  }
0xc7: {  	[dreg:$0x1] =	wrdreg $0xFFFFFFFF  }
0xc8: {  	_ =	task.clear_ibuf [dreg:s10], $0x2FFFF;
	_ =	strace $0x9FFFFFFF  }
0xc9: {  	(tm) =	ssettm $0x7FFFFFFF  }
tec
execute0_lowered:
.L_overlay_start_1:
0x0: {  	(tag) =	ssettag $0x1  }
0x1: {  	s0 =	rddreg [dreg:$0x0]  }
0x2: {  	s2 =	rddreg [dreg:$0x2]  }
0x3: {  	s13 =	rddreg [dreg:$0x3]  }
0x4: {  	s1 =	rddreg [dreg:$0x4]  }
0x5: {  	s4 =	rddreg [dreg:$0x5]  }
0x6: {  	s3 =	srdreg.scid;
	s6 =	simm.s32 $0x0;
	s16 =	stileid.u32  }
0x7: {  	s28 =	simm.s32 $0x50;
	s29 =	simm.s32 $0x1D1C8;
	s31 =	simm.s32 $0x14C08  }
0x8: {  	s17 =	simm.s32 $0x1;
	s18 =	simm.s32 $0x5;
	s19 =	simm.s32 $0x2  }
0x9: {  	s15 =	simm.s32 $0x0;
	s3 =	sand.u32 $0x1, s3;
	[smem:$0x7FF] =	sst s6  }
0xa: {  	s7 =	sadd.s32 $0x7800, s0;
	s10 =	smul.u32 $0x84D00, s16;
	s8 =	sadd.s32 $0x5000, s0  }
0xb: {  	s0 =	sadd.s32 $0xC00, s0;
	s12 =	smul.u32 $0x21340, s16;
	p0 =	sgt.u32 s16, $0x9  }
0xc: {  	s5 =	sshll.u32 s3, $0x4;
	_ =	strace $0x80000047;
	s9 =	ssub.s32 $0x2, s3  }
0xd: {  	[dreg:$0x7] =	wrdreg s0;
	s3 =	smul.u32 $0x14C080, s3;
	s5 =	sor.u32 s16, s5  }
0xe: {  	s21 =	sshrl.u32 s9, $0x1;
	s22 =	sshrl.u32 s10, $0x2;
	s5 =	smul.u32 $0x2710, s5  }
0xf: {  	s0 =	ssub.s32 s9, s21;
	s9 =	sadd.s32 s22, s4;
	s3 =	sadd.s32 s12, s3  }
0x10: {  	s22 =	simm.s32 $0x3;
	s21 =	simm.s32 $0x6;
	s3 =	sshrl.u32 s3, $0x3  }
0x11: {  	s0 =	smax.u32 s0, $0x1;
	s23 =	sshrl.u32 s5, $0x3;
	s26 =	sadd.s32 $0xA0, s5  }
0x12: {  	s5 =	sadd.s32 $0xF0, s5;
	s1 =	sadd.s32 s1, s3;
	[dreg:$0x10] =	wrdreg s0  }
0x13: {  	s3 =	sadd.s32 s12, s4;
	s0 =	sshrl.u32 @!p0 s9, $0x3;
	[dreg:$0xc] =	wrdreg s26  }
0x14: {  	s12 =	simm.s32 $0x4;
	s11 =	sadd.s32 s2, s23;
	[dreg:$0x14] =	wrdreg s5  }
0x15: {  	s24 =	sadd.s32 s13, s23;
	s25 =	sadd.s32 $0xA, s23;
	[dreg:$0xf] =	wrdreg s1  }
0x16: {  	s30 =	sadd.s32 $0x4D8, s23;
	s1 =	sshll.u32 @!p0 s16, $0x6;
	[dreg:$0x12] =	wrdreg s0  }
0x17: {  	s0 =	sshrl.u32 @!p0 s3, $0x3;
	s26 =	simm.s32 $0x1FC48;
	[dreg:$0x8] =	wrdreg s11  }
0x18: {  	v1 =	vlaneseq.u32;
	v3 =	vimm.s32 $0x3;
	s16 =	simm.s32 $0x1A4C8;
	[dreg:$0x9] =	wrdreg s24;
	s14 =	sadd.s32 s2, s25  }
0x19: {  	v4 =	vimm.s32 $0x0;
	v5 =	vimm.s32 $0x1;
	v6 =	vimm.s32 $0x2;
	s11 =	sadd.s32 s13, s25;
	s10 =	sadd.s32 s2, s30;
	[dreg:$0x13] =	wrdreg s0  }
0x1a: {  	v7 =	vimm.s32 $0x4;
	v8 =	vimm.s32 $0x5;
	v9 =	vimm.s32 $0x6;
	s5 =	sadd.s32 s13, s30;
	s20 =	sor.u32 @!p0 $0x1C07, s1;
	[dreg:$0xa] =	wrdreg s14  }
0x1b: {  	v10 =	vimm.s32 $0x7;
	v11 =	vimm.s32 $0x8;
	v12 =	vimm.s32 $0x9;
	s24 =	simm.s32 $0x1A748;
	s0 =	simm.s32 $0x14CA8;
	[dreg:$0xb] =	wrdreg s11  }
0x1c: {  	v13 =	vimm.s32 $0xA;
	v14 =	vimm.s32 $0xB;
	v15 =	vimm.s32 $0xC;
	s1 =	simm.s32 $0x14CF8;
	[dreg:$0xd] =	wrdreg s10;
	s14 =	smov.u32 s13  }
0x1d: {  	v16 =	vimm.s32 $0xD;
	v17 =	vimm.s32 $0xE;
	v0 =	vand.u32 $0x7, v1;
	[dreg:$0xe] =	wrdreg s5;
	s5 =	simm.s32 $0x14C58;
	s10 =	simm.s32 $0x14D48  }
0x1e: {  	v18 =	vimm.s32 $0xF;
	v1 =	vshrl.u32 v1, $0x3;
	v2 =	vor.u32 $0x80, v0;
	s11 =	simm.s32 $0x1A248;
	s13 =	simm.s32 $0x177C8;
	[dreg:$0x11] =	wrdreg s20  }
.LBB2_1:
0x1f: {  	[dreg:$0x15] =	wrdreg s15  }
0x20: {  	s9 =	rddreg [dreg:$0x7]  }
0x21: {  	s3 =	rddreg [dreg:$0x12]  }
0x22: {  	[spmem:s3], [sflag:s20] =	dma.local @!p0 [hbm:s9], $0x4268  }
0x23: {  	s3 =	simm.s32 @!p0 $0x7  }
0x24: {  	_ =	swait.ge @!p0 [sflag:s3], $0x4268  }
0x25: {  	[sflag:s3] =	ssyncset.done @!p0 $0x0  }
0x26: {  	[sflag:s3] =	ssyncadd.s32 @!p0 $0xFFFFBD98  }
0x27: {  	s25 =	simm.s32 $0x1FCE8;
	s30 =	simm.s32 $0x7;
	s3 =	rddreg [dreg:$0x1]  }
0x28: {  	[tilespmem:s25], [sflag:$0x7] =	stream.linear.gather [hbm4b:s3+s6], $0x10, $0x38;
	[tilespmem:$0x1FCF8] =	vst v63  }
0x29: {  	_ =	swait.ge [sflag:s30], $0x10  }
0x2a: {  	[sflag:s30] =	ssyncset.done $0x0  }
0x2b: {  	[sflag:s30] =	ssyncadd.s32 $0xFFFFFFF0  }
0x2c: {  	[bflag:$0x0] =	sbarrier.arrive $0xFFFF  }
0x2d: {  	[tilespmem:s24], [sflag:$0x7] =	stream.linear.gather [hbm4b:s9+s6], $0x2A80, $0x38;
	[tilespmem:$0x1FCF8] =	vst v63  }
0x2e: {  	_ =	swait.ge [sflag:s30], $0x2A80  }
0x2f: {  	[sflag:s30] =	ssyncset.done $0x0  }
0x30: {  	[sflag:s30] =	ssyncadd.s32 $0xFFFFD580  }
0x31: {  	[tilespmem:s26], [sflag:$0x7] =	stream.linear.gather [hbm4b:s2+s6], $0x50, $0x38;
	[tilespmem:$0x1FCF8] =	vst v63  }
0x32: {  	_ =	swait.ge [sflag:s30], $0x50  }
0x33: {  	[sflag:s30] =	ssyncset.done $0x0  }
0x34: {  	[sflag:s30] =	ssyncadd.s32 $0xFFFFFFB0  }
0x35: {  	[spmem:s4] =	stream.indirect.scatter.add.f32 [tilespmem:s24], [sflag:$0x5], $0x88, s26, s28, $0xb8;
	[tilespmem:$0x1FCF8] =	vst v63  }
0x36: {  	_ = 	snop  }
0x37: {  	[tilespmem:s29], [sflag:$0x7] =	stream.linear.gather [hbm4b:s9+s6], $0x2A80, $0x38;
	[tilespmem:$0x1FCF8] =	vst v63  }
0x38: {  	_ =	swait.ge [sflag:s30], $0x2A80  }
0x39: {  	[sflag:s30] =	ssyncset.done $0x0  }
0x3a: {  	s20 =	simm.s32 $0x1FC98;
	[sflag:s30] =	ssyncadd.s32 $0xFFFFD580  }
0x3b: {  	[tilespmem:s20], [sflag:$0x7] =	stream.linear.gather [hbm4b:s2+s6], $0x50, $0x38;
	[tilespmem:$0x1FCF8] =	vst v63  }
0x3c: {  	_ =	swait.ge [sflag:s30], $0x50  }
0x3d: {  	[sflag:s30] =	ssyncset.done $0x0  }
0x3e: {  	[sflag:s30] =	ssyncadd.s32 $0xFFFFFFB0  }
0x3f: {  	[spmem:s4] =	stream.indirect.scatter.add.f32 [tilespmem:s29], [sflag:$0x6], $0x88, s20, s28, $0xb8;
	[tilespmem:$0x1FCF8] =	vst v63  }
0x40: {  	s23 =	rddreg [dreg:$0x8]  }
0x41: {  	v19 =	vld [tilespmem:$0x1FCE8];
	[tilespmem:s31], [sflag:$0x3] =	stream.linear.gather [hbm4b:s23+s6], $0x50, $0x38  }
0x42: {  	s25 =	rddreg [dreg:$0x9]  }
0x43: {  	[tilespmem:s0], [sflag:$0x3] =	stream.linear.gather [hbm4b:s25+s6], $0x50, $0x38;
	[tilespmem:$0x1FCF8] =	vst v63  }
0x44: {  	s26 =	rddreg [dreg:$0xa]  }
0x45: {  	[tilespmem:s5], [sflag:$0x4] =	stream.linear.gather [hbm4b:s26+s6], $0x50, $0x38;
	[tilespmem:$0x1FCF8] =	vst v63  }
0x46: {  	s30 =	rddreg [dreg:$0xb]  }
0x47: {  	[tilespmem:s1], [sflag:$0x4] =	stream.linear.gather [hbm4b:s30+s6], $0x50, $0x38;
	[tilespmem:$0x1FCF8] =	vst v63  }
0x48: {  	_ =	swait.ge [sflag:s22], $0x50  }
0x49: {  	[sflag:s22] =	ssyncset.done $0x0  }
0x4a: {  	[sflag:s22] =	ssyncadd.s32 $0xFFFFFFB0  }
0x4b: {  	_ =	swait.ge [sflag:s22], $0x50  }
0x4c: {  	[sflag:s22] =	ssyncset.done $0x0  }
0x4d: {  	[sflag:s22] =	ssyncadd.s32 $0xFFFFFFB0  }
0x4e: {  	[tilespmem:s10], [sflag:$0x1] =	stream.indirect.gather [hbm4b:s7+s28], $0x88, s31, s28, $0xb8;
	[tilespmem:$0x1FCF8] =	vst v63  }
0x4f: {  	s15 =	simm.s32 $0x1FC48;
	s20 =	simm.s32 $0x0  }
0x50: {  	[tilespmem:s11], [sflag:$0x1] =	stream.indirect.gather [hbm4b:s8+s28], $0x8, s0, s28, $0xb8;
	[tilespmem:$0x1FCF8] =	vst v63  }
.LBB2_2:
0x51: {  	_ =	swait.ge [sflag:s12], $0x50  }
0x52: {  	[sflag:s12] =	ssyncset.done $0x0  }
0x53: {  	[sflag:s12] =	ssyncadd.s32 $0xFFFFFFB0  }
0x54: {  	_ =	swait.ge [sflag:s12], $0x50  }
0x55: {  	[sflag:s12] =	ssyncset.done $0x0  }
0x56: {  	[sflag:s12] =	ssyncadd.s32 $0xFFFFFFB0  }
0x57: {  	[tilespmem:s13], [sflag:$0x2] =	stream.indirect.gather [hbm4b:s7+s28], $0x88, s5, s28, $0xb8;
	[tilespmem:$0x1FCF8] =	vst v63  }
0x58: {  	_ = 	snop  }
0x59: {  	[tilespmem:s16], [sflag:$0x2] =	stream.indirect.gather [hbm4b:s8+s28], $0x8, s1, s28, $0xb8;
	[tilespmem:$0x1FCF8] =	vst v63  }
0x5a: {  	_ =	swait.ge [sflag:s17], $0x2A80  }
0x5b: {  	s3 =	simm.s32 $0x0;
	[sflag:s17] =	ssyncset.done $0x0  }
0x5c: {  	v20 =	vor.u32 s3, v1;
	[sflag:s17] =	ssyncadd.s32 $0xFFFFD580  }
0x5d: {  	v21 =	vmul.u32 $0x88, v20;
	v20 =	vshll.u32 v20, $0x3;
	_ =	swait.ge [sflag:s17], $0x280  }
0x5e: {  	v20 =	vor.u32 v0, v20;
	[sflag:s17] =	ssyncset.done $0x0  }
0x5f: {  	v21 =	vadd.s32 v2, v21;
	[sflag:s17] =	ssyncadd.s32 $0xFFFFFD80  }
0x60: {  	_ =	swait.ge [sflag:s18], $0x2A80  }
0x61: {  	[sflag:s18] =	ssyncset.done $0x0  }
0x62: {  	[sflag:s18] =	ssyncadd.s32 $0xFFFFD580  }
0x63: {  	v20 =	vld.idx.msk [tilespmem:v20+s11+$0x0], $0xffff  }
0x64: {  	v22 =	vld.idx.msk [tilespmem:v21+s10+$0x0], $0xffff;
	_ =	sdelay $0x4  }
0x65: {  	v20 =	vadd.f32 v20, v22;
	_ =	sdelay $0x1  }
0x66: {  	v22 =	vmul.f32 $2.000000030e-01, v20;
	_ =	sdelay $0x1  }
0x67: {  	v20 =	vmax.f32 v20, v22  }
0x68: {  	v20 =	vsub.f32 v20, v19;
	_ =	sdelay $0x1  }
0x69: {  	v20 =	vmul.f32 $1.442695020e+00, v20;
	_ =	sdelay $0x1  }
0x6a: {  	(erf) = vpow2.f32 v20;
	_ =	sdelay $0x8  }
0x6b: {  	v20 =	vpop (erf)  }
0x6c: {  	s25 =	simm.s32 $0x14DD0;
	[tilespmem:v21+s24+$0x0] =	vst.idx.msk $0xffff, v20  }
0x6d: {  	v21 =	vld [tilespmem:s25+$0xFFFFFF78];
	_ =	sdelay $0x2  }
0x6e: {  	v22 =	vperm.xlane v20, v4;
	_ =	sdelay $0x1  }
0x6f: {  	v21 =	vmul.f32 v21, v22  }
0x70: {  	s9 =	simm.s32 $0x1A7D0  }
0x71: {  	[tilespmem:s9+$0xFFFFFF78] =	vst v21  }
0x72: {  	v21 =	vld [tilespmem:s25+$0xFFFFFF88];
	_ =	sdelay $0x2  }
0x73: {  	v22 =	vperm.xlane v20, v5;
	_ =	sdelay $0x1  }
0x74: {  	v21 =	vmul.f32 v21, v22;
	_ =	sdelay $0x1  }
0x75: {  	[tilespmem:s9+$0xFFFFFF88] =	vst v21  }
0x76: {  	v21 =	vld [tilespmem:s25+$0xFFFFFF98];
	_ =	sdelay $0x2  }
0x77: {  	v22 =	vperm.xlane v20, v6;
	_ =	sdelay $0x1  }
0x78: {  	v21 =	vmul.f32 v21, v22;
	_ =	sdelay $0x1  }
0x79: {  	[tilespmem:s9+$0xFFFFFF98] =	vst v21  }
0x7a: {  	v21 =	vld [tilespmem:s25+$0xFFFFFFA8];
	_ =	sdelay $0x2  }
0x7b: {  	v22 =	vperm.xlane v20, v3;
	_ =	sdelay $0x1  }
0x7c: {  	v21 =	vmul.f32 v21, v22;
	_ =	sdelay $0x1  }
0x7d: {  	[tilespmem:s9+$0xFFFFFFA8] =	vst v21  }
0x7e: {  	v21 =	vld [tilespmem:s25+$0xFFFFFFB8];
	_ =	sdelay $0x2  }
0x7f: {  	v22 =	vperm.xlane v20, v7;
	_ =	sdelay $0x1  }
0x80: {  	v21 =	vmul.f32 v21, v22;
	_ =	sdelay $0x1  }
0x81: {  	[tilespmem:s9+$0xFFFFFFB8] =	vst v21  }
0x82: {  	v21 =	vld [tilespmem:s25+$0xFFFFFFC8];
	_ =	sdelay $0x2  }
0x83: {  	v22 =	vperm.xlane v20, v8;
	_ =	sdelay $0x1  }
0x84: {  	v21 =	vmul.f32 v21, v22;
	_ =	sdelay $0x1  }
0x85: {  	[tilespmem:s9+$0xFFFFFFC8] =	vst v21  }
0x86: {  	v21 =	vld [tilespmem:s25+$0xFFFFFFD8];
	_ =	sdelay $0x2  }
0x87: {  	v22 =	vperm.xlane v20, v9;
	_ =	sdelay $0x1  }
0x88: {  	v21 =	vmul.f32 v21, v22;
	_ =	sdelay $0x1  }
0x89: {  	[tilespmem:s9+$0xFFFFFFD8] =	vst v21  }
0x8a: {  	v21 =	vld [tilespmem:s25+$0xFFFFFFE8];
	_ =	sdelay $0x2  }
0x8b: {  	v22 =	vperm.xlane v20, v10;
	_ =	sdelay $0x1  }
0x8c: {  	v21 =	vmul.f32 v21, v22;
	_ =	sdelay $0x1  }
0x8d: {  	[tilespmem:s9+$0xFFFFFFE8] =	vst v21  }
0x8e: {  	v21 =	vld [tilespmem:s25+$0x0];
	_ =	sdelay $0x2  }
0x8f: {  	v22 =	vperm.xlane v20, v11;
	_ =	sdelay $0x1  }
0x90: {  	v21 =	vmul.f32 v21, v22;
	_ =	sdelay $0x1  }
0x91: {  	[tilespmem:s9+$0x0] =	vst v21  }
0x92: {  	v21 =	vld [tilespmem:s25+$0x10];
	_ =	sdelay $0x2  }
0x93: {  	v22 =	vperm.xlane v20, v12;
	_ =	sdelay $0x1  }
0x94: {  	v21 =	vmul.f32 v21, v22;
	_ =	sdelay $0x1  }
0x95: {  	[tilespmem:s9+$0x10] =	vst v21  }
0x96: {  	v21 =	vld [tilespmem:s25+$0x20];
	_ =	sdelay $0x2  }
0x97: {  	v22 =	vperm.xlane v20, v13;
	_ =	sdelay $0x1  }
0x98: {  	v21 =	vmul.f32 v21, v22;
	_ =	sdelay $0x1  }
0x99: {  	[tilespmem:s9+$0x20] =	vst v21  }
0x9a: {  	v21 =	vld [tilespmem:s25+$0x30];
	_ =	sdelay $0x2  }
0x9b: {  	v22 =	vperm.xlane v20, v14;
	_ =	sdelay $0x1  }
0x9c: {  	v21 =	vmul.f32 v21, v22;
	_ =	sdelay $0x1  }
0x9d: {  	[tilespmem:s9+$0x30] =	vst v21  }
0x9e: {  	v21 =	vld [tilespmem:s25+$0x40];
	_ =	sdelay $0x2  }
0x9f: {  	v22 =	vperm.xlane v20, v15;
	_ =	sdelay $0x1  }
0xa0: {  	v21 =	vmul.f32 v21, v22;
	_ =	sdelay $0x1  }
0xa1: {  	[tilespmem:s9+$0x40] =	vst v21  }
0xa2: {  	v21 =	vld [tilespmem:s25+$0x50];
	_ =	sdelay $0x2  }
0xa3: {  	v22 =	vperm.xlane v20, v16;
	_ =	sdelay $0x1  }
0xa4: {  	v21 =	vmul.f32 v21, v22;
	_ =	sdelay $0x1  }
0xa5: {  	[tilespmem:s9+$0x50] =	vst v21  }
0xa6: {  	v21 =	vld [tilespmem:s25+$0x60];
	_ =	sdelay $0x2  }
0xa7: {  	v22 =	vperm.xlane v20, v17;
	_ =	sdelay $0x1  }
0xa8: {  	v21 =	vmul.f32 v21, v22;
	_ =	sdelay $0x1  }
0xa9: {  	[tilespmem:s9+$0x60] =	vst v21  }
0xaa: {  	s30 =	simm.s32 $0x2;
	v23 =	vld [tilespmem:s25+$0x70]  }
0xab: {  	v21 =	vor.u32 s30, v1  }
0xac: {  	v24 =	vmul.u32 $0x88, v21;
	v21 =	vshll.u32 v21, $0x3  }
0xad: {  	v20 =	vperm.xlane v20, v18;
	v22 =	vor.u32 v0, v21  }
0xae: {  	v21 =	vadd.s32 v2, v24  }
0xaf: {  	s26 =	simm.s32 $0x4;
	v20 =	vmul.f32 v23, v20  }
.LBB2_3:
0xb0: {  	s25 =	sadd.s32 $0x110, s25  }
0xb1: {  	s30 =	smov.u32 s26;
	s23 =	sadd.s32 $0x2, s26;
	[tilespmem:s9+$0x70] =	vst v20;
	s9 =	sadd.s32 $0x110, s9  }
0xb2: {  	p1 =	sne.s32 s26, $0x4E;
	v20 =	vld.idx.msk [tilespmem:v22+s11+$0x0], $0xffff  }
0xb3: {  	v22 =	vld.idx.msk [tilespmem:v21+s10+$0x0], $0xffff;
	_ =	sdelay $0x5  }
0xb4: {  	v20 =	vadd.f32 v20, v22;
	_ =	sdelay $0x1  }
0xb5: {  	v22 =	vmul.f32 $2.000000030e-01, v20;
	_ =	sdelay $0x1  }
0xb6: {  	v20 =	vmax.f32 v20, v22  }
0xb7: {  	v20 =	vsub.f32 v20, v19;
	_ =	sdelay $0x1  }
0xb8: {  	v20 =	vmul.f32 $1.442695020e+00, v20;
	_ =	sdelay $0x1  }
0xb9: {  	(erf) = vpow2.f32 v20;
	_ =	sdelay $0x8  }
0xba: {  	v20 =	vpop (erf)  }
0xbb: {  	[tilespmem:v21+s24+$0x0] =	vst.idx.msk $0xffff, v20  }
0xbc: {  	v21 =	vld [tilespmem:s25+$0xFFFFFF78];
	_ =	sdelay $0x2  }
0xbd: {  	v22 =	vperm.xlane v20, v4;
	_ =	sdelay $0x1  }
0xbe: {  	v21 =	vmul.f32 v21, v22;
	_ =	sdelay $0x1  }
0xbf: {  	[tilespmem:s9+$0xFFFFFF78] =	vst v21  }
0xc0: {  	v21 =	vld [tilespmem:s25+$0xFFFFFF88];
	_ =	sdelay $0x2  }
0xc1: {  	v22 =	vperm.xlane v20, v5;
	_ =	sdelay $0x1  }
0xc2: {  	v21 =	vmul.f32 v21, v22;
	_ =	sdelay $0x1  }
0xc3: {  	[tilespmem:s9+$0xFFFFFF88] =	vst v21  }
0xc4: {  	v21 =	vld [tilespmem:s25+$0xFFFFFF98];
	_ =	sdelay $0x2  }
0xc5: {  	v22 =	vperm.xlane v20, v6;
	_ =	sdelay $0x1  }
0xc6: {  	v21 =	vmul.f32 v21, v22;
	_ =	sdelay $0x1  }
0xc7: {  	[tilespmem:s9+$0xFFFFFF98] =	vst v21  }
0xc8: {  	v21 =	vld [tilespmem:s25+$0xFFFFFFA8];
	_ =	sdelay $0x2  }
0xc9: {  	v22 =	vperm.xlane v20, v3;
	_ =	sdelay $0x1  }
0xca: {  	v21 =	vmul.f32 v21, v22;
	_ =	sdelay $0x1  }
0xcb: {  	[tilespmem:s9+$0xFFFFFFA8] =	vst v21  }
0xcc: {  	v21 =	vld [tilespmem:s25+$0xFFFFFFB8];
	_ =	sdelay $0x2  }
0xcd: {  	v22 =	vperm.xlane v20, v7;
	_ =	sdelay $0x1  }
0xce: {  	v21 =	vmul.f32 v21, v22;
	_ =	sdelay $0x1  }
0xcf: {  	[tilespmem:s9+$0xFFFFFFB8] =	vst v21  }
0xd0: {  	v21 =	vld [tilespmem:s25+$0xFFFFFFC8];
	_ =	sdelay $0x2  }
0xd1: {  	v22 =	vperm.xlane v20, v8;
	_ =	sdelay $0x1  }
0xd2: {  	v21 =	vmul.f32 v21, v22;
	_ =	sdelay $0x1  }
0xd3: {  	[tilespmem:s9+$0xFFFFFFC8] =	vst v21  }
0xd4: {  	v21 =	vld [tilespmem:s25+$0xFFFFFFD8];
	_ =	sdelay $0x2  }
0xd5: {  	v22 =	vperm.xlane v20, v9;
	_ =	sdelay $0x1  }
0xd6: {  	v21 =	vmul.f32 v21, v22;
	_ =	sdelay $0x1  }
0xd7: {  	[tilespmem:s9+$0xFFFFFFD8] =	vst v21  }
0xd8: {  	v21 =	vld [tilespmem:s25+$0xFFFFFFE8];
	_ =	sdelay $0x2  }
0xd9: {  	v22 =	vperm.xlane v20, v10;
	_ =	sdelay $0x1  }
0xda: {  	v21 =	vmul.f32 v21, v22;
	_ =	sdelay $0x1  }
0xdb: {  	[tilespmem:s9+$0xFFFFFFE8] =	vst v21  }
0xdc: {  	v21 =	vld [tilespmem:s25+$0x0];
	_ =	sdelay $0x2  }
0xdd: {  	v22 =	vperm.xlane v20, v11;
	_ =	sdelay $0x1  }
0xde: {  	v21 =	vmul.f32 v21, v22;
	_ =	sdelay $0x1  }
0xdf: {  	[tilespmem:s9+$0x0] =	vst v21  }
0xe0: {  	v21 =	vld [tilespmem:s25+$0x10];
	_ =	sdelay $0x2  }
0xe1: {  	v22 =	vperm.xlane v20, v12;
	_ =	sdelay $0x1  }
0xe2: {  	v21 =	vmul.f32 v21, v22;
	_ =	sdelay $0x1  }
0xe3: {  	[tilespmem:s9+$0x10] =	vst v21  }
0xe4: {  	v21 =	vld [tilespmem:s25+$0x20];
	_ =	sdelay $0x2  }
0xe5: {  	v22 =	vperm.xlane v20, v13;
	_ =	sdelay $0x1  }
0xe6: {  	v21 =	vmul.f32 v21, v22;
	_ =	sdelay $0x1  }
0xe7: {  	[tilespmem:s9+$0x20] =	vst v21  }
0xe8: {  	v21 =	vld [tilespmem:s25+$0x30];
	_ =	sdelay $0x2  }
0xe9: {  	v22 =	vperm.xlane v20, v14;
	_ =	sdelay $0x1  }
0xea: {  	v21 =	vmul.f32 v21, v22;
	_ =	sdelay $0x1  }
0xeb: {  	[tilespmem:s9+$0x30] =	vst v21  }
0xec: {  	v21 =	vld [tilespmem:s25+$0x40];
	_ =	sdelay $0x2  }
0xed: {  	v22 =	vperm.xlane v20, v15;
	_ =	sdelay $0x1  }
0xee: {  	v21 =	vmul.f32 v21, v22;
	_ =	sdelay $0x1  }
0xef: {  	[tilespmem:s9+$0x40] =	vst v21  }
0xf0: {  	v21 =	vld [tilespmem:s25+$0x50];
	_ =	sdelay $0x2  }
0xf1: {  	v22 =	vperm.xlane v20, v16;
	_ =	sdelay $0x1  }
0xf2: {  	v21 =	vmul.f32 v21, v22;
	_ =	sdelay $0x1  }
0xf3: {  	[tilespmem:s9+$0x50] =	vst v21  }
0xf4: {  	v21 =	vld [tilespmem:s25+$0x60];
	_ =	sdelay $0x2  }
0xf5: {  	v22 =	vperm.xlane v20, v17;
	_ =	sdelay $0x1  }
0xf6: {  	v21 =	vmul.f32 v21, v22;
	_ =	sdelay $0x1  }
0xf7: {  	[tilespmem:s9+$0x60] =	vst v21  }
0xf8: {  	v23 =	vld [tilespmem:s25+$0x70]  }
.Ltmp0:
0xf9: {  	v21 =	vor.u32 s30, v1;
	(pc) =	sbr.rel @p1 .LBB2_3-.Ltmp0, $4  }
0xfa: {  	v24 =	vmul.u32 $0x88, v21;
	v21 =	vshll.u32 v21, $0x3  }
0xfb: {  	v20 =	vperm.xlane v20, v18;
	v22 =	vor.u32 v0, v21  }
0xfc: {  	v21 =	vadd.s32 v2, v24  }
0xfd: {  	s26 =	smov.u32 s23;
	v20 =	vmul.f32 v23, v20  }
0xfe: {  	_ =	sdelay $0x2  }
0xff: {  	[tilespmem:s9+$0x70] =	vst v20  }
0x100: {  	v20 =	vld.idx.msk [tilespmem:v22+s11+$0x0], $0xffff  }
0x101: {  	v22 =	vld.idx.msk [tilespmem:v21+s10+$0x0], $0xffff;
	_ =	sdelay $0x4  }
0x102: {  	v20 =	vadd.f32 v20, v22;
	_ =	sdelay $0x1  }
0x103: {  	v22 =	vmul.f32 $2.000000030e-01, v20;
	_ =	sdelay $0x1  }
0x104: {  	v20 =	vmax.f32 v20, v22  }
0x105: {  	v20 =	vsub.f32 v20, v19;
	_ =	sdelay $0x1  }
0x106: {  	v20 =	vmul.f32 $1.442695020e+00, v20;
	_ =	sdelay $0x1  }
0x107: {  	(erf) = vpow2.f32 v20;
	_ =	sdelay $0x8  }
0x108: {  	v20 =	vpop (erf)  }
0x109: {  	s23 =	sadd.s32 $0x110, s25;
	[tilespmem:v21+s24+$0x0] =	vst.idx.msk $0xffff, v20  }
0x10a: {  	v21 =	vld [tilespmem:s23+$0xFFFFFF78];
	_ =	sdelay $0x2  }
0x10b: {  	v22 =	vperm.xlane v20, v4;
	_ =	sdelay $0x1  }
0x10c: {  	v21 =	vmul.f32 v21, v22  }
0x10d: {  	s3 =	sadd.s32 $0x110, s9  }
0x10e: {  	[tilespmem:s3+$0xFFFFFF78] =	vst v21  }
0x10f: {  	v21 =	vld [tilespmem:s23+$0xFFFFFF88];
	_ =	sdelay $0x2  }
0x110: {  	v22 =	vperm.xlane v20, v5;
	_ =	sdelay $0x1  }
0x111: {  	v21 =	vmul.f32 v21, v22;
	_ =	sdelay $0x1  }
0x112: {  	[tilespmem:s3+$0xFFFFFF88] =	vst v21  }
0x113: {  	v21 =	vld [tilespmem:s23+$0xFFFFFF98];
	_ =	sdelay $0x2  }
0x114: {  	v22 =	vperm.xlane v20, v6;
	_ =	sdelay $0x1  }
0x115: {  	v21 =	vmul.f32 v21, v22;
	_ =	sdelay $0x1  }
0x116: {  	[tilespmem:s3+$0xFFFFFF98] =	vst v21  }
0x117: {  	v21 =	vld [tilespmem:s23+$0xFFFFFFA8];
	_ =	sdelay $0x2  }
0x118: {  	v22 =	vperm.xlane v20, v3;
	_ =	sdelay $0x1  }
0x119: {  	v21 =	vmul.f32 v21, v22;
	_ =	sdelay $0x1  }
0x11a: {  	[tilespmem:s3+$0xFFFFFFA8] =	vst v21  }
0x11b: {  	v21 =	vld [tilespmem:s23+$0xFFFFFFB8];
	_ =	sdelay $0x2  }
0x11c: {  	v22 =	vperm.xlane v20, v7;
	_ =	sdelay $0x1  }
0x11d: {  	v21 =	vmul.f32 v21, v22;
	_ =	sdelay $0x1  }
0x11e: {  	[tilespmem:s3+$0xFFFFFFB8] =	vst v21  }
0x11f: {  	v21 =	vld [tilespmem:s23+$0xFFFFFFC8];
	_ =	sdelay $0x2  }
0x120: {  	v22 =	vperm.xlane v20, v8;
	_ =	sdelay $0x1  }
0x121: {  	v21 =	vmul.f32 v21, v22;
	_ =	sdelay $0x1  }
0x122: {  	[tilespmem:s3+$0xFFFFFFC8] =	vst v21  }
0x123: {  	v21 =	vld [tilespmem:s23+$0xFFFFFFD8];
	_ =	sdelay $0x2  }
0x124: {  	v22 =	vperm.xlane v20, v9;
	_ =	sdelay $0x1  }
0x125: {  	v21 =	vmul.f32 v21, v22;
	_ =	sdelay $0x1  }
0x126: {  	[tilespmem:s3+$0xFFFFFFD8] =	vst v21  }
0x127: {  	v21 =	vld [tilespmem:s23+$0xFFFFFFE8];
	_ =	sdelay $0x2  }
0x128: {  	v22 =	vperm.xlane v20, v10;
	_ =	sdelay $0x1  }
0x129: {  	v21 =	vmul.f32 v21, v22;
	_ =	sdelay $0x1  }
0x12a: {  	[tilespmem:s3+$0xFFFFFFE8] =	vst v21  }
0x12b: {  	v21 =	vld [tilespmem:s23+$0x0];
	_ =	sdelay $0x2  }
0x12c: {  	v22 =	vperm.xlane v20, v11;
	_ =	sdelay $0x1  }
0x12d: {  	v21 =	vmul.f32 v21, v22;
	_ =	sdelay $0x1  }
0x12e: {  	[tilespmem:s3+$0x0] =	vst v21  }
0x12f: {  	v21 =	vld [tilespmem:s23+$0x10];
	_ =	sdelay $0x2  }
0x130: {  	v22 =	vperm.xlane v20, v12;
	_ =	sdelay $0x1  }
0x131: {  	v21 =	vmul.f32 v21, v22;
	_ =	sdelay $0x1  }
0x132: {  	[tilespmem:s3+$0x10] =	vst v21  }
0x133: {  	v21 =	vld [tilespmem:s23+$0x20];
	_ =	sdelay $0x2  }
0x134: {  	v22 =	vperm.xlane v20, v13;
	_ =	sdelay $0x1  }
0x135: {  	v21 =	vmul.f32 v21, v22;
	_ =	sdelay $0x1  }
0x136: {  	[tilespmem:s3+$0x20] =	vst v21  }
0x137: {  	v21 =	vld [tilespmem:s23+$0x30];
	_ =	sdelay $0x2  }
0x138: {  	v22 =	vperm.xlane v20, v14;
	_ =	sdelay $0x1  }
0x139: {  	v21 =	vmul.f32 v21, v22;
	_ =	sdelay $0x1  }
0x13a: {  	[tilespmem:s3+$0x30] =	vst v21  }
0x13b: {  	v21 =	vld [tilespmem:s23+$0x40];
	_ =	sdelay $0x2  }
0x13c: {  	v22 =	vperm.xlane v20, v15;
	_ =	sdelay $0x1  }
0x13d: {  	v21 =	vmul.f32 v21, v22;
	_ =	sdelay $0x1  }
0x13e: {  	[tilespmem:s3+$0x40] =	vst v21  }
0x13f: {  	v21 =	vld [tilespmem:s23+$0x50];
	_ =	sdelay $0x2  }
0x140: {  	v22 =	vperm.xlane v20, v16;
	_ =	sdelay $0x1  }
0x141: {  	v21 =	vmul.f32 v21, v22;
	_ =	sdelay $0x1  }
0x142: {  	[tilespmem:s3+$0x50] =	vst v21  }
0x143: {  	v21 =	vld [tilespmem:s23+$0x60];
	_ =	sdelay $0x2  }
0x144: {  	v22 =	vperm.xlane v20, v17;
	_ =	sdelay $0x1  }
0x145: {  	v21 =	vmul.f32 v21, v22;
	_ =	sdelay $0x1  }
0x146: {  	[tilespmem:s3+$0x60] =	vst v21  }
0x147: {  	v21 =	vld [tilespmem:s23+$0x70];
	_ =	sdelay $0x2  }
0x148: {  	v20 =	vperm.xlane v20, v18;
	_ =	sdelay $0x1  }
0x149: {  	v20 =	vmul.f32 v21, v20;
	_ =	sdelay $0x1  }
0x14a: {  	[tilespmem:s3+$0x70] =	vst v20  }
0x14b: {  	v20 =	vld [tilespmem:$0x14CA8]  }
0x14c: {  	v21 =	vld [tilespmem:$0x14CB8]  }
0x14d: {  	v22 =	vld [tilespmem:$0x14CC8]  }
0x14e: {  	v23 =	vld [tilespmem:$0x14CD8]  }
0x14f: {  	v24 =	vld [tilespmem:$0x14CE8]  }
0x150: {  	[tilespmem:$0x1FC48] =	vst v20  }
0x151: {  	s9 =	smul.u32 $0xA0, s20;
	[tilespmem:$0x1FC58] =	vst v21  }
0x152: {  	s23 =	rddreg [dreg:$0xc];
	[tilespmem:$0x1FC68] =	vst v22  }
0x153: {  	s3 =	sadd.s32 s9, s23;
	[tilespmem:$0x1FC78] =	vst v23  }
0x154: {  	s3 =	sshrl.u32 s3, $0x3;
	[tilespmem:$0x1FC88] =	vst v24  }
0x155: {  	[spmem:s4] =	stream.indirect.scatter.add.f32 [tilespmem:s24], [sflag:$0x5], $0x88, s15, s28, $0xb8;
	[tilespmem:$0x1FCF8] =	vst v63  }
0x156: {  	s26 =	simm.s32 $0x0;
	s25 =	sadd.s32 s2, s3  }
0x157: {  	[tilespmem:s31], [sflag:$0x3] =	stream.linear.gather [hbm4b:s25+s26], $0x50, $0x38;
	[tilespmem:$0x1FCF8] =	vst v63  }
0x158: {  	s3 =	sadd.s32 s14, s3  }
0x159: {  	[tilespmem:s0], [sflag:$0x3] =	stream.linear.gather [hbm4b:s3+s26], $0x50, $0x38;
	[tilespmem:$0x1FCF8] =	vst v63  }
0x15a: {  	_ =	swait.ge [sflag:s22], $0x50  }
0x15b: {  	[sflag:s22] =	ssyncset.done $0x0  }
0x15c: {  	[sflag:s22] =	ssyncadd.s32 $0xFFFFFFB0  }
0x15d: {  	_ =	swait.ge [sflag:s22], $0x50  }
0x15e: {  	[sflag:s22] =	ssyncset.done $0x0  }
0x15f: {  	[sflag:s22] =	ssyncadd.s32 $0xFFFFFFB0  }
0x160: {  	[tilespmem:s10], [sflag:$0x1] =	stream.indirect.gather [hbm4b:s7+s28], $0x88, s31, s28, $0xb8;
	[tilespmem:$0x1FCF8] =	vst v63  }
0x161: {  	_ = 	snop  }
0x162: {  	[tilespmem:s11], [sflag:$0x1] =	stream.indirect.gather [hbm4b:s8+s28], $0x8, s0, s28, $0xb8;
	[tilespmem:$0x1FCF8] =	vst v63  }
0x163: {  	_ =	swait.ge [sflag:s19], $0x2A80  }
0x164: {  	[sflag:s19] =	ssyncset.done $0x0  }
0x165: {  	v20 =	vor.u32 s26, v1;
	[sflag:s19] =	ssyncadd.s32 $0xFFFFD580  }
0x166: {  	v21 =	vmul.u32 $0x88, v20;
	v20 =	vshll.u32 v20, $0x3;
	_ =	swait.ge [sflag:s19], $0x280  }
0x167: {  	v20 =	vor.u32 v0, v20;
	[sflag:s19] =	ssyncset.done $0x0  }
0x168: {  	v21 =	vadd.s32 v2, v21;
	[sflag:s19] =	ssyncadd.s32 $0xFFFFFD80  }
0x169: {  	_ =	swait.ge [sflag:s21], $0x2A80  }
0x16a: {  	[sflag:s21] =	ssyncset.done $0x0  }
0x16b: {  	[sflag:s21] =	ssyncadd.s32 $0xFFFFD580  }
0x16c: {  	v20 =	vld.idx.msk [tilespmem:v20+s16+$0x0], $0xffff  }
0x16d: {  	v22 =	vld.idx.msk [tilespmem:v21+s13+$0x0], $0xffff;
	_ =	sdelay $0x4  }
0x16e: {  	v20 =	vadd.f32 v20, v22;
	_ =	sdelay $0x1  }
0x16f: {  	v22 =	vmul.f32 $2.000000030e-01, v20;
	_ =	sdelay $0x1  }
0x170: {  	v20 =	vmax.f32 v20, v22  }
0x171: {  	v20 =	vsub.f32 v20, v19;
	_ =	sdelay $0x1  }
0x172: {  	v20 =	vmul.f32 $1.442695020e+00, v20;
	_ =	sdelay $0x1  }
0x173: {  	(erf) = vpow2.f32 v20;
	_ =	sdelay $0x8  }
0x174: {  	v20 =	vpop (erf)  }
0x175: {  	s23 =	simm.s32 $0x17850;
	[tilespmem:v21+s29+$0x0] =	vst.idx.msk $0xffff, v20  }
0x176: {  	v21 =	vld [tilespmem:s23+$0xFFFFFF78];
	_ =	sdelay $0x2  }
0x177: {  	v22 =	vperm.xlane v20, v4;
	_ =	sdelay $0x1  }
0x178: {  	v21 =	vmul.f32 v21, v22  }
0x179: {  	s25 =	simm.s32 $0x1D250  }
0x17a: {  	[tilespmem:s25+$0xFFFFFF78] =	vst v21  }
0x17b: {  	v21 =	vld [tilespmem:s23+$0xFFFFFF88];
	_ =	sdelay $0x2  }
0x17c: {  	v22 =	vperm.xlane v20, v5;
	_ =	sdelay $0x1  }
0x17d: {  	v21 =	vmul.f32 v21, v22;
	_ =	sdelay $0x1  }
0x17e: {  	[tilespmem:s25+$0xFFFFFF88] =	vst v21  }
0x17f: {  	v21 =	vld [tilespmem:s23+$0xFFFFFF98];
	_ =	sdelay $0x2  }
0x180: {  	v22 =	vperm.xlane v20, v6;
	_ =	sdelay $0x1  }
0x181: {  	v21 =	vmul.f32 v21, v22;
	_ =	sdelay $0x1  }
0x182: {  	[tilespmem:s25+$0xFFFFFF98] =	vst v21  }
0x183: {  	v21 =	vld [tilespmem:s23+$0xFFFFFFA8];
	_ =	sdelay $0x2  }
0x184: {  	v22 =	vperm.xlane v20, v3;
	_ =	sdelay $0x1  }
0x185: {  	v21 =	vmul.f32 v21, v22;
	_ =	sdelay $0x1  }
0x186: {  	[tilespmem:s25+$0xFFFFFFA8] =	vst v21  }
0x187: {  	v21 =	vld [tilespmem:s23+$0xFFFFFFB8];
	_ =	sdelay $0x2  }
0x188: {  	v22 =	vperm.xlane v20, v7;
	_ =	sdelay $0x1  }
0x189: {  	v21 =	vmul.f32 v21, v22;
	_ =	sdelay $0x1  }
0x18a: {  	[tilespmem:s25+$0xFFFFFFB8] =	vst v21  }
0x18b: {  	v21 =	vld [tilespmem:s23+$0xFFFFFFC8];
	_ =	sdelay $0x2  }
0x18c: {  	v22 =	vperm.xlane v20, v8;
	_ =	sdelay $0x1  }
0x18d: {  	v21 =	vmul.f32 v21, v22;
	_ =	sdelay $0x1  }
0x18e: {  	[tilespmem:s25+$0xFFFFFFC8] =	vst v21  }
0x18f: {  	v21 =	vld [tilespmem:s23+$0xFFFFFFD8];
	_ =	sdelay $0x2  }
0x190: {  	v22 =	vperm.xlane v20, v9;
	_ =	sdelay $0x1  }
0x191: {  	v21 =	vmul.f32 v21, v22;
	_ =	sdelay $0x1  }
0x192: {  	[tilespmem:s25+$0xFFFFFFD8] =	vst v21  }
0x193: {  	v21 =	vld [tilespmem:s23+$0xFFFFFFE8];
	_ =	sdelay $0x2  }
0x194: {  	v22 =	vperm.xlane v20, v10;
	_ =	sdelay $0x1  }
0x195: {  	v21 =	vmul.f32 v21, v22;
	_ =	sdelay $0x1  }
0x196: {  	[tilespmem:s25+$0xFFFFFFE8] =	vst v21  }
0x197: {  	v21 =	vld [tilespmem:s23+$0x0];
	_ =	sdelay $0x2  }
0x198: {  	v22 =	vperm.xlane v20, v11;
	_ =	sdelay $0x1  }
0x199: {  	v21 =	vmul.f32 v21, v22;
	_ =	sdelay $0x1  }
0x19a: {  	[tilespmem:s25+$0x0] =	vst v21  }
0x19b: {  	v21 =	vld [tilespmem:s23+$0x10];
	_ =	sdelay $0x2  }
0x19c: {  	v22 =	vperm.xlane v20, v12;
	_ =	sdelay $0x1  }
0x19d: {  	v21 =	vmul.f32 v21, v22;
	_ =	sdelay $0x1  }
0x19e: {  	[tilespmem:s25+$0x10] =	vst v21  }
0x19f: {  	v21 =	vld [tilespmem:s23+$0x20];
	_ =	sdelay $0x2  }
0x1a0: {  	v22 =	vperm.xlane v20, v13;
	_ =	sdelay $0x1  }
0x1a1: {  	v21 =	vmul.f32 v21, v22;
	_ =	sdelay $0x1  }
0x1a2: {  	[tilespmem:s25+$0x20] =	vst v21  }
0x1a3: {  	v21 =	vld [tilespmem:s23+$0x30];
	_ =	sdelay $0x2  }
0x1a4: {  	v22 =	vperm.xlane v20, v14;
	_ =	sdelay $0x1  }
0x1a5: {  	v21 =	vmul.f32 v21, v22;
	_ =	sdelay $0x1  }
0x1a6: {  	[tilespmem:s25+$0x30] =	vst v21  }
0x1a7: {  	v21 =	vld [tilespmem:s23+$0x40];
	_ =	sdelay $0x2  }
0x1a8: {  	v22 =	vperm.xlane v20, v15;
	_ =	sdelay $0x1  }
0x1a9: {  	v21 =	vmul.f32 v21, v22;
	_ =	sdelay $0x1  }
0x1aa: {  	[tilespmem:s25+$0x40] =	vst v21  }
0x1ab: {  	v21 =	vld [tilespmem:s23+$0x50];
	_ =	sdelay $0x2  }
0x1ac: {  	v22 =	vperm.xlane v20, v16;
	_ =	sdelay $0x1  }
0x1ad: {  	v21 =	vmul.f32 v21, v22;
	_ =	sdelay $0x1  }
0x1ae: {  	[tilespmem:s25+$0x50] =	vst v21  }
0x1af: {  	v21 =	vld [tilespmem:s23+$0x60];
	_ =	sdelay $0x2  }
0x1b0: {  	v22 =	vperm.xlane v20, v17;
	_ =	sdelay $0x1  }
0x1b1: {  	v21 =	vmul.f32 v21, v22;
	_ =	sdelay $0x1  }
0x1b2: {  	[tilespmem:s25+$0x60] =	vst v21  }
0x1b3: {  	s26 =	simm.s32 $0x2;
	v23 =	vld [tilespmem:s23+$0x70]  }
0x1b4: {  	v21 =	vor.u32 s26, v1  }
0x1b5: {  	v63 =	vmul.u32 $0x88, v21;
	v21 =	vshll.u32 v21, $0x3  }
0x1b6: {  	v20 =	vperm.xlane v20, v18;
	v22 =	vor.u32 v0, v21  }
0x1b7: {  	v21 =	vadd.s32 v2, v63  }
0x1b8: {  	s30 =	simm.s32 $0x4;
	v20 =	vmul.f32 v23, v20  }
.LBB2_5:
0x1b9: {  	s23 =	sadd.s32 $0x110, s23  }
0x1ba: {  	s26 =	smov.u32 s30;
	s3 =	sadd.s32 $0x2, s30;
	[tilespmem:s25+$0x70] =	vst v20;
	s25 =	sadd.s32 $0x110, s25  }
0x1bb: {  	p1 =	sne.s32 s30, $0x4E;
	v20 =	vld.idx.msk [tilespmem:v22+s16+$0x0], $0xffff  }
0x1bc: {  	v22 =	vld.idx.msk [tilespmem:v21+s13+$0x0], $0xffff;
	_ =	sdelay $0x5  }
0x1bd: {  	v20 =	vadd.f32 v20, v22;
	_ =	sdelay $0x1  }
0x1be: {  	v22 =	vmul.f32 $2.000000030e-01, v20;
	_ =	sdelay $0x1  }
0x1bf: {  	v20 =	vmax.f32 v20, v22  }
0x1c0: {  	v20 =	vsub.f32 v20, v19;
	_ =	sdelay $0x1  }
0x1c1: {  	v20 =	vmul.f32 $1.442695020e+00, v20;
	_ =	sdelay $0x1  }
0x1c2: {  	(erf) = vpow2.f32 v20;
	_ =	sdelay $0x8  }
0x1c3: {  	v20 =	vpop (erf)  }
0x1c4: {  	[tilespmem:v21+s29+$0x0] =	vst.idx.msk $0xffff, v20  }
0x1c5: {  	v21 =	vld [tilespmem:s23+$0xFFFFFF78];
	_ =	sdelay $0x2  }
0x1c6: {  	v22 =	vperm.xlane v20, v4;
	_ =	sdelay $0x1  }
0x1c7: {  	v21 =	vmul.f32 v21, v22;
	_ =	sdelay $0x1  }
0x1c8: {  	[tilespmem:s25+$0xFFFFFF78] =	vst v21  }
0x1c9: {  	v21 =	vld [tilespmem:s23+$0xFFFFFF88];
	_ =	sdelay $0x2  }
0x1ca: {  	v22 =	vperm.xlane v20, v5;
	_ =	sdelay $0x1  }
0x1cb: {  	v21 =	vmul.f32 v21, v22;
	_ =	sdelay $0x1  }
0x1cc: {  	[tilespmem:s25+$0xFFFFFF88] =	vst v21  }
0x1cd: {  	v21 =	vld [tilespmem:s23+$0xFFFFFF98];
	_ =	sdelay $0x2  }
0x1ce: {  	v22 =	vperm.xlane v20, v6;
	_ =	sdelay $0x1  }
0x1cf: {  	v21 =	vmul.f32 v21, v22;
	_ =	sdelay $0x1  }
0x1d0: {  	[tilespmem:s25+$0xFFFFFF98] =	vst v21  }
0x1d1: {  	v21 =	vld [tilespmem:s23+$0xFFFFFFA8];
	_ =	sdelay $0x2  }
0x1d2: {  	v22 =	vperm.xlane v20, v3;
	_ =	sdelay $0x1  }
0x1d3: {  	v21 =	vmul.f32 v21, v22;
	_ =	sdelay $0x1  }
0x1d4: {  	[tilespmem:s25+$0xFFFFFFA8] =	vst v21  }
0x1d5: {  	v21 =	vld [tilespmem:s23+$0xFFFFFFB8];
	_ =	sdelay $0x2  }
0x1d6: {  	v22 =	vperm.xlane v20, v7;
	_ =	sdelay $0x1  }
0x1d7: {  	v21 =	vmul.f32 v21, v22;
	_ =	sdelay $0x1  }
0x1d8: {  	[tilespmem:s25+$0xFFFFFFB8] =	vst v21  }
0x1d9: {  	v21 =	vld [tilespmem:s23+$0xFFFFFFC8];
	_ =	sdelay $0x2  }
0x1da: {  	v22 =	vperm.xlane v20, v8;
	_ =	sdelay $0x1  }
0x1db: {  	v21 =	vmul.f32 v21, v22;
	_ =	sdelay $0x1  }
0x1dc: {  	[tilespmem:s25+$0xFFFFFFC8] =	vst v21  }
0x1dd: {  	v21 =	vld [tilespmem:s23+$0xFFFFFFD8];
	_ =	sdelay $0x2  }
0x1de: {  	v22 =	vperm.xlane v20, v9;
	_ =	sdelay $0x1  }
0x1df: {  	v21 =	vmul.f32 v21, v22;
	_ =	sdelay $0x1  }
0x1e0: {  	[tilespmem:s25+$0xFFFFFFD8] =	vst v21  }
0x1e1: {  	v21 =	vld [tilespmem:s23+$0xFFFFFFE8];
	_ =	sdelay $0x2  }
0x1e2: {  	v22 =	vperm.xlane v20, v10;
	_ =	sdelay $0x1  }
0x1e3: {  	v21 =	vmul.f32 v21, v22;
	_ =	sdelay $0x1  }
0x1e4: {  	[tilespmem:s25+$0xFFFFFFE8] =	vst v21  }
0x1e5: {  	v21 =	vld [tilespmem:s23+$0x0];
	_ =	sdelay $0x2  }
0x1e6: {  	v22 =	vperm.xlane v20, v11;
	_ =	sdelay $0x1  }
0x1e7: {  	v21 =	vmul.f32 v21, v22;
	_ =	sdelay $0x1  }
0x1e8: {  	[tilespmem:s25+$0x0] =	vst v21  }
0x1e9: {  	v21 =	vld [tilespmem:s23+$0x10];
	_ =	sdelay $0x2  }
0x1ea: {  	v22 =	vperm.xlane v20, v12;
	_ =	sdelay $0x1  }
0x1eb: {  	v21 =	vmul.f32 v21, v22;
	_ =	sdelay $0x1  }
0x1ec: {  	[tilespmem:s25+$0x10] =	vst v21  }
0x1ed: {  	v21 =	vld [tilespmem:s23+$0x20];
	_ =	sdelay $0x2  }
0x1ee: {  	v22 =	vperm.xlane v20, v13;
	_ =	sdelay $0x1  }
0x1ef: {  	v21 =	vmul.f32 v21, v22;
	_ =	sdelay $0x1  }
0x1f0: {  	[tilespmem:s25+$0x20] =	vst v21  }
0x1f1: {  	v21 =	vld [tilespmem:s23+$0x30];
	_ =	sdelay $0x2  }
0x1f2: {  	v22 =	vperm.xlane v20, v14;
	_ =	sdelay $0x1  }
0x1f3: {  	v21 =	vmul.f32 v21, v22;
	_ =	sdelay $0x1  }
0x1f4: {  	[tilespmem:s25+$0x30] =	vst v21  }
0x1f5: {  	v21 =	vld [tilespmem:s23+$0x40];
	_ =	sdelay $0x2  }
0x1f6: {  	v22 =	vperm.xlane v20, v15;
	_ =	sdelay $0x1  }
0x1f7: {  	v21 =	vmul.f32 v21, v22;
	_ =	sdelay $0x1  }
0x1f8: {  	[tilespmem:s25+$0x40] =	vst v21  }
0x1f9: {  	v21 =	vld [tilespmem:s23+$0x50];
	_ =	sdelay $0x2  }
0x1fa: {  	v22 =	vperm.xlane v20, v16;
	_ =	sdelay $0x1  }
0x1fb: {  	v21 =	vmul.f32 v21, v22;
	_ =	sdelay $0x1  }
0x1fc: {  	[tilespmem:s25+$0x50] =	vst v21  }
0x1fd: {  	v21 =	vld [tilespmem:s23+$0x60];
	_ =	sdelay $0x2  }
0x1fe: {  	v22 =	vperm.xlane v20, v17;
	_ =	sdelay $0x1  }
0x1ff: {  	v21 =	vmul.f32 v21, v22;
	_ =	sdelay $0x1  }
0x200: {  	[tilespmem:s25+$0x60] =	vst v21  }
0x201: {  	v23 =	vld [tilespmem:s23+$0x70]  }
.Ltmp1:
0x202: {  	v21 =	vor.u32 s26, v1;
	(pc) =	sbr.rel @p1 .LBB2_5-.Ltmp1, $4  }
0x203: {  	v24 =	vmul.u32 $0x88, v21;
	v21 =	vshll.u32 v21, $0x3  }
0x204: {  	v20 =	vperm.xlane v20, v18;
	v22 =	vor.u32 v0, v21  }
0x205: {  	v21 =	vadd.s32 v2, v24  }
0x206: {  	s30 =	smov.u32 s3;
	v20 =	vmul.f32 v23, v20  }
0x207: {  	_ =	sdelay $0x2  }
0x208: {  	[tilespmem:s25+$0x70] =	vst v20  }
0x209: {  	v20 =	vld.idx.msk [tilespmem:v22+s16+$0x0], $0xffff  }
0x20a: {  	v46 =	vld.idx.msk [tilespmem:v21+s13+$0x0], $0xffff;
	_ =	sdelay $0x4  }
0x20b: {  	v20 =	vadd.f32 v20, v46;
	_ =	sdelay $0x1  }
0x20c: {  	v22 =	vmul.f32 $2.000000030e-01, v20;
	_ =	sdelay $0x1  }
0x20d: {  	v20 =	vmax.f32 v20, v22  }
0x20e: {  	v20 =	vsub.f32 v20, v19;
	_ =	sdelay $0x1  }
0x20f: {  	v20 =	vmul.f32 $1.442695020e+00, v20;
	_ =	sdelay $0x1  }
0x210: {  	(erf) = vpow2.f32 v20;
	_ =	sdelay $0x8  }
0x211: {  	v20 =	vpop (erf)  }
0x212: {  	s23 =	sadd.s32 $0x110, s23;
	[tilespmem:v21+s29+$0x0] =	vst.idx.msk $0xffff, v20  }
0x213: {  	v21 =	vld [tilespmem:s23+$0xFFFFFF78];
	_ =	sdelay $0x2  }
0x214: {  	v47 =	vperm.xlane v20, v4;
	_ =	sdelay $0x1  }
0x215: {  	v21 =	vmul.f32 v21, v47  }
0x216: {  	s3 =	sadd.s32 $0x110, s25  }
0x217: {  	[tilespmem:s3+$0xFFFFFF78] =	vst v21  }
0x218: {  	v21 =	vld [tilespmem:s23+$0xFFFFFF88];
	_ =	sdelay $0x2  }
0x219: {  	v48 =	vperm.xlane v20, v5;
	_ =	sdelay $0x1  }
0x21a: {  	v21 =	vmul.f32 v21, v48;
	_ =	sdelay $0x1  }
0x21b: {  	[tilespmem:s3+$0xFFFFFF88] =	vst v21  }
0x21c: {  	v21 =	vld [tilespmem:s23+$0xFFFFFF98];
	_ =	sdelay $0x2  }
0x21d: {  	v49 =	vperm.xlane v20, v6;
	_ =	sdelay $0x1  }
0x21e: {  	v21 =	vmul.f32 v21, v49;
	_ =	sdelay $0x1  }
0x21f: {  	[tilespmem:s3+$0xFFFFFF98] =	vst v21  }
0x220: {  	v21 =	vld [tilespmem:s23+$0xFFFFFFA8];
	_ =	sdelay $0x2  }
0x221: {  	v50 =	vperm.xlane v20, v3;
	_ =	sdelay $0x1  }
0x222: {  	v21 =	vmul.f32 v21, v50;
	_ =	sdelay $0x1  }
0x223: {  	[tilespmem:s3+$0xFFFFFFA8] =	vst v21  }
0x224: {  	v21 =	vld [tilespmem:s23+$0xFFFFFFB8];
	_ =	sdelay $0x2  }
0x225: {  	v51 =	vperm.xlane v20, v7;
	_ =	sdelay $0x1  }
0x226: {  	v21 =	vmul.f32 v21, v51;
	_ =	sdelay $0x1  }
0x227: {  	[tilespmem:s3+$0xFFFFFFB8] =	vst v21  }
0x228: {  	v21 =	vld [tilespmem:s23+$0xFFFFFFC8];
	_ =	sdelay $0x2  }
0x229: {  	v52 =	vperm.xlane v20, v8;
	_ =	sdelay $0x1  }
0x22a: {  	v21 =	vmul.f32 v21, v52;
	_ =	sdelay $0x1  }
0x22b: {  	[tilespmem:s3+$0xFFFFFFC8] =	vst v21  }
0x22c: {  	v21 =	vld [tilespmem:s23+$0xFFFFFFD8];
	_ =	sdelay $0x2  }
0x22d: {  	v53 =	vperm.xlane v20, v9;
	_ =	sdelay $0x1  }
0x22e: {  	v21 =	vmul.f32 v21, v53;
	_ =	sdelay $0x1  }
0x22f: {  	[tilespmem:s3+$0xFFFFFFD8] =	vst v21  }
0x230: {  	v21 =	vld [tilespmem:s23+$0xFFFFFFE8];
	_ =	sdelay $0x2  }
0x231: {  	v54 =	vperm.xlane v20, v10;
	_ =	sdelay $0x1  }
0x232: {  	v21 =	vmul.f32 v21, v54;
	_ =	sdelay $0x1  }
0x233: {  	[tilespmem:s3+$0xFFFFFFE8] =	vst v21  }
0x234: {  	v21 =	vld [tilespmem:s23+$0x0];
	_ =	sdelay $0x2  }
0x235: {  	v55 =	vperm.xlane v20, v11;
	_ =	sdelay $0x1  }
0x236: {  	v21 =	vmul.f32 v21, v55;
	_ =	sdelay $0x1  }
0x237: {  	[tilespmem:s3+$0x0] =	vst v21  }
0x238: {  	v21 =	vld [tilespmem:s23+$0x10];
	_ =	sdelay $0x2  }
0x239: {  	v56 =	vperm.xlane v20, v12;
	_ =	sdelay $0x1  }
0x23a: {  	v21 =	vmul.f32 v21, v56;
	_ =	sdelay $0x1  }
0x23b: {  	[tilespmem:s3+$0x10] =	vst v21  }
0x23c: {  	v21 =	vld [tilespmem:s23+$0x20];
	_ =	sdelay $0x2  }
0x23d: {  	v57 =	vperm.xlane v20, v13;
	_ =	sdelay $0x1  }
0x23e: {  	v21 =	vmul.f32 v21, v57;
	_ =	sdelay $0x1  }
0x23f: {  	[tilespmem:s3+$0x20] =	vst v21  }
0x240: {  	v21 =	vld [tilespmem:s23+$0x30];
	_ =	sdelay $0x2  }
0x241: {  	v58 =	vperm.xlane v20, v14;
	_ =	sdelay $0x1  }
0x242: {  	v21 =	vmul.f32 v21, v58;
	_ =	sdelay $0x1  }
0x243: {  	[tilespmem:s3+$0x30] =	vst v21  }
0x244: {  	v21 =	vld [tilespmem:s23+$0x40];
	_ =	sdelay $0x2  }
0x245: {  	v59 =	vperm.xlane v20, v15;
	_ =	sdelay $0x1  }
0x246: {  	v21 =	vmul.f32 v21, v59;
	_ =	sdelay $0x1  }
0x247: {  	[tilespmem:s3+$0x40] =	vst v21  }
0x248: {  	v21 =	vld [tilespmem:s23+$0x50];
	_ =	sdelay $0x2  }
0x249: {  	v60 =	vperm.xlane v20, v16;
	_ =	sdelay $0x1  }
0x24a: {  	v21 =	vmul.f32 v21, v60;
	_ =	sdelay $0x1  }
0x24b: {  	[tilespmem:s3+$0x50] =	vst v21  }
0x24c: {  	v21 =	vld [tilespmem:s23+$0x60];
	_ =	sdelay $0x2  }
0x24d: {  	v61 =	vperm.xlane v20, v17;
	_ =	sdelay $0x1  }
0x24e: {  	v21 =	vmul.f32 v21, v61;
	_ =	sdelay $0x1  }
0x24f: {  	[tilespmem:s3+$0x60] =	vst v21  }
0x250: {  	v21 =	vld [tilespmem:s23+$0x70];
	_ =	sdelay $0x2  }
0x251: {  	v20 =	vperm.xlane v20, v18;
	_ =	sdelay $0x1  }
0x252: {  	v20 =	vmul.f32 v21, v20;
	_ =	sdelay $0x1  }
0x253: {  	[tilespmem:s3+$0x70] =	vst v20  }
0x254: {  	v20 =	vld [tilespmem:$0x14CF8]  }
0x255: {  	v62 =	vld [tilespmem:$0x14D08]  }
0x256: {  	v63 =	vld [tilespmem:$0x14D18]  }
0x257: {  	v23 =	vld [tilespmem:$0x14D28]  }
0x258: {  	v24 =	vld [tilespmem:$0x14D38]  }
0x259: {  	[tilespmem:$0x1FC98] =	vst v20  }
0x25a: {  	[tilespmem:$0x1FCA8] =	vst v62  }
0x25b: {  	[tilespmem:$0x1FCB8] =	vst v63  }
0x25c: {  	s26 =	rddreg [dreg:$0x14];
	s20 =	sadd.s32 $0x1, s20;
	[tilespmem:$0x1FCC8] =	vst v23  }
0x25d: {  	s25 =	simm.s32 $0x1FC98;
	p1 =	sne.s32 s20, $0x3D;
	s3 =	sadd.s32 s9, s26;
	[tilespmem:$0x1FCD8] =	vst v24  }
0x25e: {  	[spmem:s4] =	stream.indirect.scatter.add.f32 [tilespmem:s29], [sflag:$0x6], $0x88, s25, s28, $0xb8;
	[tilespmem:$0x1FCF8] =	vst v63  }
.Ltmp2:
0x25f: {  	s3 =	sshrl.u32 s3, $0x3;
	(pc) =	sbr.rel @p1 .LBB2_2-.Ltmp2, $4  }
0x260: {  	s30 =	sadd.s32 s2, s3  }
0x261: {  	[tilespmem:s5], [sflag:$0x4] =	stream.linear.gather [hbm4b:s30+s6], $0x50, $0x38;
	[tilespmem:$0x1FCF8] =	vst v63  }
0x262: {  	s3 =	sadd.s32 s14, s3  }
0x263: {  	[tilespmem:s1], [sflag:$0x4] =	stream.linear.gather [hbm4b:s3+s6], $0x50, $0x38;
	[tilespmem:$0x1FCF8] =	vst v63  }
0x264: {  	_ =	swait.ge [sflag:s12], $0x50  }
0x265: {  	[sflag:s12] =	ssyncset.done $0x0  }
0x266: {  	[sflag:s12] =	ssyncadd.s32 $0xFFFFFFB0  }
0x267: {  	_ =	swait.ge [sflag:s12], $0x50  }
0x268: {  	[sflag:s12] =	ssyncset.done $0x0  }
0x269: {  	[sflag:s12] =	ssyncadd.s32 $0xFFFFFFB0  }
0x26a: {  	[tilespmem:s13], [sflag:$0x2] =	stream.indirect.gather [hbm4b:s7+s28], $0x88, s5, s28, $0xb8;
	[tilespmem:$0x1FCF8] =	vst v63  }
0x26b: {  	_ = 	snop  }
0x26c: {  	[tilespmem:s16], [sflag:$0x2] =	stream.indirect.gather [hbm4b:s8+s28], $0x8, s1, s28, $0xb8;
	[tilespmem:$0x1FCF8] =	vst v63  }
0x26d: {  	_ =	swait.ge [sflag:s17], $0x2A80  }
0x26e: {  	s3 =	simm.s32 $0x0;
	[sflag:s17] =	ssyncset.done $0x0  }
0x26f: {  	v20 =	vor.u32 s3, v1;
	[sflag:s17] =	ssyncadd.s32 $0xFFFFD580  }
0x270: {  	v21 =	vmul.u32 $0x88, v20;
	v20 =	vshll.u32 v20, $0x3;
	_ =	swait.ge [sflag:s17], $0x280  }
0x271: {  	v20 =	vor.u32 v0, v20;
	[sflag:s17] =	ssyncset.done $0x0  }
0x272: {  	v21 =	vadd.s32 v2, v21;
	[sflag:s17] =	ssyncadd.s32 $0xFFFFFD80  }
0x273: {  	_ =	swait.ge [sflag:s18], $0x2A80  }
0x274: {  	[sflag:s18] =	ssyncset.done $0x0  }
0x275: {  	[sflag:s18] =	ssyncadd.s32 $0xFFFFD580  }
0x276: {  	v20 =	vld.idx.msk [tilespmem:v20+s11+$0x0], $0xffff  }
0x277: {  	v22 =	vld.idx.msk [tilespmem:v21+s10+$0x0], $0xffff;
	_ =	sdelay $0x4  }
0x278: {  	v20 =	vadd.f32 v20, v22;
	_ =	sdelay $0x1  }
0x279: {  	v22 =	vmul.f32 $2.000000030e-01, v20;
	_ =	sdelay $0x1  }
0x27a: {  	v20 =	vmax.f32 v20, v22  }
0x27b: {  	v20 =	vsub.f32 v20, v19;
	_ =	sdelay $0x1  }
0x27c: {  	v20 =	vmul.f32 $1.442695020e+00, v20;
	_ =	sdelay $0x1  }
0x27d: {  	(erf) = vpow2.f32 v20;
	_ =	sdelay $0x8  }
0x27e: {  	v20 =	vpop (erf)  }
0x27f: {  	s20 =	simm.s32 $0x14DD0;
	[tilespmem:v21+s24+$0x0] =	vst.idx.msk $0xffff, v20  }
0x280: {  	v21 =	vld [tilespmem:s20+$0xFFFFFF78];
	_ =	sdelay $0x2  }
0x281: {  	v22 =	vperm.xlane v20, v4;
	_ =	sdelay $0x1  }
0x282: {  	v21 =	vmul.f32 v21, v22  }
0x283: {  	s9 =	simm.s32 $0x1A7D0  }
0x284: {  	[tilespmem:s9+$0xFFFFFF78] =	vst v21  }
0x285: {  	v21 =	vld [tilespmem:s20+$0xFFFFFF88];
	_ =	sdelay $0x2  }
0x286: {  	v22 =	vperm.xlane v20, v5;
	_ =	sdelay $0x1  }
0x287: {  	v21 =	vmul.f32 v21, v22;
	_ =	sdelay $0x1  }
0x288: {  	[tilespmem:s9+$0xFFFFFF88] =	vst v21  }
0x289: {  	v21 =	vld [tilespmem:s20+$0xFFFFFF98];
	_ =	sdelay $0x2  }
0x28a: {  	v22 =	vperm.xlane v20, v6;
	_ =	sdelay $0x1  }
0x28b: {  	v21 =	vmul.f32 v21, v22;
	_ =	sdelay $0x1  }
0x28c: {  	[tilespmem:s9+$0xFFFFFF98] =	vst v21  }
0x28d: {  	v21 =	vld [tilespmem:s20+$0xFFFFFFA8];
	_ =	sdelay $0x2  }
0x28e: {  	v22 =	vperm.xlane v20, v3;
	_ =	sdelay $0x1  }
0x28f: {  	v21 =	vmul.f32 v21, v22;
	_ =	sdelay $0x1  }
0x290: {  	[tilespmem:s9+$0xFFFFFFA8] =	vst v21  }
0x291: {  	v21 =	vld [tilespmem:s20+$0xFFFFFFB8];
	_ =	sdelay $0x2  }
0x292: {  	v22 =	vperm.xlane v20, v7;
	_ =	sdelay $0x1  }
0x293: {  	v21 =	vmul.f32 v21, v22;
	_ =	sdelay $0x1  }
0x294: {  	[tilespmem:s9+$0xFFFFFFB8] =	vst v21  }
0x295: {  	v21 =	vld [tilespmem:s20+$0xFFFFFFC8];
	_ =	sdelay $0x2  }
0x296: {  	v22 =	vperm.xlane v20, v8;
	_ =	sdelay $0x1  }
0x297: {  	v21 =	vmul.f32 v21, v22;
	_ =	sdelay $0x1  }
0x298: {  	[tilespmem:s9+$0xFFFFFFC8] =	vst v21  }
0x299: {  	v21 =	vld [tilespmem:s20+$0xFFFFFFD8];
	_ =	sdelay $0x2  }
0x29a: {  	v22 =	vperm.xlane v20, v9;
	_ =	sdelay $0x1  }
0x29b: {  	v21 =	vmul.f32 v21, v22;
	_ =	sdelay $0x1  }
0x29c: {  	[tilespmem:s9+$0xFFFFFFD8] =	vst v21  }
0x29d: {  	v21 =	vld [tilespmem:s20+$0xFFFFFFE8];
	_ =	sdelay $0x2  }
0x29e: {  	v22 =	vperm.xlane v20, v10;
	_ =	sdelay $0x1  }
0x29f: {  	v21 =	vmul.f32 v21, v22;
	_ =	sdelay $0x1  }
0x2a0: {  	[tilespmem:s9+$0xFFFFFFE8] =	vst v21  }
0x2a1: {  	v21 =	vld [tilespmem:s20+$0x0];
	_ =	sdelay $0x2  }
0x2a2: {  	v22 =	vperm.xlane v20, v11;
	_ =	sdelay $0x1  }
0x2a3: {  	v21 =	vmul.f32 v21, v22;
	_ =	sdelay $0x1  }
0x2a4: {  	[tilespmem:s9+$0x0] =	vst v21  }
0x2a5: {  	v21 =	vld [tilespmem:s20+$0x10];
	_ =	sdelay $0x2  }
0x2a6: {  	v22 =	vperm.xlane v20, v12;
	_ =	sdelay $0x1  }
0x2a7: {  	v21 =	vmul.f32 v21, v22;
	_ =	sdelay $0x1  }
0x2a8: {  	[tilespmem:s9+$0x10] =	vst v21  }
0x2a9: {  	v21 =	vld [tilespmem:s20+$0x20];
	_ =	sdelay $0x2  }
0x2aa: {  	v22 =	vperm.xlane v20, v13;
	_ =	sdelay $0x1  }
0x2ab: {  	v21 =	vmul.f32 v21, v22;
	_ =	sdelay $0x1  }
0x2ac: {  	[tilespmem:s9+$0x20] =	vst v21  }
0x2ad: {  	v21 =	vld [tilespmem:s20+$0x30];
	_ =	sdelay $0x2  }
0x2ae: {  	v22 =	vperm.xlane v20, v14;
	_ =	sdelay $0x1  }
0x2af: {  	v21 =	vmul.f32 v21, v22;
	_ =	sdelay $0x1  }
0x2b0: {  	[tilespmem:s9+$0x30] =	vst v21  }
0x2b1: {  	v21 =	vld [tilespmem:s20+$0x40];
	_ =	sdelay $0x2  }
0x2b2: {  	v22 =	vperm.xlane v20, v15;
	_ =	sdelay $0x1  }
0x2b3: {  	v21 =	vmul.f32 v21, v22;
	_ =	sdelay $0x1  }
0x2b4: {  	[tilespmem:s9+$0x40] =	vst v21  }
0x2b5: {  	v21 =	vld [tilespmem:s20+$0x50];
	_ =	sdelay $0x2  }
0x2b6: {  	v22 =	vperm.xlane v20, v16;
	_ =	sdelay $0x1  }
0x2b7: {  	v21 =	vmul.f32 v21, v22;
	_ =	sdelay $0x1  }
0x2b8: {  	[tilespmem:s9+$0x50] =	vst v21  }
0x2b9: {  	v21 =	vld [tilespmem:s20+$0x60];
	_ =	sdelay $0x2  }
0x2ba: {  	v22 =	vperm.xlane v20, v17;
	_ =	sdelay $0x1  }
0x2bb: {  	v21 =	vmul.f32 v21, v22;
	_ =	sdelay $0x1  }
0x2bc: {  	[tilespmem:s9+$0x60] =	vst v21  }
0x2bd: {  	s30 =	simm.s32 $0x2;
	v23 =	vld [tilespmem:s20+$0x70]  }
0x2be: {  	v21 =	vor.u32 s30, v1  }
0x2bf: {  	v24 =	vmul.u32 $0x88, v21;
	v21 =	vshll.u32 v21, $0x3  }
0x2c0: {  	v20 =	vperm.xlane v20, v18;
	v22 =	vor.u32 v0, v21  }
0x2c1: {  	v21 =	vadd.s32 v2, v24  }
0x2c2: {  	s3 =	simm.s32 $0x4;
	v20 =	vmul.f32 v23, v20  }
.LBB2_8:
0x2c3: {  	s20 =	sadd.s32 $0x110, s20  }
0x2c4: {  	s25 =	smov.u32 s3;
	s23 =	sadd.s32 $0x2, s3;
	[tilespmem:s9+$0x70] =	vst v20;
	s9 =	sadd.s32 $0x110, s9  }
0x2c5: {  	p1 =	sne.s32 s3, $0x4E;
	v20 =	vld.idx.msk [tilespmem:v22+s11+$0x0], $0xffff  }
0x2c6: {  	v22 =	vld.idx.msk [tilespmem:v21+s10+$0x0], $0xffff;
	_ =	sdelay $0x5  }
0x2c7: {  	v20 =	vadd.f32 v20, v22;
	_ =	sdelay $0x1  }
0x2c8: {  	v22 =	vmul.f32 $2.000000030e-01, v20;
	_ =	sdelay $0x1  }
0x2c9: {  	v20 =	vmax.f32 v20, v22  }
0x2ca: {  	v20 =	vsub.f32 v20, v19;
	_ =	sdelay $0x1  }
0x2cb: {  	v20 =	vmul.f32 $1.442695020e+00, v20;
	_ =	sdelay $0x1  }
0x2cc: {  	(erf) = vpow2.f32 v20;
	_ =	sdelay $0x8  }
0x2cd: {  	v20 =	vpop (erf)  }
0x2ce: {  	[tilespmem:v21+s24+$0x0] =	vst.idx.msk $0xffff, v20  }
0x2cf: {  	v21 =	vld [tilespmem:s20+$0xFFFFFF78];
	_ =	sdelay $0x2  }
0x2d0: {  	v22 =	vperm.xlane v20, v4;
	_ =	sdelay $0x1  }
0x2d1: {  	v21 =	vmul.f32 v21, v22;
	_ =	sdelay $0x1  }
0x2d2: {  	[tilespmem:s9+$0xFFFFFF78] =	vst v21  }
0x2d3: {  	v21 =	vld [tilespmem:s20+$0xFFFFFF88];
	_ =	sdelay $0x2  }
0x2d4: {  	v22 =	vperm.xlane v20, v5;
	_ =	sdelay $0x1  }
0x2d5: {  	v21 =	vmul.f32 v21, v22;
	_ =	sdelay $0x1  }
0x2d6: {  	[tilespmem:s9+$0xFFFFFF88] =	vst v21  }
0x2d7: {  	v21 =	vld [tilespmem:s20+$0xFFFFFF98];
	_ =	sdelay $0x2  }
0x2d8: {  	v22 =	vperm.xlane v20, v6;
	_ =	sdelay $0x1  }
0x2d9: {  	v21 =	vmul.f32 v21, v22;
	_ =	sdelay $0x1  }
0x2da: {  	[tilespmem:s9+$0xFFFFFF98] =	vst v21  }
0x2db: {  	v21 =	vld [tilespmem:s20+$0xFFFFFFA8];
	_ =	sdelay $0x2  }
0x2dc: {  	v22 =	vperm.xlane v20, v3;
	_ =	sdelay $0x1  }
0x2dd: {  	v21 =	vmul.f32 v21, v22;
	_ =	sdelay $0x1  }
0x2de: {  	[tilespmem:s9+$0xFFFFFFA8] =	vst v21  }
0x2df: {  	v21 =	vld [tilespmem:s20+$0xFFFFFFB8];
	_ =	sdelay $0x2  }
0x2e0: {  	v22 =	vperm.xlane v20, v7;
	_ =	sdelay $0x1  }
0x2e1: {  	v21 =	vmul.f32 v21, v22;
	_ =	sdelay $0x1  }
0x2e2: {  	[tilespmem:s9+$0xFFFFFFB8] =	vst v21  }
0x2e3: {  	v21 =	vld [tilespmem:s20+$0xFFFFFFC8];
	_ =	sdelay $0x2  }
0x2e4: {  	v22 =	vperm.xlane v20, v8;
	_ =	sdelay $0x1  }
0x2e5: {  	v21 =	vmul.f32 v21, v22;
	_ =	sdelay $0x1  }
0x2e6: {  	[tilespmem:s9+$0xFFFFFFC8] =	vst v21  }
0x2e7: {  	v21 =	vld [tilespmem:s20+$0xFFFFFFD8];
	_ =	sdelay $0x2  }
0x2e8: {  	v22 =	vperm.xlane v20, v9;
	_ =	sdelay $0x1  }
0x2e9: {  	v21 =	vmul.f32 v21, v22;
	_ =	sdelay $0x1  }
0x2ea: {  	[tilespmem:s9+$0xFFFFFFD8] =	vst v21  }
0x2eb: {  	v21 =	vld [tilespmem:s20+$0xFFFFFFE8];
	_ =	sdelay $0x2  }
0x2ec: {  	v22 =	vperm.xlane v20, v10;
	_ =	sdelay $0x1  }
0x2ed: {  	v21 =	vmul.f32 v21, v22;
	_ =	sdelay $0x1  }
0x2ee: {  	[tilespmem:s9+$0xFFFFFFE8] =	vst v21  }
0x2ef: {  	v21 =	vld [tilespmem:s20+$0x0];
	_ =	sdelay $0x2  }
0x2f0: {  	v22 =	vperm.xlane v20, v11;
	_ =	sdelay $0x1  }
0x2f1: {  	v21 =	vmul.f32 v21, v22;
	_ =	sdelay $0x1  }
0x2f2: {  	[tilespmem:s9+$0x0] =	vst v21  }
0x2f3: {  	v21 =	vld [tilespmem:s20+$0x10];
	_ =	sdelay $0x2  }
0x2f4: {  	v22 =	vperm.xlane v20, v12;
	_ =	sdelay $0x1  }
0x2f5: {  	v21 =	vmul.f32 v21, v22;
	_ =	sdelay $0x1  }
0x2f6: {  	[tilespmem:s9+$0x10] =	vst v21  }
0x2f7: {  	v21 =	vld [tilespmem:s20+$0x20];
	_ =	sdelay $0x2  }
0x2f8: {  	v22 =	vperm.xlane v20, v13;
	_ =	sdelay $0x1  }
0x2f9: {  	v21 =	vmul.f32 v21, v22;
	_ =	sdelay $0x1  }
0x2fa: {  	[tilespmem:s9+$0x20] =	vst v21  }
0x2fb: {  	v21 =	vld [tilespmem:s20+$0x30];
	_ =	sdelay $0x2  }
0x2fc: {  	v22 =	vperm.xlane v20, v14;
	_ =	sdelay $0x1  }
0x2fd: {  	v21 =	vmul.f32 v21, v22;
	_ =	sdelay $0x1  }
0x2fe: {  	[tilespmem:s9+$0x30] =	vst v21  }
0x2ff: {  	v21 =	vld [tilespmem:s20+$0x40];
	_ =	sdelay $0x2  }
0x300: {  	v22 =	vperm.xlane v20, v15;
	_ =	sdelay $0x1  }
0x301: {  	v21 =	vmul.f32 v21, v22;
	_ =	sdelay $0x1  }
0x302: {  	[tilespmem:s9+$0x40] =	vst v21  }
0x303: {  	v21 =	vld [tilespmem:s20+$0x50];
	_ =	sdelay $0x2  }
0x304: {  	v22 =	vperm.xlane v20, v16;
	_ =	sdelay $0x1  }
0x305: {  	v21 =	vmul.f32 v21, v22;
	_ =	sdelay $0x1  }
0x306: {  	[tilespmem:s9+$0x50] =	vst v21  }
0x307: {  	v21 =	vld [tilespmem:s20+$0x60];
	_ =	sdelay $0x2  }
0x308: {  	v22 =	vperm.xlane v20, v17;
	_ =	sdelay $0x1  }
0x309: {  	v21 =	vmul.f32 v21, v22;
	_ =	sdelay $0x1  }
0x30a: {  	[tilespmem:s9+$0x60] =	vst v21  }
0x30b: {  	v23 =	vld [tilespmem:s20+$0x70]  }
.Ltmp3:
0x30c: {  	v21 =	vor.u32 s25, v1;
	(pc) =	sbr.rel @p1 .LBB2_8-.Ltmp3, $4  }
0x30d: {  	v24 =	vmul.u32 $0x88, v21;
	v21 =	vshll.u32 v21, $0x3  }
0x30e: {  	v20 =	vperm.xlane v20, v18;
	v22 =	vor.u32 v0, v21  }
0x30f: {  	v21 =	vadd.s32 v2, v24  }
0x310: {  	s3 =	smov.u32 s23;
	v20 =	vmul.f32 v23, v20  }
0x311: {  	_ =	sdelay $0x2  }
0x312: {  	[tilespmem:s9+$0x70] =	vst v20  }
0x313: {  	v20 =	vld.idx.msk [tilespmem:v22+s11+$0x0], $0xffff  }
0x314: {  	v22 =	vld.idx.msk [tilespmem:v21+s10+$0x0], $0xffff;
	_ =	sdelay $0x4  }
0x315: {  	v20 =	vadd.f32 v20, v22;
	_ =	sdelay $0x1  }
0x316: {  	v22 =	vmul.f32 $2.000000030e-01, v20;
	_ =	sdelay $0x1  }
0x317: {  	v20 =	vmax.f32 v20, v22  }
0x318: {  	v20 =	vsub.f32 v20, v19;
	_ =	sdelay $0x1  }
0x319: {  	v20 =	vmul.f32 $1.442695020e+00, v20;
	_ =	sdelay $0x1  }
0x31a: {  	(erf) = vpow2.f32 v20;
	_ =	sdelay $0x8  }
0x31b: {  	v20 =	vpop (erf)  }
0x31c: {  	s20 =	sadd.s32 $0x110, s20;
	[tilespmem:v21+s24+$0x0] =	vst.idx.msk $0xffff, v20  }
0x31d: {  	v21 =	vld [tilespmem:s20+$0xFFFFFF78];
	_ =	sdelay $0x2  }
0x31e: {  	v22 =	vperm.xlane v20, v4;
	_ =	sdelay $0x1  }
0x31f: {  	v21 =	vmul.f32 v21, v22  }
0x320: {  	s3 =	sadd.s32 $0x110, s9  }
0x321: {  	[tilespmem:s3+$0xFFFFFF78] =	vst v21  }
0x322: {  	v21 =	vld [tilespmem:s20+$0xFFFFFF88];
	_ =	sdelay $0x2  }
0x323: {  	v22 =	vperm.xlane v20, v5;
	_ =	sdelay $0x1  }
0x324: {  	v21 =	vmul.f32 v21, v22;
	_ =	sdelay $0x1  }
0x325: {  	[tilespmem:s3+$0xFFFFFF88] =	vst v21  }
0x326: {  	v21 =	vld [tilespmem:s20+$0xFFFFFF98];
	_ =	sdelay $0x2  }
0x327: {  	v22 =	vperm.xlane v20, v6;
	_ =	sdelay $0x1  }
0x328: {  	v21 =	vmul.f32 v21, v22;
	_ =	sdelay $0x1  }
0x329: {  	[tilespmem:s3+$0xFFFFFF98] =	vst v21  }
0x32a: {  	v21 =	vld [tilespmem:s20+$0xFFFFFFA8];
	_ =	sdelay $0x2  }
0x32b: {  	v22 =	vperm.xlane v20, v3;
	_ =	sdelay $0x1  }
0x32c: {  	v21 =	vmul.f32 v21, v22;
	_ =	sdelay $0x1  }
0x32d: {  	[tilespmem:s3+$0xFFFFFFA8] =	vst v21  }
0x32e: {  	v21 =	vld [tilespmem:s20+$0xFFFFFFB8];
	_ =	sdelay $0x2  }
0x32f: {  	v22 =	vperm.xlane v20, v7;
	_ =	sdelay $0x1  }
0x330: {  	v21 =	vmul.f32 v21, v22;
	_ =	sdelay $0x1  }
0x331: {  	[tilespmem:s3+$0xFFFFFFB8] =	vst v21  }
0x332: {  	v21 =	vld [tilespmem:s20+$0xFFFFFFC8];
	_ =	sdelay $0x2  }
0x333: {  	v22 =	vperm.xlane v20, v8;
	_ =	sdelay $0x1  }
0x334: {  	v21 =	vmul.f32 v21, v22;
	_ =	sdelay $0x1  }
0x335: {  	[tilespmem:s3+$0xFFFFFFC8] =	vst v21  }
0x336: {  	v21 =	vld [tilespmem:s20+$0xFFFFFFD8];
	_ =	sdelay $0x2  }
0x337: {  	v22 =	vperm.xlane v20, v9;
	_ =	sdelay $0x1  }
0x338: {  	v21 =	vmul.f32 v21, v22;
	_ =	sdelay $0x1  }
0x339: {  	[tilespmem:s3+$0xFFFFFFD8] =	vst v21  }
0x33a: {  	v21 =	vld [tilespmem:s20+$0xFFFFFFE8];
	_ =	sdelay $0x2  }
0x33b: {  	v22 =	vperm.xlane v20, v10;
	_ =	sdelay $0x1  }
0x33c: {  	v21 =	vmul.f32 v21, v22;
	_ =	sdelay $0x1  }
0x33d: {  	[tilespmem:s3+$0xFFFFFFE8] =	vst v21  }
0x33e: {  	v21 =	vld [tilespmem:s20+$0x0];
	_ =	sdelay $0x2  }
0x33f: {  	v22 =	vperm.xlane v20, v11;
	_ =	sdelay $0x1  }
0x340: {  	v21 =	vmul.f32 v21, v22;
	_ =	sdelay $0x1  }
0x341: {  	[tilespmem:s3+$0x0] =	vst v21  }
0x342: {  	v21 =	vld [tilespmem:s20+$0x10];
	_ =	sdelay $0x2  }
0x343: {  	v22 =	vperm.xlane v20, v12;
	_ =	sdelay $0x1  }
0x344: {  	v21 =	vmul.f32 v21, v22;
	_ =	sdelay $0x1  }
0x345: {  	[tilespmem:s3+$0x10] =	vst v21  }
0x346: {  	v21 =	vld [tilespmem:s20+$0x20];
	_ =	sdelay $0x2  }
0x347: {  	v22 =	vperm.xlane v20, v13;
	_ =	sdelay $0x1  }
0x348: {  	v21 =	vmul.f32 v21, v22;
	_ =	sdelay $0x1  }
0x349: {  	[tilespmem:s3+$0x20] =	vst v21  }
0x34a: {  	v21 =	vld [tilespmem:s20+$0x30];
	_ =	sdelay $0x2  }
0x34b: {  	v22 =	vperm.xlane v20, v14;
	_ =	sdelay $0x1  }
0x34c: {  	v21 =	vmul.f32 v21, v22;
	_ =	sdelay $0x1  }
0x34d: {  	[tilespmem:s3+$0x30] =	vst v21  }
0x34e: {  	v21 =	vld [tilespmem:s20+$0x40];
	_ =	sdelay $0x2  }
0x34f: {  	v22 =	vperm.xlane v20, v15;
	_ =	sdelay $0x1  }
0x350: {  	v21 =	vmul.f32 v21, v22;
	_ =	sdelay $0x1  }
0x351: {  	[tilespmem:s3+$0x40] =	vst v21  }
0x352: {  	v21 =	vld [tilespmem:s20+$0x50];
	_ =	sdelay $0x2  }
0x353: {  	v22 =	vperm.xlane v20, v16;
	_ =	sdelay $0x1  }
0x354: {  	v21 =	vmul.f32 v21, v22;
	_ =	sdelay $0x1  }
0x355: {  	[tilespmem:s3+$0x50] =	vst v21  }
0x356: {  	v21 =	vld [tilespmem:s20+$0x60];
	_ =	sdelay $0x2  }
0x357: {  	v22 =	vperm.xlane v20, v17;
	_ =	sdelay $0x1  }
0x358: {  	v21 =	vmul.f32 v21, v22;
	_ =	sdelay $0x1  }
0x359: {  	[tilespmem:s3+$0x60] =	vst v21  }
0x35a: {  	v21 =	vld [tilespmem:s20+$0x70];
	_ =	sdelay $0x2  }
0x35b: {  	v20 =	vperm.xlane v20, v18;
	_ =	sdelay $0x1  }
0x35c: {  	v20 =	vmul.f32 v21, v20;
	_ =	sdelay $0x1  }
0x35d: {  	[tilespmem:s3+$0x70] =	vst v20  }
0x35e: {  	v20 =	vld [tilespmem:$0x14CA8]  }
0x35f: {  	v21 =	vld [tilespmem:$0x14CB8]  }
0x360: {  	v22 =	vld [tilespmem:$0x14CC8]  }
0x361: {  	v23 =	vld [tilespmem:$0x14CD8]  }
0x362: {  	v24 =	vld [tilespmem:$0x14CE8]  }
0x363: {  	[tilespmem:$0x1FC48] =	vst v20  }
0x364: {  	[tilespmem:$0x1FC58] =	vst v21  }
0x365: {  	[tilespmem:$0x1FC68] =	vst v22  }
0x366: {  	[tilespmem:$0x1FC78] =	vst v23  }
0x367: {  	s26 =	simm.s32 $0x1FC48;
	[tilespmem:$0x1FC88] =	vst v24  }
0x368: {  	[spmem:s4] =	stream.indirect.scatter.add.f32 [tilespmem:s24], [sflag:$0x5], $0x88, s26, s28, $0xb8;
	[tilespmem:$0x1FCF8] =	vst v63  }
0x369: {  	s23 =	rddreg [dreg:$0xd];
	s20 =	simm.s32 $0x0  }
0x36a: {  	[tilespmem:s31], [sflag:$0x3] =	stream.linear.gather [hbm4b:s23+s20], $0x50, $0x38;
	[tilespmem:$0x1FCF8] =	vst v63  }
0x36b: {  	s25 =	rddreg [dreg:$0xe]  }
0x36c: {  	[tilespmem:s0], [sflag:$0x3] =	stream.linear.gather [hbm4b:s25+s20], $0x50, $0x38;
	[tilespmem:$0x1FCF8] =	vst v63  }
0x36d: {  	_ =	swait.ge [sflag:s22], $0x50  }
0x36e: {  	[sflag:s22] =	ssyncset.done $0x0  }
0x36f: {  	[sflag:s22] =	ssyncadd.s32 $0xFFFFFFB0  }
0x370: {  	_ =	swait.ge [sflag:s22], $0x50  }
0x371: {  	[sflag:s22] =	ssyncset.done $0x0  }
0x372: {  	[sflag:s22] =	ssyncadd.s32 $0xFFFFFFB0  }
0x373: {  	[tilespmem:s10], [sflag:$0x1] =	stream.indirect.gather [hbm4b:s7+s28], $0x88, s31, s28, $0xb8;
	[tilespmem:$0x1FCF8] =	vst v63  }
0x374: {  	_ = 	snop  }
0x375: {  	[tilespmem:s11], [sflag:$0x1] =	stream.indirect.gather [hbm4b:s8+s28], $0x8, s0, s28, $0xb8;
	[tilespmem:$0x1FCF8] =	vst v63  }
0x376: {  	_ =	swait.ge [sflag:s19], $0x2A80  }
0x377: {  	[sflag:s19] =	ssyncset.done $0x0  }
0x378: {  	v20 =	vor.u32 s20, v1;
	[sflag:s19] =	ssyncadd.s32 $0xFFFFD580  }
0x379: {  	v21 =	vmul.u32 $0x88, v20;
	v20 =	vshll.u32 v20, $0x3;
	_ =	swait.ge [sflag:s19], $0x280  }
0x37a: {  	v20 =	vor.u32 v0, v20;
	[sflag:s19] =	ssyncset.done $0x0  }
0x37b: {  	v21 =	vadd.s32 v2, v21;
	[sflag:s19] =	ssyncadd.s32 $0xFFFFFD80  }
0x37c: {  	_ =	swait.ge [sflag:s21], $0x2A80  }
0x37d: {  	[sflag:s21] =	ssyncset.done $0x0  }
0x37e: {  	[sflag:s21] =	ssyncadd.s32 $0xFFFFD580  }
0x37f: {  	v20 =	vld.idx.msk [tilespmem:v20+s16+$0x0], $0xffff  }
0x380: {  	v22 =	vld.idx.msk [tilespmem:v21+s13+$0x0], $0xffff;
	_ =	sdelay $0x4  }
0x381: {  	v20 =	vadd.f32 v20, v22;
	_ =	sdelay $0x1  }
0x382: {  	v22 =	vmul.f32 $2.000000030e-01, v20;
	_ =	sdelay $0x1  }
0x383: {  	v20 =	vmax.f32 v20, v22  }
0x384: {  	v20 =	vsub.f32 v20, v19;
	_ =	sdelay $0x1  }
0x385: {  	v20 =	vmul.f32 $1.442695020e+00, v20;
	_ =	sdelay $0x1  }
0x386: {  	(erf) = vpow2.f32 v20;
	_ =	sdelay $0x8  }
0x387: {  	v20 =	vpop (erf)  }
0x388: {  	s20 =	simm.s32 $0x17850;
	[tilespmem:v21+s29+$0x0] =	vst.idx.msk $0xffff, v20  }
0x389: {  	v21 =	vld [tilespmem:s20+$0xFFFFFF78];
	_ =	sdelay $0x2  }
0x38a: {  	v22 =	vperm.xlane v20, v4;
	_ =	sdelay $0x1  }
0x38b: {  	v21 =	vmul.f32 v21, v22  }
0x38c: {  	s9 =	simm.s32 $0x1D250  }
0x38d: {  	[tilespmem:s9+$0xFFFFFF78] =	vst v21  }
0x38e: {  	v21 =	vld [tilespmem:s20+$0xFFFFFF88];
	_ =	sdelay $0x2  }
0x38f: {  	v22 =	vperm.xlane v20, v5;
	_ =	sdelay $0x1  }
0x390: {  	v21 =	vmul.f32 v21, v22;
	_ =	sdelay $0x1  }
0x391: {  	[tilespmem:s9+$0xFFFFFF88] =	vst v21  }
0x392: {  	v21 =	vld [tilespmem:s20+$0xFFFFFF98];
	_ =	sdelay $0x2  }
0x393: {  	v22 =	vperm.xlane v20, v6;
	_ =	sdelay $0x1  }
0x394: {  	v21 =	vmul.f32 v21, v22;
	_ =	sdelay $0x1  }
0x395: {  	[tilespmem:s9+$0xFFFFFF98] =	vst v21  }
0x396: {  	v21 =	vld [tilespmem:s20+$0xFFFFFFA8];
	_ =	sdelay $0x2  }
0x397: {  	v22 =	vperm.xlane v20, v3;
	_ =	sdelay $0x1  }
0x398: {  	v21 =	vmul.f32 v21, v22;
	_ =	sdelay $0x1  }
0x399: {  	[tilespmem:s9+$0xFFFFFFA8] =	vst v21  }
0x39a: {  	v21 =	vld [tilespmem:s20+$0xFFFFFFB8];
	_ =	sdelay $0x2  }
0x39b: {  	v22 =	vperm.xlane v20, v7;
	_ =	sdelay $0x1  }
0x39c: {  	v21 =	vmul.f32 v21, v22;
	_ =	sdelay $0x1  }
0x39d: {  	[tilespmem:s9+$0xFFFFFFB8] =	vst v21  }
0x39e: {  	v21 =	vld [tilespmem:s20+$0xFFFFFFC8];
	_ =	sdelay $0x2  }
0x39f: {  	v22 =	vperm.xlane v20, v8;
	_ =	sdelay $0x1  }
0x3a0: {  	v21 =	vmul.f32 v21, v22;
	_ =	sdelay $0x1  }
0x3a1: {  	[tilespmem:s9+$0xFFFFFFC8] =	vst v21  }
0x3a2: {  	v21 =	vld [tilespmem:s20+$0xFFFFFFD8];
	_ =	sdelay $0x2  }
0x3a3: {  	v22 =	vperm.xlane v20, v9;
	_ =	sdelay $0x1  }
0x3a4: {  	v21 =	vmul.f32 v21, v22;
	_ =	sdelay $0x1  }
0x3a5: {  	[tilespmem:s9+$0xFFFFFFD8] =	vst v21  }
0x3a6: {  	v21 =	vld [tilespmem:s20+$0xFFFFFFE8];
	_ =	sdelay $0x2  }
0x3a7: {  	v22 =	vperm.xlane v20, v10;
	_ =	sdelay $0x1  }
0x3a8: {  	v21 =	vmul.f32 v21, v22;
	_ =	sdelay $0x1  }
0x3a9: {  	[tilespmem:s9+$0xFFFFFFE8] =	vst v21  }
0x3aa: {  	v21 =	vld [tilespmem:s20+$0x0];
	_ =	sdelay $0x2  }
0x3ab: {  	v22 =	vperm.xlane v20, v11;
	_ =	sdelay $0x1  }
0x3ac: {  	v21 =	vmul.f32 v21, v22;
	_ =	sdelay $0x1  }
0x3ad: {  	[tilespmem:s9+$0x0] =	vst v21  }
0x3ae: {  	v21 =	vld [tilespmem:s20+$0x10];
	_ =	sdelay $0x2  }
0x3af: {  	v22 =	vperm.xlane v20, v12;
	_ =	sdelay $0x1  }
0x3b0: {  	v21 =	vmul.f32 v21, v22;
	_ =	sdelay $0x1  }
0x3b1: {  	[tilespmem:s9+$0x10] =	vst v21  }
0x3b2: {  	v21 =	vld [tilespmem:s20+$0x20];
	_ =	sdelay $0x2  }
0x3b3: {  	v22 =	vperm.xlane v20, v13;
	_ =	sdelay $0x1  }
0x3b4: {  	v21 =	vmul.f32 v21, v22;
	_ =	sdelay $0x1  }
0x3b5: {  	[tilespmem:s9+$0x20] =	vst v21  }
0x3b6: {  	v21 =	vld [tilespmem:s20+$0x30];
	_ =	sdelay $0x2  }
0x3b7: {  	v22 =	vperm.xlane v20, v14;
	_ =	sdelay $0x1  }
0x3b8: {  	v21 =	vmul.f32 v21, v22;
	_ =	sdelay $0x1  }
0x3b9: {  	[tilespmem:s9+$0x30] =	vst v21  }
0x3ba: {  	v21 =	vld [tilespmem:s20+$0x40];
	_ =	sdelay $0x2  }
0x3bb: {  	v22 =	vperm.xlane v20, v15;
	_ =	sdelay $0x1  }
0x3bc: {  	v21 =	vmul.f32 v21, v22;
	_ =	sdelay $0x1  }
0x3bd: {  	[tilespmem:s9+$0x40] =	vst v21  }
0x3be: {  	v21 =	vld [tilespmem:s20+$0x50];
	_ =	sdelay $0x2  }
0x3bf: {  	v22 =	vperm.xlane v20, v16;
	_ =	sdelay $0x1  }
0x3c0: {  	v21 =	vmul.f32 v21, v22;
	_ =	sdelay $0x1  }
0x3c1: {  	[tilespmem:s9+$0x50] =	vst v21  }
0x3c2: {  	v21 =	vld [tilespmem:s20+$0x60];
	_ =	sdelay $0x2  }
0x3c3: {  	v22 =	vperm.xlane v20, v17;
	_ =	sdelay $0x1  }
0x3c4: {  	v21 =	vmul.f32 v21, v22;
	_ =	sdelay $0x1  }
0x3c5: {  	[tilespmem:s9+$0x60] =	vst v21  }
0x3c6: {  	s30 =	simm.s32 $0x2;
	v23 =	vld [tilespmem:s20+$0x70]  }
0x3c7: {  	v21 =	vor.u32 s30, v1  }
0x3c8: {  	v63 =	vmul.u32 $0x88, v21;
	v21 =	vshll.u32 v21, $0x3  }
0x3c9: {  	v20 =	vperm.xlane v20, v18;
	v22 =	vor.u32 v0, v21  }
0x3ca: {  	v21 =	vadd.s32 v2, v63  }
0x3cb: {  	s3 =	simm.s32 $0x4;
	s15 =	rddreg [dreg:$0x15];
	v20 =	vmul.f32 v23, v20  }
.LBB2_10:
0x3cc: {  	s20 =	sadd.s32 $0x110, s20  }
0x3cd: {  	s25 =	smov.u32 s3;
	s23 =	sadd.s32 $0x2, s3;
	[tilespmem:s9+$0x70] =	vst v20;
	s9 =	sadd.s32 $0x110, s9  }
0x3ce: {  	p1 =	sne.s32 s3, $0x4E;
	v20 =	vld.idx.msk [tilespmem:v22+s16+$0x0], $0xffff  }
0x3cf: {  	v22 =	vld.idx.msk [tilespmem:v21+s13+$0x0], $0xffff;
	_ =	sdelay $0x5  }
0x3d0: {  	v20 =	vadd.f32 v20, v22;
	_ =	sdelay $0x1  }
0x3d1: {  	v22 =	vmul.f32 $2.000000030e-01, v20;
	_ =	sdelay $0x1  }
0x3d2: {  	v20 =	vmax.f32 v20, v22  }
0x3d3: {  	v20 =	vsub.f32 v20, v19;
	_ =	sdelay $0x1  }
0x3d4: {  	v20 =	vmul.f32 $1.442695020e+00, v20;
	_ =	sdelay $0x1  }
0x3d5: {  	(erf) = vpow2.f32 v20;
	_ =	sdelay $0x8  }
0x3d6: {  	v20 =	vpop (erf)  }
0x3d7: {  	[tilespmem:v21+s29+$0x0] =	vst.idx.msk $0xffff, v20  }
0x3d8: {  	v21 =	vld [tilespmem:s20+$0xFFFFFF78];
	_ =	sdelay $0x2  }
0x3d9: {  	v22 =	vperm.xlane v20, v4;
	_ =	sdelay $0x1  }
0x3da: {  	v21 =	vmul.f32 v21, v22;
	_ =	sdelay $0x1  }
0x3db: {  	[tilespmem:s9+$0xFFFFFF78] =	vst v21  }
0x3dc: {  	v21 =	vld [tilespmem:s20+$0xFFFFFF88];
	_ =	sdelay $0x2  }
0x3dd: {  	v22 =	vperm.xlane v20, v5;
	_ =	sdelay $0x1  }
0x3de: {  	v21 =	vmul.f32 v21, v22;
	_ =	sdelay $0x1  }
0x3df: {  	[tilespmem:s9+$0xFFFFFF88] =	vst v21  }
0x3e0: {  	v21 =	vld [tilespmem:s20+$0xFFFFFF98];
	_ =	sdelay $0x2  }
0x3e1: {  	v22 =	vperm.xlane v20, v6;
	_ =	sdelay $0x1  }
0x3e2: {  	v21 =	vmul.f32 v21, v22;
	_ =	sdelay $0x1  }
0x3e3: {  	[tilespmem:s9+$0xFFFFFF98] =	vst v21  }
0x3e4: {  	v21 =	vld [tilespmem:s20+$0xFFFFFFA8];
	_ =	sdelay $0x2  }
0x3e5: {  	v22 =	vperm.xlane v20, v3;
	_ =	sdelay $0x1  }
0x3e6: {  	v21 =	vmul.f32 v21, v22;
	_ =	sdelay $0x1  }
0x3e7: {  	[tilespmem:s9+$0xFFFFFFA8] =	vst v21  }
0x3e8: {  	v21 =	vld [tilespmem:s20+$0xFFFFFFB8];
	_ =	sdelay $0x2  }
0x3e9: {  	v22 =	vperm.xlane v20, v7;
	_ =	sdelay $0x1  }
0x3ea: {  	v21 =	vmul.f32 v21, v22;
	_ =	sdelay $0x1  }
0x3eb: {  	[tilespmem:s9+$0xFFFFFFB8] =	vst v21  }
0x3ec: {  	v21 =	vld [tilespmem:s20+$0xFFFFFFC8];
	_ =	sdelay $0x2  }
0x3ed: {  	v22 =	vperm.xlane v20, v8;
	_ =	sdelay $0x1  }
0x3ee: {  	v21 =	vmul.f32 v21, v22;
	_ =	sdelay $0x1  }
0x3ef: {  	[tilespmem:s9+$0xFFFFFFC8] =	vst v21  }
0x3f0: {  	v21 =	vld [tilespmem:s20+$0xFFFFFFD8];
	_ =	sdelay $0x2  }
0x3f1: {  	v22 =	vperm.xlane v20, v9;
	_ =	sdelay $0x1  }
0x3f2: {  	v21 =	vmul.f32 v21, v22;
	_ =	sdelay $0x1  }
0x3f3: {  	[tilespmem:s9+$0xFFFFFFD8] =	vst v21  }
0x3f4: {  	v21 =	vld [tilespmem:s20+$0xFFFFFFE8];
	_ =	sdelay $0x2  }
0x3f5: {  	v22 =	vperm.xlane v20, v10;
	_ =	sdelay $0x1  }
0x3f6: {  	v21 =	vmul.f32 v21, v22;
	_ =	sdelay $0x1  }
0x3f7: {  	[tilespmem:s9+$0xFFFFFFE8] =	vst v21  }
0x3f8: {  	v21 =	vld [tilespmem:s20+$0x0];
	_ =	sdelay $0x2  }
0x3f9: {  	v22 =	vperm.xlane v20, v11;
	_ =	sdelay $0x1  }
0x3fa: {  	v21 =	vmul.f32 v21, v22;
	_ =	sdelay $0x1  }
0x3fb: {  	[tilespmem:s9+$0x0] =	vst v21  }
0x3fc: {  	v21 =	vld [tilespmem:s20+$0x10];
	_ =	sdelay $0x2  }
0x3fd: {  	v22 =	vperm.xlane v20, v12;
	_ =	sdelay $0x1  }
0x3fe: {  	v21 =	vmul.f32 v21, v22;
	_ =	sdelay $0x1  }
0x3ff: {  	[tilespmem:s9+$0x10] =	vst v21  }
0x400: {  	v21 =	vld [tilespmem:s20+$0x20];
	_ =	sdelay $0x2  }
0x401: {  	v22 =	vperm.xlane v20, v13;
	_ =	sdelay $0x1  }
0x402: {  	v21 =	vmul.f32 v21, v22;
	_ =	sdelay $0x1  }
0x403: {  	[tilespmem:s9+$0x20] =	vst v21  }
0x404: {  	v21 =	vld [tilespmem:s20+$0x30];
	_ =	sdelay $0x2  }
0x405: {  	v22 =	vperm.xlane v20, v14;
	_ =	sdelay $0x1  }
0x406: {  	v21 =	vmul.f32 v21, v22;
	_ =	sdelay $0x1  }
0x407: {  	[tilespmem:s9+$0x30] =	vst v21  }
0x408: {  	v21 =	vld [tilespmem:s20+$0x40];
	_ =	sdelay $0x2  }
0x409: {  	v22 =	vperm.xlane v20, v15;
	_ =	sdelay $0x1  }
0x40a: {  	v21 =	vmul.f32 v21, v22;
	_ =	sdelay $0x1  }
0x40b: {  	[tilespmem:s9+$0x40] =	vst v21  }
0x40c: {  	v21 =	vld [tilespmem:s20+$0x50];
	_ =	sdelay $0x2  }
0x40d: {  	v22 =	vperm.xlane v20, v16;
	_ =	sdelay $0x1  }
0x40e: {  	v21 =	vmul.f32 v21, v22;
	_ =	sdelay $0x1  }
0x40f: {  	[tilespmem:s9+$0x50] =	vst v21  }
0x410: {  	v21 =	vld [tilespmem:s20+$0x60];
	_ =	sdelay $0x2  }
0x411: {  	v22 =	vperm.xlane v20, v17;
	_ =	sdelay $0x1  }
0x412: {  	v21 =	vmul.f32 v21, v22;
	_ =	sdelay $0x1  }
0x413: {  	[tilespmem:s9+$0x60] =	vst v21  }
0x414: {  	v23 =	vld [tilespmem:s20+$0x70]  }
.Ltmp4:
0x415: {  	v21 =	vor.u32 s25, v1;
	(pc) =	sbr.rel @p1 .LBB2_10-.Ltmp4, $4  }
0x416: {  	v24 =	vmul.u32 $0x88, v21;
	v21 =	vshll.u32 v21, $0x3  }
0x417: {  	v20 =	vperm.xlane v20, v18;
	v22 =	vor.u32 v0, v21  }
0x418: {  	v21 =	vadd.s32 v2, v24  }
0x419: {  	s3 =	smov.u32 s23;
	v20 =	vmul.f32 v23, v20  }
0x41a: {  	_ =	sdelay $0x2  }
0x41b: {  	[tilespmem:s9+$0x70] =	vst v20  }
0x41c: {  	v20 =	vld.idx.msk [tilespmem:v22+s16+$0x0], $0xffff  }
0x41d: {  	v22 =	vld.idx.msk [tilespmem:v21+s13+$0x0], $0xffff;
	_ =	sdelay $0x4  }
0x41e: {  	v20 =	vadd.f32 v20, v22;
	_ =	sdelay $0x1  }
0x41f: {  	v22 =	vmul.f32 $2.000000030e-01, v20;
	_ =	sdelay $0x1  }
0x420: {  	v20 =	vmax.f32 v20, v22  }
0x421: {  	v20 =	vsub.f32 v20, v19;
	_ =	sdelay $0x1  }
0x422: {  	v20 =	vmul.f32 $1.442695020e+00, v20;
	_ =	sdelay $0x1  }
0x423: {  	(erf) = vpow2.f32 v20;
	_ =	sdelay $0x8  }
0x424: {  	v20 =	vpop (erf)  }
0x425: {  	s20 =	sadd.s32 $0x110, s20;
	[tilespmem:v21+s29+$0x0] =	vst.idx.msk $0xffff, v20  }
0x426: {  	v21 =	vld [tilespmem:s20+$0xFFFFFF78];
	_ =	sdelay $0x2  }
0x427: {  	v22 =	vperm.xlane v20, v4;
	_ =	sdelay $0x1  }
0x428: {  	v21 =	vmul.f32 v21, v22  }
0x429: {  	s3 =	sadd.s32 $0x110, s9  }
0x42a: {  	[tilespmem:s3+$0xFFFFFF78] =	vst v21  }
0x42b: {  	v21 =	vld [tilespmem:s20+$0xFFFFFF88];
	_ =	sdelay $0x2  }
0x42c: {  	v22 =	vperm.xlane v20, v5;
	_ =	sdelay $0x1  }
0x42d: {  	v21 =	vmul.f32 v21, v22;
	_ =	sdelay $0x1  }
0x42e: {  	[tilespmem:s3+$0xFFFFFF88] =	vst v21  }
0x42f: {  	v21 =	vld [tilespmem:s20+$0xFFFFFF98];
	_ =	sdelay $0x2  }
0x430: {  	v22 =	vperm.xlane v20, v6;
	_ =	sdelay $0x1  }
0x431: {  	v21 =	vmul.f32 v21, v22;
	_ =	sdelay $0x1  }
0x432: {  	[tilespmem:s3+$0xFFFFFF98] =	vst v21  }
0x433: {  	v21 =	vld [tilespmem:s20+$0xFFFFFFA8];
	_ =	sdelay $0x2  }
0x434: {  	v22 =	vperm.xlane v20, v3;
	_ =	sdelay $0x1  }
0x435: {  	v21 =	vmul.f32 v21, v22;
	_ =	sdelay $0x1  }
0x436: {  	[tilespmem:s3+$0xFFFFFFA8] =	vst v21  }
0x437: {  	v21 =	vld [tilespmem:s20+$0xFFFFFFB8];
	_ =	sdelay $0x2  }
0x438: {  	v22 =	vperm.xlane v20, v7;
	_ =	sdelay $0x1  }
0x439: {  	v21 =	vmul.f32 v21, v22;
	_ =	sdelay $0x1  }
0x43a: {  	[tilespmem:s3+$0xFFFFFFB8] =	vst v21  }
0x43b: {  	v21 =	vld [tilespmem:s20+$0xFFFFFFC8];
	_ =	sdelay $0x2  }
0x43c: {  	v22 =	vperm.xlane v20, v8;
	_ =	sdelay $0x1  }
0x43d: {  	v21 =	vmul.f32 v21, v22;
	_ =	sdelay $0x1  }
0x43e: {  	[tilespmem:s3+$0xFFFFFFC8] =	vst v21  }
0x43f: {  	v21 =	vld [tilespmem:s20+$0xFFFFFFD8];
	_ =	sdelay $0x2  }
0x440: {  	v22 =	vperm.xlane v20, v9;
	_ =	sdelay $0x1  }
0x441: {  	v21 =	vmul.f32 v21, v22;
	_ =	sdelay $0x1  }
0x442: {  	[tilespmem:s3+$0xFFFFFFD8] =	vst v21  }
0x443: {  	v21 =	vld [tilespmem:s20+$0xFFFFFFE8];
	_ =	sdelay $0x2  }
0x444: {  	v22 =	vperm.xlane v20, v10;
	_ =	sdelay $0x1  }
0x445: {  	v21 =	vmul.f32 v21, v22;
	_ =	sdelay $0x1  }
0x446: {  	[tilespmem:s3+$0xFFFFFFE8] =	vst v21  }
0x447: {  	v21 =	vld [tilespmem:s20+$0x0];
	_ =	sdelay $0x2  }
0x448: {  	v22 =	vperm.xlane v20, v11;
	_ =	sdelay $0x1  }
0x449: {  	v21 =	vmul.f32 v21, v22;
	_ =	sdelay $0x1  }
0x44a: {  	[tilespmem:s3+$0x0] =	vst v21  }
0x44b: {  	v21 =	vld [tilespmem:s20+$0x10];
	_ =	sdelay $0x2  }
0x44c: {  	v22 =	vperm.xlane v20, v12;
	_ =	sdelay $0x1  }
0x44d: {  	v21 =	vmul.f32 v21, v22;
	_ =	sdelay $0x1  }
0x44e: {  	[tilespmem:s3+$0x10] =	vst v21  }
0x44f: {  	v21 =	vld [tilespmem:s20+$0x20];
	_ =	sdelay $0x2  }
0x450: {  	v22 =	vperm.xlane v20, v13;
	_ =	sdelay $0x1  }
0x451: {  	v21 =	vmul.f32 v21, v22;
	_ =	sdelay $0x1  }
0x452: {  	[tilespmem:s3+$0x20] =	vst v21  }
0x453: {  	v21 =	vld [tilespmem:s20+$0x30];
	_ =	sdelay $0x2  }
0x454: {  	v22 =	vperm.xlane v20, v14;
	_ =	sdelay $0x1  }
0x455: {  	v21 =	vmul.f32 v21, v22;
	_ =	sdelay $0x1  }
0x456: {  	[tilespmem:s3+$0x30] =	vst v21  }
0x457: {  	v21 =	vld [tilespmem:s20+$0x40];
	_ =	sdelay $0x2  }
0x458: {  	v22 =	vperm.xlane v20, v15;
	_ =	sdelay $0x1  }
0x459: {  	v21 =	vmul.f32 v21, v22;
	_ =	sdelay $0x1  }
0x45a: {  	[tilespmem:s3+$0x40] =	vst v21  }
0x45b: {  	v21 =	vld [tilespmem:s20+$0x50];
	_ =	sdelay $0x2  }
0x45c: {  	v22 =	vperm.xlane v20, v16;
	_ =	sdelay $0x1  }
0x45d: {  	v21 =	vmul.f32 v21, v22;
	_ =	sdelay $0x1  }
0x45e: {  	[tilespmem:s3+$0x50] =	vst v21  }
0x45f: {  	v21 =	vld [tilespmem:s20+$0x60];
	_ =	sdelay $0x2  }
0x460: {  	v22 =	vperm.xlane v20, v17;
	_ =	sdelay $0x1  }
0x461: {  	v21 =	vmul.f32 v21, v22;
	_ =	sdelay $0x1  }
0x462: {  	[tilespmem:s3+$0x60] =	vst v21  }
0x463: {  	v21 =	vld [tilespmem:s20+$0x70];
	_ =	sdelay $0x2  }
0x464: {  	v20 =	vperm.xlane v20, v18;
	_ =	sdelay $0x1  }
0x465: {  	v20 =	vmul.f32 v21, v20;
	_ =	sdelay $0x1  }
0x466: {  	[tilespmem:s3+$0x70] =	vst v20  }
0x467: {  	v20 =	vld [tilespmem:$0x14CF8]  }
0x468: {  	v21 =	vld [tilespmem:$0x14D08]  }
0x469: {  	v22 =	vld [tilespmem:$0x14D18]  }
0x46a: {  	v23 =	vld [tilespmem:$0x14D28]  }
0x46b: {  	v24 =	vld [tilespmem:$0x14D38]  }
0x46c: {  	[tilespmem:$0x1FC98] =	vst v20  }
0x46d: {  	[tilespmem:$0x1FCA8] =	vst v21  }
0x46e: {  	[tilespmem:$0x1FCB8] =	vst v22  }
0x46f: {  	[tilespmem:$0x1FCC8] =	vst v23  }
0x470: {  	s23 =	simm.s32 $0x1FC98;
	[tilespmem:$0x1FCD8] =	vst v24  }
0x471: {  	[spmem:s4] =	stream.indirect.scatter.add.f32 [tilespmem:s29], [sflag:$0x6], $0x88, s23, s28, $0xb8;
	[tilespmem:$0x1FCF8] =	vst v63  }
0x472: {  	_ =	swait.ge [sflag:s17], $0x2A80  }
0x473: {  	s25 =	simm.s32 $0x0;
	[sflag:s17] =	ssyncset.done $0x0  }
0x474: {  	v20 =	vor.u32 s25, v1;
	[sflag:s17] =	ssyncadd.s32 $0xFFFFD580  }
0x475: {  	v21 =	vmul.u32 $0x88, v20;
	v20 =	vshll.u32 v20, $0x3;
	_ =	swait.ge [sflag:s17], $0x280  }
0x476: {  	v20 =	vor.u32 v0, v20;
	[sflag:s17] =	ssyncset.done $0x0  }
0x477: {  	v21 =	vadd.s32 v2, v21;
	[sflag:s17] =	ssyncadd.s32 $0xFFFFFD80  }
0x478: {  	_ =	swait.ge [sflag:s18], $0x2A80  }
0x479: {  	[sflag:s18] =	ssyncset.done $0x0  }
0x47a: {  	[sflag:s18] =	ssyncadd.s32 $0xFFFFD580  }
0x47b: {  	v20 =	vld.idx.msk [tilespmem:v20+s11+$0x0], $0xffff  }
0x47c: {  	v22 =	vld.idx.msk [tilespmem:v21+s10+$0x0], $0xffff;
	_ =	sdelay $0x4  }
0x47d: {  	v20 =	vadd.f32 v20, v22;
	_ =	sdelay $0x1  }
0x47e: {  	v22 =	vmul.f32 $2.000000030e-01, v20;
	_ =	sdelay $0x1  }
0x47f: {  	v20 =	vmax.f32 v20, v22  }
0x480: {  	v20 =	vsub.f32 v20, v19;
	_ =	sdelay $0x1  }
0x481: {  	v20 =	vmul.f32 $1.442695020e+00, v20;
	_ =	sdelay $0x1  }
0x482: {  	(erf) = vpow2.f32 v20;
	_ =	sdelay $0x8  }
0x483: {  	v20 =	vpop (erf)  }
0x484: {  	s20 =	simm.s32 $0x14DD0;
	[tilespmem:v21+s24+$0x0] =	vst.idx.msk $0xffff, v20  }
0x485: {  	v21 =	vld [tilespmem:s20+$0xFFFFFF78];
	_ =	sdelay $0x2  }
0x486: {  	v22 =	vperm.xlane v20, v4;
	_ =	sdelay $0x1  }
0x487: {  	v21 =	vmul.f32 v21, v22  }
0x488: {  	s9 =	simm.s32 $0x1A7D0  }
0x489: {  	[tilespmem:s9+$0xFFFFFF78] =	vst v21  }
0x48a: {  	v21 =	vld [tilespmem:s20+$0xFFFFFF88];
	_ =	sdelay $0x2  }
0x48b: {  	v22 =	vperm.xlane v20, v5;
	_ =	sdelay $0x1  }
0x48c: {  	v21 =	vmul.f32 v21, v22;
	_ =	sdelay $0x1  }
0x48d: {  	[tilespmem:s9+$0xFFFFFF88] =	vst v21  }
0x48e: {  	v21 =	vld [tilespmem:s20+$0xFFFFFF98];
	_ =	sdelay $0x2  }
0x48f: {  	v22 =	vperm.xlane v20, v6;
	_ =	sdelay $0x1  }
0x490: {  	v21 =	vmul.f32 v21, v22;
	_ =	sdelay $0x1  }
0x491: {  	[tilespmem:s9+$0xFFFFFF98] =	vst v21  }
0x492: {  	v21 =	vld [tilespmem:s20+$0xFFFFFFA8];
	_ =	sdelay $0x2  }
0x493: {  	v22 =	vperm.xlane v20, v3;
	_ =	sdelay $0x1  }
0x494: {  	v21 =	vmul.f32 v21, v22;
	_ =	sdelay $0x1  }
0x495: {  	[tilespmem:s9+$0xFFFFFFA8] =	vst v21  }
0x496: {  	v21 =	vld [tilespmem:s20+$0xFFFFFFB8];
	_ =	sdelay $0x2  }
0x497: {  	v22 =	vperm.xlane v20, v7;
	_ =	sdelay $0x1  }
0x498: {  	v21 =	vmul.f32 v21, v22;
	_ =	sdelay $0x1  }
0x499: {  	[tilespmem:s9+$0xFFFFFFB8] =	vst v21  }
0x49a: {  	v21 =	vld [tilespmem:s20+$0xFFFFFFC8];
	_ =	sdelay $0x2  }
0x49b: {  	v22 =	vperm.xlane v20, v8;
	_ =	sdelay $0x1  }
0x49c: {  	v21 =	vmul.f32 v21, v22;
	_ =	sdelay $0x1  }
0x49d: {  	[tilespmem:s9+$0xFFFFFFC8] =	vst v21  }
0x49e: {  	v21 =	vld [tilespmem:s20+$0xFFFFFFD8];
	_ =	sdelay $0x2  }
0x49f: {  	v22 =	vperm.xlane v20, v9;
	_ =	sdelay $0x1  }
0x4a0: {  	v21 =	vmul.f32 v21, v22;
	_ =	sdelay $0x1  }
0x4a1: {  	[tilespmem:s9+$0xFFFFFFD8] =	vst v21  }
0x4a2: {  	v21 =	vld [tilespmem:s20+$0xFFFFFFE8];
	_ =	sdelay $0x2  }
0x4a3: {  	v22 =	vperm.xlane v20, v10;
	_ =	sdelay $0x1  }
0x4a4: {  	v21 =	vmul.f32 v21, v22;
	_ =	sdelay $0x1  }
0x4a5: {  	[tilespmem:s9+$0xFFFFFFE8] =	vst v21  }
0x4a6: {  	v21 =	vld [tilespmem:s20+$0x0];
	_ =	sdelay $0x2  }
0x4a7: {  	v22 =	vperm.xlane v20, v11;
	_ =	sdelay $0x1  }
0x4a8: {  	v21 =	vmul.f32 v21, v22;
	_ =	sdelay $0x1  }
0x4a9: {  	[tilespmem:s9+$0x0] =	vst v21  }
0x4aa: {  	v21 =	vld [tilespmem:s20+$0x10];
	_ =	sdelay $0x2  }
0x4ab: {  	v22 =	vperm.xlane v20, v12;
	_ =	sdelay $0x1  }
0x4ac: {  	v21 =	vmul.f32 v21, v22;
	_ =	sdelay $0x1  }
0x4ad: {  	[tilespmem:s9+$0x10] =	vst v21  }
0x4ae: {  	v21 =	vld [tilespmem:s20+$0x20];
	_ =	sdelay $0x2  }
0x4af: {  	v22 =	vperm.xlane v20, v13;
	_ =	sdelay $0x1  }
0x4b0: {  	v21 =	vmul.f32 v21, v22;
	_ =	sdelay $0x1  }
0x4b1: {  	[tilespmem:s9+$0x20] =	vst v21  }
0x4b2: {  	v21 =	vld [tilespmem:s20+$0x30];
	_ =	sdelay $0x2  }
0x4b3: {  	v22 =	vperm.xlane v20, v14;
	_ =	sdelay $0x1  }
0x4b4: {  	v21 =	vmul.f32 v21, v22;
	_ =	sdelay $0x1  }
0x4b5: {  	[tilespmem:s9+$0x30] =	vst v21  }
0x4b6: {  	v21 =	vld [tilespmem:s20+$0x40];
	_ =	sdelay $0x2  }
0x4b7: {  	v22 =	vperm.xlane v20, v15;
	_ =	sdelay $0x1  }
0x4b8: {  	v21 =	vmul.f32 v21, v22;
	_ =	sdelay $0x1  }
0x4b9: {  	[tilespmem:s9+$0x40] =	vst v21  }
0x4ba: {  	v21 =	vld [tilespmem:s20+$0x50];
	_ =	sdelay $0x2  }
0x4bb: {  	v22 =	vperm.xlane v20, v16;
	_ =	sdelay $0x1  }
0x4bc: {  	v21 =	vmul.f32 v21, v22;
	_ =	sdelay $0x1  }
0x4bd: {  	[tilespmem:s9+$0x50] =	vst v21  }
0x4be: {  	v21 =	vld [tilespmem:s20+$0x60];
	_ =	sdelay $0x2  }
0x4bf: {  	v22 =	vperm.xlane v20, v17;
	_ =	sdelay $0x1  }
0x4c0: {  	v21 =	vmul.f32 v21, v22;
	_ =	sdelay $0x1  }
0x4c1: {  	[tilespmem:s9+$0x60] =	vst v21  }
0x4c2: {  	s30 =	simm.s32 $0x2;
	v23 =	vld [tilespmem:s20+$0x70]  }
0x4c3: {  	v21 =	vor.u32 s30, v1  }
0x4c4: {  	v63 =	vmul.u32 $0x88, v21;
	v21 =	vshll.u32 v21, $0x3  }
0x4c5: {  	v20 =	vperm.xlane v20, v18;
	v22 =	vor.u32 v0, v21  }
0x4c6: {  	v21 =	vadd.s32 v2, v63  }
0x4c7: {  	s3 =	simm.s32 $0x4;
	v20 =	vmul.f32 v23, v20  }
.LBB2_12:
0x4c8: {  	s20 =	sadd.s32 $0x110, s20  }
0x4c9: {  	s25 =	smov.u32 s3;
	s23 =	sadd.s32 $0x2, s3;
	[tilespmem:s9+$0x70] =	vst v20;
	s9 =	sadd.s32 $0x110, s9  }
0x4ca: {  	p1 =	sne.s32 s3, $0x4E;
	v20 =	vld.idx.msk [tilespmem:v22+s11+$0x0], $0xffff  }
0x4cb: {  	v22 =	vld.idx.msk [tilespmem:v21+s10+$0x0], $0xffff;
	_ =	sdelay $0x5  }
0x4cc: {  	v20 =	vadd.f32 v20, v22;
	_ =	sdelay $0x1  }
0x4cd: {  	v22 =	vmul.f32 $2.000000030e-01, v20;
	_ =	sdelay $0x1  }
0x4ce: {  	v20 =	vmax.f32 v20, v22  }
0x4cf: {  	v20 =	vsub.f32 v20, v19;
	_ =	sdelay $0x1  }
0x4d0: {  	v20 =	vmul.f32 $1.442695020e+00, v20;
	_ =	sdelay $0x1  }
0x4d1: {  	(erf) = vpow2.f32 v20;
	_ =	sdelay $0x8  }
0x4d2: {  	v20 =	vpop (erf)  }
0x4d3: {  	[tilespmem:v21+s24+$0x0] =	vst.idx.msk $0xffff, v20  }
0x4d4: {  	v21 =	vld [tilespmem:s20+$0xFFFFFF78];
	_ =	sdelay $0x2  }
0x4d5: {  	v22 =	vperm.xlane v20, v4;
	_ =	sdelay $0x1  }
0x4d6: {  	v21 =	vmul.f32 v21, v22;
	_ =	sdelay $0x1  }
0x4d7: {  	[tilespmem:s9+$0xFFFFFF78] =	vst v21  }
0x4d8: {  	v21 =	vld [tilespmem:s20+$0xFFFFFF88];
	_ =	sdelay $0x2  }
0x4d9: {  	v22 =	vperm.xlane v20, v5;
	_ =	sdelay $0x1  }
0x4da: {  	v21 =	vmul.f32 v21, v22;
	_ =	sdelay $0x1  }
0x4db: {  	[tilespmem:s9+$0xFFFFFF88] =	vst v21  }
0x4dc: {  	v21 =	vld [tilespmem:s20+$0xFFFFFF98];
	_ =	sdelay $0x2  }
0x4dd: {  	v22 =	vperm.xlane v20, v6;
	_ =	sdelay $0x1  }
0x4de: {  	v21 =	vmul.f32 v21, v22;
	_ =	sdelay $0x1  }
0x4df: {  	[tilespmem:s9+$0xFFFFFF98] =	vst v21  }
0x4e0: {  	v21 =	vld [tilespmem:s20+$0xFFFFFFA8];
	_ =	sdelay $0x2  }
0x4e1: {  	v22 =	vperm.xlane v20, v3;
	_ =	sdelay $0x1  }
0x4e2: {  	v21 =	vmul.f32 v21, v22;
	_ =	sdelay $0x1  }
0x4e3: {  	[tilespmem:s9+$0xFFFFFFA8] =	vst v21  }
0x4e4: {  	v21 =	vld [tilespmem:s20+$0xFFFFFFB8];
	_ =	sdelay $0x2  }
0x4e5: {  	v22 =	vperm.xlane v20, v7;
	_ =	sdelay $0x1  }
0x4e6: {  	v21 =	vmul.f32 v21, v22;
	_ =	sdelay $0x1  }
0x4e7: {  	[tilespmem:s9+$0xFFFFFFB8] =	vst v21  }
0x4e8: {  	v21 =	vld [tilespmem:s20+$0xFFFFFFC8];
	_ =	sdelay $0x2  }
0x4e9: {  	v22 =	vperm.xlane v20, v8;
	_ =	sdelay $0x1  }
0x4ea: {  	v21 =	vmul.f32 v21, v22;
	_ =	sdelay $0x1  }
0x4eb: {  	[tilespmem:s9+$0xFFFFFFC8] =	vst v21  }
0x4ec: {  	v21 =	vld [tilespmem:s20+$0xFFFFFFD8];
	_ =	sdelay $0x2  }
0x4ed: {  	v22 =	vperm.xlane v20, v9;
	_ =	sdelay $0x1  }
0x4ee: {  	v21 =	vmul.f32 v21, v22;
	_ =	sdelay $0x1  }
0x4ef: {  	[tilespmem:s9+$0xFFFFFFD8] =	vst v21  }
0x4f0: {  	v21 =	vld [tilespmem:s20+$0xFFFFFFE8];
	_ =	sdelay $0x2  }
0x4f1: {  	v22 =	vperm.xlane v20, v10;
	_ =	sdelay $0x1  }
0x4f2: {  	v21 =	vmul.f32 v21, v22;
	_ =	sdelay $0x1  }
0x4f3: {  	[tilespmem:s9+$0xFFFFFFE8] =	vst v21  }
0x4f4: {  	v21 =	vld [tilespmem:s20+$0x0];
	_ =	sdelay $0x2  }
0x4f5: {  	v22 =	vperm.xlane v20, v11;
	_ =	sdelay $0x1  }
0x4f6: {  	v21 =	vmul.f32 v21, v22;
	_ =	sdelay $0x1  }
0x4f7: {  	[tilespmem:s9+$0x0] =	vst v21  }
0x4f8: {  	v21 =	vld [tilespmem:s20+$0x10];
	_ =	sdelay $0x2  }
0x4f9: {  	v22 =	vperm.xlane v20, v12;
	_ =	sdelay $0x1  }
0x4fa: {  	v21 =	vmul.f32 v21, v22;
	_ =	sdelay $0x1  }
0x4fb: {  	[tilespmem:s9+$0x10] =	vst v21  }
0x4fc: {  	v21 =	vld [tilespmem:s20+$0x20];
	_ =	sdelay $0x2  }
0x4fd: {  	v22 =	vperm.xlane v20, v13;
	_ =	sdelay $0x1  }
0x4fe: {  	v21 =	vmul.f32 v21, v22;
	_ =	sdelay $0x1  }
0x4ff: {  	[tilespmem:s9+$0x20] =	vst v21  }
0x500: {  	v21 =	vld [tilespmem:s20+$0x30];
	_ =	sdelay $0x2  }
0x501: {  	v22 =	vperm.xlane v20, v14;
	_ =	sdelay $0x1  }
0x502: {  	v21 =	vmul.f32 v21, v22;
	_ =	sdelay $0x1  }
0x503: {  	[tilespmem:s9+$0x30] =	vst v21  }
0x504: {  	v21 =	vld [tilespmem:s20+$0x40];
	_ =	sdelay $0x2  }
0x505: {  	v22 =	vperm.xlane v20, v15;
	_ =	sdelay $0x1  }
0x506: {  	v21 =	vmul.f32 v21, v22;
	_ =	sdelay $0x1  }
0x507: {  	[tilespmem:s9+$0x40] =	vst v21  }
0x508: {  	v21 =	vld [tilespmem:s20+$0x50];
	_ =	sdelay $0x2  }
0x509: {  	v22 =	vperm.xlane v20, v16;
	_ =	sdelay $0x1  }
0x50a: {  	v21 =	vmul.f32 v21, v22;
	_ =	sdelay $0x1  }
0x50b: {  	[tilespmem:s9+$0x50] =	vst v21  }
0x50c: {  	v21 =	vld [tilespmem:s20+$0x60];
	_ =	sdelay $0x2  }
0x50d: {  	v22 =	vperm.xlane v20, v17;
	_ =	sdelay $0x1  }
0x50e: {  	v21 =	vmul.f32 v21, v22;
	_ =	sdelay $0x1  }
0x50f: {  	[tilespmem:s9+$0x60] =	vst v21  }
0x510: {  	v23 =	vld [tilespmem:s20+$0x70]  }
.Ltmp5:
0x511: {  	v21 =	vor.u32 s25, v1;
	(pc) =	sbr.rel @p1 .LBB2_12-.Ltmp5, $4  }
0x512: {  	v24 =	vmul.u32 $0x88, v21;
	v21 =	vshll.u32 v21, $0x3  }
0x513: {  	v20 =	vperm.xlane v20, v18;
	v22 =	vor.u32 v0, v21  }
0x514: {  	v21 =	vadd.s32 v2, v24  }
0x515: {  	s3 =	smov.u32 s23;
	v20 =	vmul.f32 v23, v20  }
0x516: {  	_ =	sdelay $0x2  }
0x517: {  	[tilespmem:s9+$0x70] =	vst v20  }
0x518: {  	v20 =	vld.idx.msk [tilespmem:v22+s11+$0x0], $0xffff  }
0x519: {  	v46 =	vld.idx.msk [tilespmem:v21+s10+$0x0], $0xffff;
	_ =	sdelay $0x4  }
0x51a: {  	v20 =	vadd.f32 v20, v46;
	_ =	sdelay $0x1  }
0x51b: {  	v22 =	vmul.f32 $2.000000030e-01, v20;
	_ =	sdelay $0x1  }
0x51c: {  	v20 =	vmax.f32 v20, v22  }
0x51d: {  	v19 =	vsub.f32 v20, v19;
	_ =	sdelay $0x1  }
0x51e: {  	v19 =	vmul.f32 $1.442695020e+00, v19;
	_ =	sdelay $0x1  }
0x51f: {  	(erf) = vpow2.f32 v19;
	_ =	sdelay $0x8  }
0x520: {  	v19 =	vpop (erf)  }
0x521: {  	s20 =	sadd.s32 $0x110, s20;
	[tilespmem:v21+s24+$0x0] =	vst.idx.msk $0xffff, v19  }
0x522: {  	v20 =	vld [tilespmem:s20+$0xFFFFFF78];
	_ =	sdelay $0x2  }
0x523: {  	v47 =	vperm.xlane v19, v4;
	_ =	sdelay $0x1  }
0x524: {  	v20 =	vmul.f32 v20, v47  }
0x525: {  	s3 =	sadd.s32 $0x110, s9  }
0x526: {  	[tilespmem:s3+$0xFFFFFF78] =	vst v20  }
0x527: {  	v20 =	vld [tilespmem:s20+$0xFFFFFF88];
	_ =	sdelay $0x2  }
0x528: {  	v48 =	vperm.xlane v19, v5;
	_ =	sdelay $0x1  }
0x529: {  	v20 =	vmul.f32 v20, v48;
	_ =	sdelay $0x1  }
0x52a: {  	[tilespmem:s3+$0xFFFFFF88] =	vst v20  }
0x52b: {  	v20 =	vld [tilespmem:s20+$0xFFFFFF98];
	_ =	sdelay $0x2  }
0x52c: {  	v49 =	vperm.xlane v19, v6;
	_ =	sdelay $0x1  }
0x52d: {  	v20 =	vmul.f32 v20, v49;
	_ =	sdelay $0x1  }
0x52e: {  	[tilespmem:s3+$0xFFFFFF98] =	vst v20  }
0x52f: {  	v20 =	vld [tilespmem:s20+$0xFFFFFFA8];
	_ =	sdelay $0x2  }
0x530: {  	v50 =	vperm.xlane v19, v3;
	_ =	sdelay $0x1  }
0x531: {  	v20 =	vmul.f32 v20, v50;
	_ =	sdelay $0x1  }
0x532: {  	[tilespmem:s3+$0xFFFFFFA8] =	vst v20  }
0x533: {  	v20 =	vld [tilespmem:s20+$0xFFFFFFB8];
	_ =	sdelay $0x2  }
0x534: {  	v51 =	vperm.xlane v19, v7;
	_ =	sdelay $0x1  }
0x535: {  	v20 =	vmul.f32 v20, v51;
	_ =	sdelay $0x1  }
0x536: {  	[tilespmem:s3+$0xFFFFFFB8] =	vst v20  }
0x537: {  	v20 =	vld [tilespmem:s20+$0xFFFFFFC8];
	_ =	sdelay $0x2  }
0x538: {  	v52 =	vperm.xlane v19, v8;
	_ =	sdelay $0x1  }
0x539: {  	v20 =	vmul.f32 v20, v52;
	_ =	sdelay $0x1  }
0x53a: {  	[tilespmem:s3+$0xFFFFFFC8] =	vst v20  }
0x53b: {  	v20 =	vld [tilespmem:s20+$0xFFFFFFD8];
	_ =	sdelay $0x2  }
0x53c: {  	v53 =	vperm.xlane v19, v9;
	_ =	sdelay $0x1  }
0x53d: {  	v20 =	vmul.f32 v20, v53;
	_ =	sdelay $0x1  }
0x53e: {  	[tilespmem:s3+$0xFFFFFFD8] =	vst v20  }
0x53f: {  	v20 =	vld [tilespmem:s20+$0xFFFFFFE8];
	_ =	sdelay $0x2  }
0x540: {  	v54 =	vperm.xlane v19, v10;
	_ =	sdelay $0x1  }
0x541: {  	v20 =	vmul.f32 v20, v54;
	_ =	sdelay $0x1  }
0x542: {  	[tilespmem:s3+$0xFFFFFFE8] =	vst v20  }
0x543: {  	v20 =	vld [tilespmem:s20+$0x0];
	_ =	sdelay $0x2  }
0x544: {  	v55 =	vperm.xlane v19, v11;
	_ =	sdelay $0x1  }
0x545: {  	v20 =	vmul.f32 v20, v55;
	_ =	sdelay $0x1  }
0x546: {  	[tilespmem:s3+$0x0] =	vst v20  }
0x547: {  	v20 =	vld [tilespmem:s20+$0x10];
	_ =	sdelay $0x2  }
0x548: {  	v56 =	vperm.xlane v19, v12;
	_ =	sdelay $0x1  }
0x549: {  	v20 =	vmul.f32 v20, v56;
	_ =	sdelay $0x1  }
0x54a: {  	[tilespmem:s3+$0x10] =	vst v20  }
0x54b: {  	v20 =	vld [tilespmem:s20+$0x20];
	_ =	sdelay $0x2  }
0x54c: {  	v57 =	vperm.xlane v19, v13;
	_ =	sdelay $0x1  }
0x54d: {  	v20 =	vmul.f32 v20, v57;
	_ =	sdelay $0x1  }
0x54e: {  	[tilespmem:s3+$0x20] =	vst v20  }
0x54f: {  	v20 =	vld [tilespmem:s20+$0x30];
	_ =	sdelay $0x2  }
0x550: {  	v58 =	vperm.xlane v19, v14;
	_ =	sdelay $0x1  }
0x551: {  	v20 =	vmul.f32 v20, v58;
	_ =	sdelay $0x1  }
0x552: {  	[tilespmem:s3+$0x30] =	vst v20  }
0x553: {  	v20 =	vld [tilespmem:s20+$0x40];
	_ =	sdelay $0x2  }
0x554: {  	v59 =	vperm.xlane v19, v15;
	_ =	sdelay $0x1  }
0x555: {  	v20 =	vmul.f32 v20, v59;
	_ =	sdelay $0x1  }
0x556: {  	[tilespmem:s3+$0x40] =	vst v20  }
0x557: {  	v20 =	vld [tilespmem:s20+$0x50];
	_ =	sdelay $0x2  }
0x558: {  	v60 =	vperm.xlane v19, v16;
	_ =	sdelay $0x1  }
0x559: {  	v20 =	vmul.f32 v20, v60;
	_ =	sdelay $0x1  }
0x55a: {  	[tilespmem:s3+$0x50] =	vst v20  }
0x55b: {  	v20 =	vld [tilespmem:s20+$0x60];
	_ =	sdelay $0x2  }
0x55c: {  	v61 =	vperm.xlane v19, v17;
	_ =	sdelay $0x1  }
0x55d: {  	v20 =	vmul.f32 v20, v61;
	_ =	sdelay $0x1  }
0x55e: {  	[tilespmem:s3+$0x60] =	vst v20  }
0x55f: {  	v20 =	vld [tilespmem:s20+$0x70];
	_ =	sdelay $0x2  }
0x560: {  	v19 =	vperm.xlane v19, v18;
	_ =	sdelay $0x1  }
0x561: {  	v19 =	vmul.f32 v20, v19;
	_ =	sdelay $0x1  }
0x562: {  	[tilespmem:s3+$0x70] =	vst v19  }
0x563: {  	v19 =	vld [tilespmem:$0x14CA8]  }
0x564: {  	v20 =	vld [tilespmem:$0x14CB8]  }
0x565: {  	v62 =	vld [tilespmem:$0x14CC8]  }
0x566: {  	v63 =	vld [tilespmem:$0x14CD8]  }
0x567: {  	v23 =	vld [tilespmem:$0x14CE8]  }
0x568: {  	[tilespmem:$0x1FC48] =	vst v19  }
0x569: {  	[tilespmem:$0x1FC58] =	vst v20  }
0x56a: {  	[tilespmem:$0x1FC68] =	vst v62  }
0x56b: {  	[tilespmem:$0x1FC78] =	vst v63  }
0x56c: {  	[tilespmem:$0x1FC88] =	vst v23  }
0x56d: {  	[spmem:s4] =	stream.indirect.scatter.add.f32 [tilespmem:s24], [sflag:$0x5], $0x88, s26, s28, $0xb8;
	[tilespmem:$0x1FCF8] =	vst v63  }
0x56e: {  	_ =	swait.ge [sflag:s18], $0x2A80  }
0x56f: {  	[sflag:s18] =	ssyncset.done $0x0  }
0x570: {  	[sflag:s18] =	ssyncadd.s32 $0xFFFFD580  }
0x571: {  	_ =	swait.ge [sflag:s21], $0x2A80  }
0x572: {  	[sflag:s21] =	ssyncset.done $0x0  }
0x573: {  	[sflag:s21] =	ssyncadd.s32 $0xFFFFD580  }
0x574: {  	[bflag:$0x0] =	sbarrier.arrive $0xFFFF  }
0x575: {  	s3 =	rddreg [dreg:$0xf]  }
0x576: {  	s20 =	rddreg [dreg:$0x11]  }
0x577: {  	s9 =	rddreg [dreg:$0x13]  }
0x578: {  	[hbm:s3], [sflag:s20] =	dma.local @!p0 [spmem:s9], $0x4268  }
0x579: {  	s3 =	simm.s32 @!p0 $0x7  }
0x57a: {  	_ =	swait.ge @!p0 [sflag:s3], $0x4268  }
0x57b: {  	s15 =	sadd.s32 $0x1, s15;
	s30 =	rddreg [dreg:$0x10]  }
0x57c: {  	p1 =	sne.s32 s15, s30  }
.Ltmp6:
0x57d: {  	_ = 	snop;
	(pc) =	sbr.rel @p1 .LBB2_1-.Ltmp6, $3  }
0x57e: {  	_ =	sdelay $0x1  }
0x57f: {  	[sflag:s3] =	ssyncset.done @!p0 $0x0  }
0x580: {  	[sflag:s3] =	ssyncadd.s32 @!p0 $0xFFFFBD98  }
0x581: {  	_ =	sfence.sel $0x180000  }
0x582: {  	[bflag:$0x0] =	sbarrier.arrive $0xFFFF  }
0x583: {  	_ =	strace $0x90000047  }
0x584: {  	s0 =	stileid.u32;
	[bflag:$0x2] =	sbarrier.arrive $0xFFFF  }
0x585: {  	p0 =	sne.s32 s0, $0x0;
	s0 =	rddreg [dreg:$0x6]  }
0x586: {  	s0 =	sadd.s32 @!p0 $0x100000, s0  }
0x587: {  	[sflag:s0] =	ssyncadd.tile.s32 @!p0 $0x1;
	_ =	shalt  }
.Lfunc_end2:
_tile_overlayer_lowered:
.L_overlay_start_2:
0x588: {  	(tag) =	ssettag $0x2  }
0x589: {  	s0 =	rddreg [dreg:$0x0];
	s2 =	stileid.u32  }
0x58a: {  	s1 =	rddreg [dreg:$0x1];
	p0 =	sne.s32 s2, $0x0  }
0x58b: {  	s3 =	rddreg [dreg:$0x2];
	[bflag:$0x3] =	sbarrier.arrive $0xFFFF;
	s2 =	simm.s32 @!p0 $0x1C07  }
0x58c: {  	[timem:s3], [sflag:s2] =	dma.local @!p0 [hbm:s0], s1  }
0x58d: {  	s0 =	simm.s32 @!p0 $0x7  }
0x58e: {  	_ =	swait.ge @!p0 [sflag:s0], s1  }
0x58f: {  	s1 =	ssub.s32 @!p0 $0x0, s1;
	[sflag:s0] =	ssyncset.done @!p0 $0x0  }
0x590: {  	[sflag:s0] =	ssyncadd.s32 @!p0 s1  }
0x591: {  	[bflag:$0x3] =	sbarrier.arrive $0xFFFF  }
0x592: {  	_ =	shalt  }

</sc_bundles>
